<compile_context>
chip_gen: v7x
topology: tpu7x:2x2x1
jax: 0.10.2.dev20260603
libtpu: 0.0.44.dev20260713+nightly
codegen_flags: <defaults>
</compile_context>

<pallas_src>
import functools

import jax
import jax.numpy as jnp
from jax import lax
from jax.experimental import pallas as pl
from jax.experimental.pallas import tpu as pltpu
from jax.experimental.pallas import tpu_sc as plsc

VOCAB_N = 1000000
HID = 64
BATCH_N = 4096
SEQ_N = 200

_PAIR = 2
_BP = BATCH_N // _PAIR
_HP = _PAIR * HID
_GP = 4 * _HP

_NC = 2
_NS = 16
_NW = _NC * _NS

_NCHK = 8
_SC_N = SEQ_N // _NCHK
_ROWS = _SC_N * BATCH_N
_PER_W = _ROWS // _NW
_CH = 800


def _sc_gather_body(idx_hbm, emb_hbm, out_hbm, idx_v, rows_v, sem):
    wid = lax.axis_index("s") * _NC + lax.axis_index("c")
    base = wid * _PER_W

    def chunk(j, carry):
        off = base + j * _CH
        pltpu.sync_copy(idx_hbm.at[pl.ds(off, _CH)], idx_v)
        pltpu.async_copy(emb_hbm.at[idx_v], rows_v, sem).wait()
        pltpu.sync_copy(rows_v, out_hbm.at[pl.ds(off, _CH)])
        return carry

    lax.fori_loop(0, _PER_W // _CH, chunk, 0)


@functools.cache
def _sc_gather():
    return functools.partial(
        pl.kernel,
        mesh=plsc.VectorSubcoreMesh(core_axis_name="c", subcore_axis_name="s"),
        compiler_params=pltpu.CompilerParams(use_tc_tiling_on_sc=False),
        out_type=jax.ShapeDtypeStruct((_ROWS, HID), jnp.float32),
        scratch_types=[
            pltpu.VMEM((_CH,), jnp.int32),
            pltpu.VMEM((_CH, HID), jnp.float32),
            pltpu.SemaphoreType.DMA,
        ],
    )(_sc_gather_body)


def _lstm_body(e_ref, wu_ref, b_ref, h0_ref, c0_ref, h_out, c_out,
               h_s, c_s):
    t = pl.program_id(0)

    @pl.when(t == 0)
    def _init():
        h_s[...] = h0_ref[...]
        c_s[...] = c0_ref[...]

    xt = e_ref[...].astype(jnp.bfloat16)
    h = h_s[...]
    c = c_s[...]
    xh = jnp.concatenate([xt, h.astype(jnp.bfloat16)], axis=1)
    z = (jnp.dot(xh, wu_ref[...], preferred_element_type=jnp.float32)
         + b_ref[...])
    def _sig(v):
        return 0.5 * jnp.tanh(0.5 * v) + 0.5

    gi = _sig(z[:, :_HP])
    gf = _sig(z[:, _HP:2 * _HP])
    gg = jnp.tanh(z[:, 2 * _HP:3 * _HP])
    go = _sig(z[:, 3 * _HP:])
    c_new = gf * c + gi * gg
    h_new = go * jnp.tanh(c_new)
    h_s[...] = h_new
    c_s[...] = c_new

    @pl.when(t == _SC_N - 1)
    def _fin():
        h_out[...] = h_new
        c_out[...] = c_new


_lstm_call = pl.pallas_call(
    _lstm_body,
    grid=(_SC_N,),
    in_specs=[
        pl.BlockSpec((_BP, _HP), lambda t: (t, 0)),
        pl.BlockSpec((2 * _HP, _GP), lambda t: (0, 0)),
        pl.BlockSpec((1, _GP), lambda t: (0, 0)),
        pl.BlockSpec((_BP, _HP), lambda t: (0, 0)),
        pl.BlockSpec((_BP, _HP), lambda t: (0, 0)),
    ],
    out_specs=[
        pl.BlockSpec((_BP, _HP), lambda t: (0, 0)),
        pl.BlockSpec((_BP, _HP), lambda t: (0, 0)),
    ],
    out_shape=[
        jax.ShapeDtypeStruct((_BP, _HP), jnp.float32),
        jax.ShapeDtypeStruct((_BP, _HP), jnp.float32),
    ],
    scratch_shapes=[
        pltpu.VMEM((_BP, _HP), jnp.float32),
        pltpu.VMEM((_BP, _HP), jnp.float32),
    ],
)


def _pair_weights(W):
    eye = jnp.eye(_PAIR, dtype=W.dtype)
    return jnp.concatenate(
        [jnp.kron(eye, W[:, k * HID:(k + 1) * HID]) for k in range(4)], axis=1)


def kernel(x, emb, W, U, b):
    idx = jnp.swapaxes(x, 0, 1).reshape(_NCHK, _ROWS)
    wu = jnp.concatenate(
        [_pair_weights(W), _pair_weights(U)], axis=0).astype(jnp.bfloat16)
    b2 = jnp.concatenate(
        [jnp.tile(b[k * HID:(k + 1) * HID], _PAIR) for k in range(4)])
    b2 = b2.reshape(1, _GP)
    gather = _sc_gather()
    h2 = jnp.zeros((_BP, _HP), jnp.float32)
    c2 = jnp.zeros((_BP, _HP), jnp.float32)
    es = [gather(idx[k], emb) for k in range(_NCHK)]
    for k in range(_NCHK):
        e2 = es[k].reshape(_SC_N * _BP, _HP)
        h2, c2 = _lstm_call(e2, wu, b2, h2, c2)
    h = h2.reshape(BATCH_N, HID)
    c = c2.reshape(BATCH_N, HID)
    return (h, h, c)

# --- scband reference (transcript-rebuilt; emitter-appended) ---
"""Pipeline reference for scband-encoder-71846212927746 (READ-ONLY COPY).

The authoritative reference and input builder live on the scoring server;
editing this copy changes nothing except your own understanding.
"""

import jax, jax.numpy as jnp
import numpy as np

VOCAB = 1000000
HIDDEN = 64
BATCH = 4096
SEQ = 200


def setup_inputs(seed: int = 0) -> dict:
    key = jax.random.key(seed)
    k1, k2, k3, k4 = jax.random.split(key, 4)
    x = jax.random.randint(k1, (BATCH, SEQ), 0, VOCAB)
    emb = jax.random.normal(k2, (VOCAB, HIDDEN), dtype=jnp.float32) * 0.05
    # Keras LSTM kernel layout: gates concatenated as [i, f, c(g), o]
    W = jax.random.normal(k3, (HIDDEN, 4 * HIDDEN), dtype=jnp.float32) * 0.05
    U = jax.random.normal(k4, (HIDDEN, 4 * HIDDEN), dtype=jnp.float32) * 0.05
    b = jnp.zeros((4 * HIDDEN,), dtype=jnp.float32)
    return {"x": x, "emb": emb, "W": W, "U": U, "b": b}


def reference(x, emb, W, U, b):
    # 1) embedding lookup (SparseCore-style gather)
    e = jnp.take(emb, x, axis=0)  # [B, S, H]

    # 2) LSTM (Keras semantics: sigmoid recurrent activation, tanh activation,
    #    gate order i, f, g, o; return_state=True, return_sequences=False)
    def step(carry, xt):
        h, c = carry
        z = xt @ W + h @ U + b
        i = jax.nn.sigmoid(z[:, :HIDDEN])
        f = jax.nn.sigmoid(z[:, HIDDEN:2 * HIDDEN])
        g = jnp.tanh(z[:, 2 * HIDDEN:3 * HIDDEN])
        o = jax.nn.sigmoid(z[:, 3 * HIDDEN:])
        c_new = f * c + i * g
        h_new = o * jnp.tanh(c_new)
        return (h_new, c_new), None

    h0 = jnp.zeros((e.shape[0], HIDDEN), dtype=jnp.float32)
    c0 = jnp.zeros((e.shape[0], HIDDEN), dtype=jnp.float32)
    (h, c), _ = jax.lax.scan(step, (h0, c0), jnp.swapaxes(e, 0, 1))
    # Keras LSTM(return_state=True, return_sequences=False) -> [output, h, c]
    # where output == h (final hidden state)
    return (h, h, c)

if __name__ == "__main__":
    import jax
    _d = setup_inputs()
    print(jax.jit(kernel)(*tuple(_d.values())))

</pallas_src>

<mosaic_0001>
#map = affine_map<(d0, d1) -> (0)>
#map1 = affine_map<(d0, d1) -> (0, 0)>
module attributes {stable_mosaic.version = 14 : i64} {
  func.func @_sc_gather_body(%arg0: i32, %arg1: i32, %arg2: memref<102400xi32, #tpu.memory_space<hbm>>, %arg3: memref<1000000x64xf32, #tpu.memory_space<hbm>>, %arg4: memref<102400x64xf32, #tpu.memory_space<hbm>>, %arg5: memref<800xi32, #tpu.memory_space<vmem>>, %arg6: memref<800x64xf32, #tpu.memory_space<vmem>>, %arg7: memref<!tpu.dma_semaphore, #tpu.memory_space<semaphore_mem>>) attributes {dimension_semantics = [#tpu.dimension_semantics<core_parallel>, #tpu.dimension_semantics<subcore_parallel>], iteration_bounds = array<i64: 2, 16>, scalar_prefetch = 0 : i64, scratch_operands = 3 : i64, tpu.core_type = #tpu.core_type<sc_vector_subcore>, window_params = [{transform_indices = #map}, {transform_indices = #map1}, {transform_indices = #map1}]} {
    %mul3A = arith.constant 2 : i32
    %mul3A_0 = arith.muli %arg1, %mul3A : i32
    %add3A = arith.addi %mul3A_0, %arg0 : i32
    %mul3A_1 = arith.constant 3200 : i32
    %mul3A_2 = arith.muli %add3A, %mul3A_1 : i32
    %scan3A = arith.constant 0 : i32
    %scan3A_3 = arith.constant 0 : i32
    %scan3A_4 = arith.constant 4 : i32
    %scan3A_5 = arith.addi %scan3A_3, %scan3A_4 : i32
    %scan3A_6 = arith.constant 1 : i32
    scf.for %scan3A_8 = %scan3A_3 to %scan3A_5 step %scan3A_6  : i32 {
      %mul3A_9 = arith.constant 800 : i32
      %mul3A_10 = arith.muli %scan3A_8, %mul3A_9 : i32
      %add3A_11 = arith.addi %mul3A_2, %mul3A_10 : i32
      "tpu.region"() ({
        %run_scoped3A = tpu.sem_alloc : memref<!tpu.dma_semaphore, #tpu.memory_space<semaphore_mem>>
        %dma_start3A_16 = tpu.memref_slice %arg2[%add3A_11] : memref<102400xi32, #tpu.memory_space<hbm>> -> memref<800xi32, #tpu.memory_space<hbm>>
        %dma_start3A_17 = tpu.memref_slice %arg2[%add3A_11] : memref<102400xi32, #tpu.memory_space<hbm>> -> memref<800xi32, #tpu.memory_space<hbm>>
        tpu.enqueue_dma source(%dma_start3A_17 : memref<800xi32, #tpu.memory_space<hbm>>) target(%arg5 : memref<800xi32, #tpu.memory_space<vmem>>) target_semaphore(%run_scoped3A : memref<!tpu.dma_semaphore, #tpu.memory_space<semaphore_mem>>)
        %dma_wait3A_18 = tpu.memref_slice %arg2[%add3A_11] : memref<102400xi32, #tpu.memory_space<hbm>> -> memref<800xi32, #tpu.memory_space<hbm>>
        %dma_wait3A_19 = tpu.memref_slice %arg2[%add3A_11] : memref<102400xi32, #tpu.memory_space<hbm>> -> memref<800xi32, #tpu.memory_space<hbm>>
        tpu.wait_dma2 semaphore(%run_scoped3A : memref<!tpu.dma_semaphore, #tpu.memory_space<semaphore_mem>>) src(%dma_wait3A_19 : memref<800xi32, #tpu.memory_space<hbm>>) dst(%arg5 : memref<800xi32, #tpu.memory_space<vmem>>)
        tpu.yield
      }) : () -> ()
      %dma_start3A = arith.constant 0 : i32
      %dma_start3A_12 = arith.constant 0 : i32
      %dma_start3A_13 = tpu.memref_slice %arg3[%dma_start3A, %dma_start3A_12] : memref<1000000x64xf32, #tpu.memory_space<hbm>> -> memref<1000000x64xf32, #tpu.memory_space<hbm>>
      tpu.enqueue_indirect_dma source(%dma_start3A_13 : memref<1000000x64xf32, #tpu.memory_space<hbm>>) target(%arg6 : memref<800x64xf32, #tpu.memory_space<vmem>>) offsets(%arg5 : memref<800xi32, #tpu.memory_space<vmem>>) semaphore(%arg7 : memref<!tpu.dma_semaphore, #tpu.memory_space<semaphore_mem>>)
      %dma_wait3A = arith.constant 0 : i32
      %dma_wait3A_14 = arith.constant 0 : i32
      %dma_wait3A_15 = tpu.memref_slice %arg3[%dma_wait3A, %dma_wait3A_14] : memref<1000000x64xf32, #tpu.memory_space<hbm>> -> memref<1000000x64xf32, #tpu.memory_space<hbm>>
      tpu.wait_indirect_dma semaphore(%arg7 : memref<!tpu.dma_semaphore, #tpu.memory_space<semaphore_mem>>) src(%dma_wait3A_15 : memref<1000000x64xf32, #tpu.memory_space<hbm>>) dst(%arg6 : memref<800x64xf32, #tpu.memory_space<vmem>>)
      "tpu.region"() ({
        %run_scoped3A = tpu.sem_alloc : memref<!tpu.dma_semaphore, #tpu.memory_space<semaphore_mem>>
        %dma_start3A_16 = arith.constant 0 : i32
        %dma_start3A_17 = tpu.memref_slice %arg4[%add3A_11, %dma_start3A_16] : memref<102400x64xf32, #tpu.memory_space<hbm>> -> memref<800x64xf32, #tpu.memory_space<hbm>>
        %dma_start3A_18 = arith.constant 0 : i32
        %dma_start3A_19 = tpu.memref_slice %arg4[%add3A_11, %dma_start3A_18] : memref<102400x64xf32, #tpu.memory_space<hbm>> -> memref<800x64xf32, #tpu.memory_space<hbm>>
        tpu.enqueue_dma source(%arg6 : memref<800x64xf32, #tpu.memory_space<vmem>>) target(%dma_start3A_19 : memref<800x64xf32, #tpu.memory_space<hbm>>) target_semaphore(%run_scoped3A : memref<!tpu.dma_semaphore, #tpu.memory_space<semaphore_mem>>)
        %dma_wait3A_20 = arith.constant 0 : i32
        %dma_wait3A_21 = tpu.memref_slice %arg4[%add3A_11, %dma_wait3A_20] : memref<102400x64xf32, #tpu.memory_space<hbm>> -> memref<800x64xf32, #tpu.memory_space<hbm>>
        %dma_wait3A_22 = arith.constant 0 : i32
        %dma_wait3A_23 = tpu.memref_slice %arg4[%add3A_11, %dma_wait3A_22] : memref<102400x64xf32, #tpu.memory_space<hbm>> -> memref<800x64xf32, #tpu.memory_space<hbm>>
        tpu.wait_dma2 semaphore(%run_scoped3A : memref<!tpu.dma_semaphore, #tpu.memory_space<semaphore_mem>>) src(%arg6 : memref<800x64xf32, #tpu.memory_space<vmem>>) dst(%dma_wait3A_23 : memref<800x64xf32, #tpu.memory_space<hbm>>)
        tpu.yield
      }) : () -> ()
    }
    %scan3A_7 = arith.constant 4 : i32
    return
  }
}

#map = affine_map<(d0, d1) -> (0)>
#map1 = affine_map<(d0, d1) -> (0, 0)>
module attributes {stable_mosaic.version = 14 : i64} {
  func.func @_sc_gather_body(%arg0: i32, %arg1: i32, %arg2: memref<102400xi32, #tpu.memory_space<hbm>>, %arg3: memref<1000000x64xf32, #tpu.memory_space<hbm>>, %arg4: memref<102400x64xf32, #tpu.memory_space<hbm>>, %arg5: memref<800xi32, #tpu.memory_space<vmem>>, %arg6: memref<800x64xf32, #tpu.memory_space<vmem>>, %arg7: memref<!tpu.dma_semaphore, #tpu.memory_space<semaphore_mem>>) attributes {dimension_semantics = [#tpu.dimension_semantics<core_parallel>, #tpu.dimension_semantics<subcore_parallel>], iteration_bounds = array<i64: 2, 16>, scalar_prefetch = 0 : i64, scratch_operands = 3 : i64, tpu.core_type = #tpu.core_type<sc_vector_subcore>, window_params = [{transform_indices = #map}, {transform_indices = #map1}, {transform_indices = #map1}]} {
    %mul3A = arith.constant 2 : i32
    %mul3A_0 = arith.muli %arg1, %mul3A : i32
    %add3A = arith.addi %mul3A_0, %arg0 : i32
    %mul3A_1 = arith.constant 3200 : i32
    %mul3A_2 = arith.muli %add3A, %mul3A_1 : i32
    %scan3A = arith.constant 0 : i32
    %scan3A_3 = arith.constant 0 : i32
    %scan3A_4 = arith.constant 4 : i32
    %scan3A_5 = arith.addi %scan3A_3, %scan3A_4 : i32
    %scan3A_6 = arith.constant 1 : i32
    scf.for %scan3A_8 = %scan3A_3 to %scan3A_5 step %scan3A_6  : i32 {
      %mul3A_9 = arith.constant 800 : i32
      %mul3A_10 = arith.muli %scan3A_8, %mul3A_9 : i32
      %add3A_11 = arith.addi %mul3A_2, %mul3A_10 : i32
      "tpu.region"() ({
        %run_scoped3A = tpu.sem_alloc : memref<!tpu.dma_semaphore, #tpu.memory_space<semaphore_mem>>
        %dma_start3A_16 = tpu.memref_slice %arg2[%add3A_11] : memref<102400xi32, #tpu.memory_space<hbm>> -> memref<800xi32, #tpu.memory_space<hbm>>
        %dma_start3A_17 = tpu.memref_slice %arg2[%add3A_11] : memref<102400xi32, #tpu.memory_space<hbm>> -> memref<800xi32, #tpu.memory_space<hbm>>
        tpu.enqueue_dma source(%dma_start3A_17 : memref<800xi32, #tpu.memory_space<hbm>>) target(%arg5 : memref<800xi32, #tpu.memory_space<vmem>>) target_semaphore(%run_scoped3A : memref<!tpu.dma_semaphore, #tpu.memory_space<semaphore_mem>>)
        %dma_wait3A_18 = tpu.memref_slice %arg2[%add3A_11] : memref<102400xi32, #tpu.memory_space<hbm>> -> memref<800xi32, #tpu.memory_space<hbm>>
        %dma_wait3A_19 = tpu.memref_slice %arg2[%add3A_11] : memref<102400xi32, #tpu.memory_space<hbm>> -> memref<800xi32, #tpu.memory_space<hbm>>
        tpu.wait_dma2 semaphore(%run_scoped3A : memref<!tpu.dma_semaphore, #tpu.memory_space<semaphore_mem>>) src(%dma_wait3A_19 : memref<800xi32, #tpu.memory_space<hbm>>) dst(%arg5 : memref<800xi32, #tpu.memory_space<vmem>>)
        tpu.yield
      }) : () -> ()
      %dma_start3A = arith.constant 0 : i32
      %dma_start3A_12 = arith.constant 0 : i32
      %dma_start3A_13 = tpu.memref_slice %arg3[%dma_start3A, %dma_start3A_12] : memref<1000000x64xf32, #tpu.memory_space<hbm>> -> memref<1000000x64xf32, #tpu.memory_space<hbm>>
      tpu.enqueue_indirect_dma source(%dma_start3A_13 : memref<1000000x64xf32, #tpu.memory_space<hbm>>) target(%arg6 : memref<800x64xf32, #tpu.memory_space<vmem>>) offsets(%arg5 : memref<800xi32, #tpu.memory_space<vmem>>) semaphore(%arg7 : memref<!tpu.dma_semaphore, #tpu.memory_space<semaphore_mem>>)
      %dma_wait3A = arith.constant 0 : i32
      %dma_wait3A_14 = arith.constant 0 : i32
      %dma_wait3A_15 = tpu.memref_slice %arg3[%dma_wait3A, %dma_wait3A_14] : memref<1000000x64xf32, #tpu.memory_space<hbm>> -> memref<1000000x64xf32, #tpu.memory_space<hbm>>
      tpu.wait_indirect_dma semaphore(%arg7 : memref<!tpu.dma_semaphore, #tpu.memory_space<semaphore_mem>>) src(%dma_wait3A_15 : memref<1000000x64xf32, #tpu.memory_space<hbm>>) dst(%arg6 : memref<800x64xf32, #tpu.memory_space<vmem>>)
      "tpu.region"() ({
        %run_scoped3A = tpu.sem_alloc : memref<!tpu.dma_semaphore, #tpu.memory_space<semaphore_mem>>
        %dma_start3A_16 = arith.constant 0 : i32
        %dma_start3A_17 = tpu.memref_slice %arg4[%add3A_11, %dma_start3A_16] : memref<102400x64xf32, #tpu.memory_space<hbm>> -> memref<800x64xf32, #tpu.memory_space<hbm>>
        %dma_start3A_18 = arith.constant 0 : i32
        %dma_start3A_19 = tpu.memref_slice %arg4[%add3A_11, %dma_start3A_18] : memref<102400x64xf32, #tpu.memory_space<hbm>> -> memref<800x64xf32, #tpu.memory_space<hbm>>
        tpu.enqueue_dma source(%arg6 : memref<800x64xf32, #tpu.memory_space<vmem>>) target(%dma_start3A_19 : memref<800x64xf32, #tpu.memory_space<hbm>>) target_semaphore(%run_scoped3A : memref<!tpu.dma_semaphore, #tpu.memory_space<semaphore_mem>>)
        %dma_wait3A_20 = arith.constant 0 : i32
        %dma_wait3A_21 = tpu.memref_slice %arg4[%add3A_11, %dma_wait3A_20] : memref<102400x64xf32, #tpu.memory_space<hbm>> -> memref<800x64xf32, #tpu.memory_space<hbm>>
        %dma_wait3A_22 = arith.constant 0 : i32
        %dma_wait3A_23 = tpu.memref_slice %arg4[%add3A_11, %dma_wait3A_22] : memref<102400x64xf32, #tpu.memory_space<hbm>> -> memref<800x64xf32, #tpu.memory_space<hbm>>
        tpu.wait_dma2 semaphore(%run_scoped3A : memref<!tpu.dma_semaphore, #tpu.memory_space<semaphore_mem>>) src(%arg6 : memref<800x64xf32, #tpu.memory_space<vmem>>) dst(%dma_wait3A_23 : memref<800x64xf32, #tpu.memory_space<hbm>>)
        tpu.yield
      }) : () -> ()
    }
    %scan3A_7 = arith.constant 4 : i32
    return
  }
}

#map = affine_map<(d0, d1) -> (0)>
#map1 = affine_map<(d0, d1) -> (0, 0)>
module attributes {stable_mosaic.version = 14 : i64} {
  func.func @_sc_gather_body(%arg0: i32, %arg1: i32, %arg2: memref<102400xi32, #tpu.memory_space<hbm>>, %arg3: memref<1000000x64xf32, #tpu.memory_space<hbm>>, %arg4: memref<102400x64xf32, #tpu.memory_space<hbm>>, %arg5: memref<800xi32, #tpu.memory_space<vmem>>, %arg6: memref<800x64xf32, #tpu.memory_space<vmem>>, %arg7: memref<!tpu.dma_semaphore, #tpu.memory_space<semaphore_mem>>) attributes {dimension_semantics = [#tpu.dimension_semantics<core_parallel>, #tpu.dimension_semantics<subcore_parallel>], iteration_bounds = array<i64: 2, 16>, scalar_prefetch = 0 : i64, scratch_operands = 3 : i64, tpu.core_type = #tpu.core_type<sc_vector_subcore>, window_params = [{transform_indices = #map}, {transform_indices = #map1}, {transform_indices = #map1}]} {
    %mul3A = arith.constant 2 : i32
    %mul3A_0 = arith.muli %arg1, %mul3A : i32
    %add3A = arith.addi %mul3A_0, %arg0 : i32
    %mul3A_1 = arith.constant 3200 : i32
    %mul3A_2 = arith.muli %add3A, %mul3A_1 : i32
    %scan3A = arith.constant 0 : i32
    %scan3A_3 = arith.constant 0 : i32
    %scan3A_4 = arith.constant 4 : i32
    %scan3A_5 = arith.addi %scan3A_3, %scan3A_4 : i32
    %scan3A_6 = arith.constant 1 : i32
    scf.for %scan3A_8 = %scan3A_3 to %scan3A_5 step %scan3A_6  : i32 {
      %mul3A_9 = arith.constant 800 : i32
      %mul3A_10 = arith.muli %scan3A_8, %mul3A_9 : i32
      %add3A_11 = arith.addi %mul3A_2, %mul3A_10 : i32
      "tpu.region"() ({
        %run_scoped3A = tpu.sem_alloc : memref<!tpu.dma_semaphore, #tpu.memory_space<semaphore_mem>>
        %dma_start3A_16 = tpu.memref_slice %arg2[%add3A_11] : memref<102400xi32, #tpu.memory_space<hbm>> -> memref<800xi32, #tpu.memory_space<hbm>>
        %dma_start3A_17 = tpu.memref_slice %arg2[%add3A_11] : memref<102400xi32, #tpu.memory_space<hbm>> -> memref<800xi32, #tpu.memory_space<hbm>>
        tpu.enqueue_dma source(%dma_start3A_17 : memref<800xi32, #tpu.memory_space<hbm>>) target(%arg5 : memref<800xi32, #tpu.memory_space<vmem>>) target_semaphore(%run_scoped3A : memref<!tpu.dma_semaphore, #tpu.memory_space<semaphore_mem>>)
        %dma_wait3A_18 = tpu.memref_slice %arg2[%add3A_11] : memref<102400xi32, #tpu.memory_space<hbm>> -> memref<800xi32, #tpu.memory_space<hbm>>
        %dma_wait3A_19 = tpu.memref_slice %arg2[%add3A_11] : memref<102400xi32, #tpu.memory_space<hbm>> -> memref<800xi32, #tpu.memory_space<hbm>>
        tpu.wait_dma2 semaphore(%run_scoped3A : memref<!tpu.dma_semaphore, #tpu.memory_space<semaphore_mem>>) src(%dma_wait3A_19 : memref<800xi32, #tpu.memory_space<hbm>>) dst(%arg5 : memref<800xi32, #tpu.memory_space<vmem>>)
        tpu.yield
      }) : () -> ()
      %dma_start3A = arith.constant 0 : i32
      %dma_start3A_12 = arith.constant 0 : i32
      %dma_start3A_13 = tpu.memref_slice %arg3[%dma_start3A, %dma_start3A_12] : memref<1000000x64xf32, #tpu.memory_space<hbm>> -> memref<1000000x64xf32, #tpu.memory_space<hbm>>
      tpu.enqueue_indirect_dma source(%dma_start3A_13 : memref<1000000x64xf32, #tpu.memory_space<hbm>>) target(%arg6 : memref<800x64xf32, #tpu.memory_space<vmem>>) offsets(%arg5 : memref<800xi32, #tpu.memory_space<vmem>>) semaphore(%arg7 : memref<!tpu.dma_semaphore, #tpu.memory_space<semaphore_mem>>)
      %dma_wait3A = arith.constant 0 : i32
      %dma_wait3A_14 = arith.constant 0 : i32
      %dma_wait3A_15 = tpu.memref_slice %arg3[%dma_wait3A, %dma_wait3A_14] : memref<1000000x64xf32, #tpu.memory_space<hbm>> -> memref<1000000x64xf32, #tpu.memory_space<hbm>>
      tpu.wait_indirect_dma semaphore(%arg7 : memref<!tpu.dma_semaphore, #tpu.memory_space<semaphore_mem>>) src(%dma_wait3A_15 : memref<1000000x64xf32, #tpu.memory_space<hbm>>) dst(%arg6 : memref<800x64xf32, #tpu.memory_space<vmem>>)
      "tpu.region"() ({
        %run_scoped3A = tpu.sem_alloc : memref<!tpu.dma_semaphore, #tpu.memory_space<semaphore_mem>>
        %dma_start3A_16 = arith.constant 0 : i32
        %dma_start3A_17 = tpu.memref_slice %arg4[%add3A_11, %dma_start3A_16] : memref<102400x64xf32, #tpu.memory_space<hbm>> -> memref<800x64xf32, #tpu.memory_space<hbm>>
        %dma_start3A_18 = arith.constant 0 : i32
        %dma_start3A_19 = tpu.memref_slice %arg4[%add3A_11, %dma_start3A_18] : memref<102400x64xf32, #tpu.memory_space<hbm>> -> memref<800x64xf32, #tpu.memory_space<hbm>>
        tpu.enqueue_dma source(%arg6 : memref<800x64xf32, #tpu.memory_space<vmem>>) target(%dma_start3A_19 : memref<800x64xf32, #tpu.memory_space<hbm>>) target_semaphore(%run_scoped3A : memref<!tpu.dma_semaphore, #tpu.memory_space<semaphore_mem>>)
        %dma_wait3A_20 = arith.constant 0 : i32
        %dma_wait3A_21 = tpu.memref_slice %arg4[%add3A_11, %dma_wait3A_20] : memref<102400x64xf32, #tpu.memory_space<hbm>> -> memref<800x64xf32, #tpu.memory_space<hbm>>
        %dma_wait3A_22 = arith.constant 0 : i32
        %dma_wait3A_23 = tpu.memref_slice %arg4[%add3A_11, %dma_wait3A_22] : memref<102400x64xf32, #tpu.memory_space<hbm>> -> memref<800x64xf32, #tpu.memory_space<hbm>>
        tpu.wait_dma2 semaphore(%run_scoped3A : memref<!tpu.dma_semaphore, #tpu.memory_space<semaphore_mem>>) src(%arg6 : memref<800x64xf32, #tpu.memory_space<vmem>>) dst(%dma_wait3A_23 : memref<800x64xf32, #tpu.memory_space<hbm>>)
        tpu.yield
      }) : () -> ()
    }
    %scan3A_7 = arith.constant 4 : i32
    return
  }
}

#map = affine_map<(d0, d1) -> (0)>
#map1 = affine_map<(d0, d1) -> (0, 0)>
module attributes {stable_mosaic.version = 14 : i64} {
  func.func @_sc_gather_body(%arg0: i32, %arg1: i32, %arg2: memref<102400xi32, #tpu.memory_space<hbm>>, %arg3: memref<1000000x64xf32, #tpu.memory_space<hbm>>, %arg4: memref<102400x64xf32, #tpu.memory_space<hbm>>, %arg5: memref<800xi32, #tpu.memory_space<vmem>>, %arg6: memref<800x64xf32, #tpu.memory_space<vmem>>, %arg7: memref<!tpu.dma_semaphore, #tpu.memory_space<semaphore_mem>>) attributes {dimension_semantics = [#tpu.dimension_semantics<core_parallel>, #tpu.dimension_semantics<subcore_parallel>], iteration_bounds = array<i64: 2, 16>, scalar_prefetch = 0 : i64, scratch_operands = 3 : i64, tpu.core_type = #tpu.core_type<sc_vector_subcore>, window_params = [{transform_indices = #map}, {transform_indices = #map1}, {transform_indices = #map1}]} {
    %mul3A = arith.constant 2 : i32
    %mul3A_0 = arith.muli %arg1, %mul3A : i32
    %add3A = arith.addi %mul3A_0, %arg0 : i32
    %mul3A_1 = arith.constant 3200 : i32
    %mul3A_2 = arith.muli %add3A, %mul3A_1 : i32
    %scan3A = arith.constant 0 : i32
    %scan3A_3 = arith.constant 0 : i32
    %scan3A_4 = arith.constant 4 : i32
    %scan3A_5 = arith.addi %scan3A_3, %scan3A_4 : i32
    %scan3A_6 = arith.constant 1 : i32
    scf.for %scan3A_8 = %scan3A_3 to %scan3A_5 step %scan3A_6  : i32 {
      %mul3A_9 = arith.constant 800 : i32
      %mul3A_10 = arith.muli %scan3A_8, %mul3A_9 : i32
      %add3A_11 = arith.addi %mul3A_2, %mul3A_10 : i32
      "tpu.region"() ({
        %run_scoped3A = tpu.sem_alloc : memref<!tpu.dma_semaphore, #tpu.memory_space<semaphore_mem>>
        %dma_start3A_16 = tpu.memref_slice %arg2[%add3A_11] : memref<102400xi32, #tpu.memory_space<hbm>> -> memref<800xi32, #tpu.memory_space<hbm>>
        %dma_start3A_17 = tpu.memref_slice %arg2[%add3A_11] : memref<102400xi32, #tpu.memory_space<hbm>> -> memref<800xi32, #tpu.memory_space<hbm>>
        tpu.enqueue_dma source(%dma_start3A_17 : memref<800xi32, #tpu.memory_space<hbm>>) target(%arg5 : memref<800xi32, #tpu.memory_space<vmem>>) target_semaphore(%run_scoped3A : memref<!tpu.dma_semaphore, #tpu.memory_space<semaphore_mem>>)
        %dma_wait3A_18 = tpu.memref_slice %arg2[%add3A_11] : memref<102400xi32, #tpu.memory_space<hbm>> -> memref<800xi32, #tpu.memory_space<hbm>>
        %dma_wait3A_19 = tpu.memref_slice %arg2[%add3A_11] : memref<102400xi32, #tpu.memory_space<hbm>> -> memref<800xi32, #tpu.memory_space<hbm>>
        tpu.wait_dma2 semaphore(%run_scoped3A : memref<!tpu.dma_semaphore, #tpu.memory_space<semaphore_mem>>) src(%dma_wait3A_19 : memref<800xi32, #tpu.memory_space<hbm>>) dst(%arg5 : memref<800xi32, #tpu.memory_space<vmem>>)
        tpu.yield
      }) : () -> ()
      %dma_start3A = arith.constant 0 : i32
      %dma_start3A_12 = arith.constant 0 : i32
      %dma_start3A_13 = tpu.memref_slice %arg3[%dma_start3A, %dma_start3A_12] : memref<1000000x64xf32, #tpu.memory_space<hbm>> -> memref<1000000x64xf32, #tpu.memory_space<hbm>>
      tpu.enqueue_indirect_dma source(%dma_start3A_13 : memref<1000000x64xf32, #tpu.memory_space<hbm>>) target(%arg6 : memref<800x64xf32, #tpu.memory_space<vmem>>) offsets(%arg5 : memref<800xi32, #tpu.memory_space<vmem>>) semaphore(%arg7 : memref<!tpu.dma_semaphore, #tpu.memory_space<semaphore_mem>>)
      %dma_wait3A = arith.constant 0 : i32
      %dma_wait3A_14 = arith.constant 0 : i32
      %dma_wait3A_15 = tpu.memref_slice %arg3[%dma_wait3A, %dma_wait3A_14] : memref<1000000x64xf32, #tpu.memory_space<hbm>> -> memref<1000000x64xf32, #tpu.memory_space<hbm>>
      tpu.wait_indirect_dma semaphore(%arg7 : memref<!tpu.dma_semaphore, #tpu.memory_space<semaphore_mem>>) src(%dma_wait3A_15 : memref<1000000x64xf32, #tpu.memory_space<hbm>>) dst(%arg6 : memref<800x64xf32, #tpu.memory_space<vmem>>)
      "tpu.region"() ({
        %run_scoped3A = tpu.sem_alloc : memref<!tpu.dma_semaphore, #tpu.memory_space<semaphore_mem>>
        %dma_start3A_16 = arith.constant 0 : i32
        %dma_start3A_17 = tpu.memref_slice %arg4[%add3A_11, %dma_start3A_16] : memref<102400x64xf32, #tpu.memory_space<hbm>> -> memref<800x64xf32, #tpu.memory_space<hbm>>
        %dma_start3A_18 = arith.constant 0 : i32
        %dma_start3A_19 = tpu.memref_slice %arg4[%add3A_11, %dma_start3A_18] : memref<102400x64xf32, #tpu.memory_space<hbm>> -> memref<800x64xf32, #tpu.memory_space<hbm>>
        tpu.enqueue_dma source(%arg6 : memref<800x64xf32, #tpu.memory_space<vmem>>) target(%dma_start3A_19 : memref<800x64xf32, #tpu.memory_space<hbm>>) target_semaphore(%run_scoped3A : memref<!tpu.dma_semaphore, #tpu.memory_space<semaphore_mem>>)
        %dma_wait3A_20 = arith.constant 0 : i32
        %dma_wait3A_21 = tpu.memref_slice %arg4[%add3A_11, %dma_wait3A_20] : memref<102400x64xf32, #tpu.memory_space<hbm>> -> memref<800x64xf32, #tpu.memory_space<hbm>>
        %dma_wait3A_22 = arith.constant 0 : i32
        %dma_wait3A_23 = tpu.memref_slice %arg4[%add3A_11, %dma_wait3A_22] : memref<102400x64xf32, #tpu.memory_space<hbm>> -> memref<800x64xf32, #tpu.memory_space<hbm>>
        tpu.wait_dma2 semaphore(%run_scoped3A : memref<!tpu.dma_semaphore, #tpu.memory_space<semaphore_mem>>) src(%arg6 : memref<800x64xf32, #tpu.memory_space<vmem>>) dst(%dma_wait3A_23 : memref<800x64xf32, #tpu.memory_space<hbm>>)
        tpu.yield
      }) : () -> ()
    }
    %scan3A_7 = arith.constant 4 : i32
    return
  }
}

#map = affine_map<(d0, d1) -> (0)>
#map1 = affine_map<(d0, d1) -> (0, 0)>
module attributes {stable_mosaic.version = 14 : i64} {
  func.func @_sc_gather_body(%arg0: i32, %arg1: i32, %arg2: memref<102400xi32, #tpu.memory_space<hbm>>, %arg3: memref<1000000x64xf32, #tpu.memory_space<hbm>>, %arg4: memref<102400x64xf32, #tpu.memory_space<hbm>>, %arg5: memref<800xi32, #tpu.memory_space<vmem>>, %arg6: memref<800x64xf32, #tpu.memory_space<vmem>>, %arg7: memref<!tpu.dma_semaphore, #tpu.memory_space<semaphore_mem>>) attributes {dimension_semantics = [#tpu.dimension_semantics<core_parallel>, #tpu.dimension_semantics<subcore_parallel>], iteration_bounds = array<i64: 2, 16>, scalar_prefetch = 0 : i64, scratch_operands = 3 : i64, tpu.core_type = #tpu.core_type<sc_vector_subcore>, window_params = [{transform_indices = #map}, {transform_indices = #map1}, {transform_indices = #map1}]} {
    %mul3A = arith.constant 2 : i32
    %mul3A_0 = arith.muli %arg1, %mul3A : i32
    %add3A = arith.addi %mul3A_0, %arg0 : i32
    %mul3A_1 = arith.constant 3200 : i32
    %mul3A_2 = arith.muli %add3A, %mul3A_1 : i32
    %scan3A = arith.constant 0 : i32
    %scan3A_3 = arith.constant 0 : i32
    %scan3A_4 = arith.constant 4 : i32
    %scan3A_5 = arith.addi %scan3A_3, %scan3A_4 : i32
    %scan3A_6 = arith.constant 1 : i32
    scf.for %scan3A_8 = %scan3A_3 to %scan3A_5 step %scan3A_6  : i32 {
      %mul3A_9 = arith.constant 800 : i32
      %mul3A_10 = arith.muli %scan3A_8, %mul3A_9 : i32
      %add3A_11 = arith.addi %mul3A_2, %mul3A_10 : i32
      "tpu.region"() ({
        %run_scoped3A = tpu.sem_alloc : memref<!tpu.dma_semaphore, #tpu.memory_space<semaphore_mem>>
        %dma_start3A_16 = tpu.memref_slice %arg2[%add3A_11] : memref<102400xi32, #tpu.memory_space<hbm>> -> memref<800xi32, #tpu.memory_space<hbm>>
        %dma_start3A_17 = tpu.memref_slice %arg2[%add3A_11] : memref<102400xi32, #tpu.memory_space<hbm>> -> memref<800xi32, #tpu.memory_space<hbm>>
        tpu.enqueue_dma source(%dma_start3A_17 : memref<800xi32, #tpu.memory_space<hbm>>) target(%arg5 : memref<800xi32, #tpu.memory_space<vmem>>) target_semaphore(%run_scoped3A : memref<!tpu.dma_semaphore, #tpu.memory_space<semaphore_mem>>)
        %dma_wait3A_18 = tpu.memref_slice %arg2[%add3A_11] : memref<102400xi32, #tpu.memory_space<hbm>> -> memref<800xi32, #tpu.memory_space<hbm>>
        %dma_wait3A_19 = tpu.memref_slice %arg2[%add3A_11] : memref<102400xi32, #tpu.memory_space<hbm>> -> memref<800xi32, #tpu.memory_space<hbm>>
        tpu.wait_dma2 semaphore(%run_scoped3A : memref<!tpu.dma_semaphore, #tpu.memory_space<semaphore_mem>>) src(%dma_wait3A_19 : memref<800xi32, #tpu.memory_space<hbm>>) dst(%arg5 : memref<800xi32, #tpu.memory_space<vmem>>)
        tpu.yield
      }) : () -> ()
      %dma_start3A = arith.constant 0 : i32
      %dma_start3A_12 = arith.constant 0 : i32
      %dma_start3A_13 = tpu.memref_slice %arg3[%dma_start3A, %dma_start3A_12] : memref<1000000x64xf32, #tpu.memory_space<hbm>> -> memref<1000000x64xf32, #tpu.memory_space<hbm>>
      tpu.enqueue_indirect_dma source(%dma_start3A_13 : memref<1000000x64xf32, #tpu.memory_space<hbm>>) target(%arg6 : memref<800x64xf32, #tpu.memory_space<vmem>>) offsets(%arg5 : memref<800xi32, #tpu.memory_space<vmem>>) semaphore(%arg7 : memref<!tpu.dma_semaphore, #tpu.memory_space<semaphore_mem>>)
      %dma_wait3A = arith.constant 0 : i32
      %dma_wait3A_14 = arith.constant 0 : i32
      %dma_wait3A_15 = tpu.memref_slice %arg3[%dma_wait3A, %dma_wait3A_14] : memref<1000000x64xf32, #tpu.memory_space<hbm>> -> memref<1000000x64xf32, #tpu.memory_space<hbm>>
      tpu.wait_indirect_dma semaphore(%arg7 : memref<!tpu.dma_semaphore, #tpu.memory_space<semaphore_mem>>) src(%dma_wait3A_15 : memref<1000000x64xf32, #tpu.memory_space<hbm>>) dst(%arg6 : memref<800x64xf32, #tpu.memory_space<vmem>>)
      "tpu.region"() ({
        %run_scoped3A = tpu.sem_alloc : memref<!tpu.dma_semaphore, #tpu.memory_space<semaphore_mem>>
        %dma_start3A_16 = arith.constant 0 : i32
        %dma_start3A_17 = tpu.memref_slice %arg4[%add3A_11, %dma_start3A_16] : memref<102400x64xf32, #tpu.memory_space<hbm>> -> memref<800x64xf32, #tpu.memory_space<hbm>>
        %dma_start3A_18 = arith.constant 0 : i32
        %dma_start3A_19 = tpu.memref_slice %arg4[%add3A_11, %dma_start3A_18] : memref<102400x64xf32, #tpu.memory_space<hbm>> -> memref<800x64xf32, #tpu.memory_space<hbm>>
        tpu.enqueue_dma source(%arg6 : memref<800x64xf32, #tpu.memory_space<vmem>>) target(%dma_start3A_19 : memref<800x64xf32, #tpu.memory_space<hbm>>) target_semaphore(%run_scoped3A : memref<!tpu.dma_semaphore, #tpu.memory_space<semaphore_mem>>)
        %dma_wait3A_20 = arith.constant 0 : i32
        %dma_wait3A_21 = tpu.memref_slice %arg4[%add3A_11, %dma_wait3A_20] : memref<102400x64xf32, #tpu.memory_space<hbm>> -> memref<800x64xf32, #tpu.memory_space<hbm>>
        %dma_wait3A_22 = arith.constant 0 : i32
        %dma_wait3A_23 = tpu.memref_slice %arg4[%add3A_11, %dma_wait3A_22] : memref<102400x64xf32, #tpu.memory_space<hbm>> -> memref<800x64xf32, #tpu.memory_space<hbm>>
        tpu.wait_dma2 semaphore(%run_scoped3A : memref<!tpu.dma_semaphore, #tpu.memory_space<semaphore_mem>>) src(%arg6 : memref<800x64xf32, #tpu.memory_space<vmem>>) dst(%dma_wait3A_23 : memref<800x64xf32, #tpu.memory_space<hbm>>)
        tpu.yield
      }) : () -> ()
    }
    %scan3A_7 = arith.constant 4 : i32
    return
  }
}

#map = affine_map<(d0, d1) -> (0)>
#map1 = affine_map<(d0, d1) -> (0, 0)>
module attributes {stable_mosaic.version = 14 : i64} {
  func.func @_sc_gather_body(%arg0: i32, %arg1: i32, %arg2: memref<102400xi32, #tpu.memory_space<hbm>>, %arg3: memref<1000000x64xf32, #tpu.memory_space<hbm>>, %arg4: memref<102400x64xf32, #tpu.memory_space<hbm>>, %arg5: memref<800xi32, #tpu.memory_space<vmem>>, %arg6: memref<800x64xf32, #tpu.memory_space<vmem>>, %arg7: memref<!tpu.dma_semaphore, #tpu.memory_space<semaphore_mem>>) attributes {dimension_semantics = [#tpu.dimension_semantics<core_parallel>, #tpu.dimension_semantics<subcore_parallel>], iteration_bounds = array<i64: 2, 16>, scalar_prefetch = 0 : i64, scratch_operands = 3 : i64, tpu.core_type = #tpu.core_type<sc_vector_subcore>, window_params = [{transform_indices = #map}, {transform_indices = #map1}, {transform_indices = #map1}]} {
    %mul3A = arith.constant 2 : i32
    %mul3A_0 = arith.muli %arg1, %mul3A : i32
    %add3A = arith.addi %mul3A_0, %arg0 : i32
    %mul3A_1 = arith.constant 3200 : i32
    %mul3A_2 = arith.muli %add3A, %mul3A_1 : i32
    %scan3A = arith.constant 0 : i32
    %scan3A_3 = arith.constant 0 : i32
    %scan3A_4 = arith.constant 4 : i32
    %scan3A_5 = arith.addi %scan3A_3, %scan3A_4 : i32
    %scan3A_6 = arith.constant 1 : i32
    scf.for %scan3A_8 = %scan3A_3 to %scan3A_5 step %scan3A_6  : i32 {
      %mul3A_9 = arith.constant 800 : i32
      %mul3A_10 = arith.muli %scan3A_8, %mul3A_9 : i32
      %add3A_11 = arith.addi %mul3A_2, %mul3A_10 : i32
      "tpu.region"() ({
        %run_scoped3A = tpu.sem_alloc : memref<!tpu.dma_semaphore, #tpu.memory_space<semaphore_mem>>
        %dma_start3A_16 = tpu.memref_slice %arg2[%add3A_11] : memref<102400xi32, #tpu.memory_space<hbm>> -> memref<800xi32, #tpu.memory_space<hbm>>
        %dma_start3A_17 = tpu.memref_slice %arg2[%add3A_11] : memref<102400xi32, #tpu.memory_space<hbm>> -> memref<800xi32, #tpu.memory_space<hbm>>
        tpu.enqueue_dma source(%dma_start3A_17 : memref<800xi32, #tpu.memory_space<hbm>>) target(%arg5 : memref<800xi32, #tpu.memory_space<vmem>>) target_semaphore(%run_scoped3A : memref<!tpu.dma_semaphore, #tpu.memory_space<semaphore_mem>>)
        %dma_wait3A_18 = tpu.memref_slice %arg2[%add3A_11] : memref<102400xi32, #tpu.memory_space<hbm>> -> memref<800xi32, #tpu.memory_space<hbm>>
        %dma_wait3A_19 = tpu.memref_slice %arg2[%add3A_11] : memref<102400xi32, #tpu.memory_space<hbm>> -> memref<800xi32, #tpu.memory_space<hbm>>
        tpu.wait_dma2 semaphore(%run_scoped3A : memref<!tpu.dma_semaphore, #tpu.memory_space<semaphore_mem>>) src(%dma_wait3A_19 : memref<800xi32, #tpu.memory_space<hbm>>) dst(%arg5 : memref<800xi32, #tpu.memory_space<vmem>>)
        tpu.yield
      }) : () -> ()
      %dma_start3A = arith.constant 0 : i32
      %dma_start3A_12 = arith.constant 0 : i32
      %dma_start3A_13 = tpu.memref_slice %arg3[%dma_start3A, %dma_start3A_12] : memref<1000000x64xf32, #tpu.memory_space<hbm>> -> memref<1000000x64xf32, #tpu.memory_space<hbm>>
      tpu.enqueue_indirect_dma source(%dma_start3A_13 : memref<1000000x64xf32, #tpu.memory_space<hbm>>) target(%arg6 : memref<800x64xf32, #tpu.memory_space<vmem>>) offsets(%arg5 : memref<800xi32, #tpu.memory_space<vmem>>) semaphore(%arg7 : memref<!tpu.dma_semaphore, #tpu.memory_space<semaphore_mem>>)
      %dma_wait3A = arith.constant 0 : i32
      %dma_wait3A_14 = arith.constant 0 : i32
      %dma_wait3A_15 = tpu.memref_slice %arg3[%dma_wait3A, %dma_wait3A_14] : memref<1000000x64xf32, #tpu.memory_space<hbm>> -> memref<1000000x64xf32, #tpu.memory_space<hbm>>
      tpu.wait_indirect_dma semaphore(%arg7 : memref<!tpu.dma_semaphore, #tpu.memory_space<semaphore_mem>>) src(%dma_wait3A_15 : memref<1000000x64xf32, #tpu.memory_space<hbm>>) dst(%arg6 : memref<800x64xf32, #tpu.memory_space<vmem>>)
      "tpu.region"() ({
        %run_scoped3A = tpu.sem_alloc : memref<!tpu.dma_semaphore, #tpu.memory_space<semaphore_mem>>
        %dma_start3A_16 = arith.constant 0 : i32
        %dma_start3A_17 = tpu.memref_slice %arg4[%add3A_11, %dma_start3A_16] : memref<102400x64xf32, #tpu.memory_space<hbm>> -> memref<800x64xf32, #tpu.memory_space<hbm>>
        %dma_start3A_18 = arith.constant 0 : i32
        %dma_start3A_19 = tpu.memref_slice %arg4[%add3A_11, %dma_start3A_18] : memref<102400x64xf32, #tpu.memory_space<hbm>> -> memref<800x64xf32, #tpu.memory_space<hbm>>
        tpu.enqueue_dma source(%arg6 : memref<800x64xf32, #tpu.memory_space<vmem>>) target(%dma_start3A_19 : memref<800x64xf32, #tpu.memory_space<hbm>>) target_semaphore(%run_scoped3A : memref<!tpu.dma_semaphore, #tpu.memory_space<semaphore_mem>>)
        %dma_wait3A_20 = arith.constant 0 : i32
        %dma_wait3A_21 = tpu.memref_slice %arg4[%add3A_11, %dma_wait3A_20] : memref<102400x64xf32, #tpu.memory_space<hbm>> -> memref<800x64xf32, #tpu.memory_space<hbm>>
        %dma_wait3A_22 = arith.constant 0 : i32
        %dma_wait3A_23 = tpu.memref_slice %arg4[%add3A_11, %dma_wait3A_22] : memref<102400x64xf32, #tpu.memory_space<hbm>> -> memref<800x64xf32, #tpu.memory_space<hbm>>
        tpu.wait_dma2 semaphore(%run_scoped3A : memref<!tpu.dma_semaphore, #tpu.memory_space<semaphore_mem>>) src(%arg6 : memref<800x64xf32, #tpu.memory_space<vmem>>) dst(%dma_wait3A_23 : memref<800x64xf32, #tpu.memory_space<hbm>>)
        tpu.yield
      }) : () -> ()
    }
    %scan3A_7 = arith.constant 4 : i32
    return
  }
}

#map = affine_map<(d0, d1) -> (0)>
#map1 = affine_map<(d0, d1) -> (0, 0)>
module attributes {stable_mosaic.version = 14 : i64} {
  func.func @_sc_gather_body(%arg0: i32, %arg1: i32, %arg2: memref<102400xi32, #tpu.memory_space<hbm>>, %arg3: memref<1000000x64xf32, #tpu.memory_space<hbm>>, %arg4: memref<102400x64xf32, #tpu.memory_space<hbm>>, %arg5: memref<800xi32, #tpu.memory_space<vmem>>, %arg6: memref<800x64xf32, #tpu.memory_space<vmem>>, %arg7: memref<!tpu.dma_semaphore, #tpu.memory_space<semaphore_mem>>) attributes {dimension_semantics = [#tpu.dimension_semantics<core_parallel>, #tpu.dimension_semantics<subcore_parallel>], iteration_bounds = array<i64: 2, 16>, scalar_prefetch = 0 : i64, scratch_operands = 3 : i64, tpu.core_type = #tpu.core_type<sc_vector_subcore>, window_params = [{transform_indices = #map}, {transform_indices = #map1}, {transform_indices = #map1}]} {
    %mul3A = arith.constant 2 : i32
    %mul3A_0 = arith.muli %arg1, %mul3A : i32
    %add3A = arith.addi %mul3A_0, %arg0 : i32
    %mul3A_1 = arith.constant 3200 : i32
    %mul3A_2 = arith.muli %add3A, %mul3A_1 : i32
    %scan3A = arith.constant 0 : i32
    %scan3A_3 = arith.constant 0 : i32
    %scan3A_4 = arith.constant 4 : i32
    %scan3A_5 = arith.addi %scan3A_3, %scan3A_4 : i32
    %scan3A_6 = arith.constant 1 : i32
    scf.for %scan3A_8 = %scan3A_3 to %scan3A_5 step %scan3A_6  : i32 {
      %mul3A_9 = arith.constant 800 : i32
      %mul3A_10 = arith.muli %scan3A_8, %mul3A_9 : i32
      %add3A_11 = arith.addi %mul3A_2, %mul3A_10 : i32
      "tpu.region"() ({
        %run_scoped3A = tpu.sem_alloc : memref<!tpu.dma_semaphore, #tpu.memory_space<semaphore_mem>>
        %dma_start3A_16 = tpu.memref_slice %arg2[%add3A_11] : memref<102400xi32, #tpu.memory_space<hbm>> -> memref<800xi32, #tpu.memory_space<hbm>>
        %dma_start3A_17 = tpu.memref_slice %arg2[%add3A_11] : memref<102400xi32, #tpu.memory_space<hbm>> -> memref<800xi32, #tpu.memory_space<hbm>>
        tpu.enqueue_dma source(%dma_start3A_17 : memref<800xi32, #tpu.memory_space<hbm>>) target(%arg5 : memref<800xi32, #tpu.memory_space<vmem>>) target_semaphore(%run_scoped3A : memref<!tpu.dma_semaphore, #tpu.memory_space<semaphore_mem>>)
        %dma_wait3A_18 = tpu.memref_slice %arg2[%add3A_11] : memref<102400xi32, #tpu.memory_space<hbm>> -> memref<800xi32, #tpu.memory_space<hbm>>
        %dma_wait3A_19 = tpu.memref_slice %arg2[%add3A_11] : memref<102400xi32, #tpu.memory_space<hbm>> -> memref<800xi32, #tpu.memory_space<hbm>>
        tpu.wait_dma2 semaphore(%run_scoped3A : memref<!tpu.dma_semaphore, #tpu.memory_space<semaphore_mem>>) src(%dma_wait3A_19 : memref<800xi32, #tpu.memory_space<hbm>>) dst(%arg5 : memref<800xi32, #tpu.memory_space<vmem>>)
        tpu.yield
      }) : () -> ()
      %dma_start3A = arith.constant 0 : i32
      %dma_start3A_12 = arith.constant 0 : i32
      %dma_start3A_13 = tpu.memref_slice %arg3[%dma_start3A, %dma_start3A_12] : memref<1000000x64xf32, #tpu.memory_space<hbm>> -> memref<1000000x64xf32, #tpu.memory_space<hbm>>
      tpu.enqueue_indirect_dma source(%dma_start3A_13 : memref<1000000x64xf32, #tpu.memory_space<hbm>>) target(%arg6 : memref<800x64xf32, #tpu.memory_space<vmem>>) offsets(%arg5 : memref<800xi32, #tpu.memory_space<vmem>>) semaphore(%arg7 : memref<!tpu.dma_semaphore, #tpu.memory_space<semaphore_mem>>)
      %dma_wait3A = arith.constant 0 : i32
      %dma_wait3A_14 = arith.constant 0 : i32
      %dma_wait3A_15 = tpu.memref_slice %arg3[%dma_wait3A, %dma_wait3A_14] : memref<1000000x64xf32, #tpu.memory_space<hbm>> -> memref<1000000x64xf32, #tpu.memory_space<hbm>>
      tpu.wait_indirect_dma semaphore(%arg7 : memref<!tpu.dma_semaphore, #tpu.memory_space<semaphore_mem>>) src(%dma_wait3A_15 : memref<1000000x64xf32, #tpu.memory_space<hbm>>) dst(%arg6 : memref<800x64xf32, #tpu.memory_space<vmem>>)
      "tpu.region"() ({
        %run_scoped3A = tpu.sem_alloc : memref<!tpu.dma_semaphore, #tpu.memory_space<semaphore_mem>>
        %dma_start3A_16 = arith.constant 0 : i32
        %dma_start3A_17 = tpu.memref_slice %arg4[%add3A_11, %dma_start3A_16] : memref<102400x64xf32, #tpu.memory_space<hbm>> -> memref<800x64xf32, #tpu.memory_space<hbm>>
        %dma_start3A_18 = arith.constant 0 : i32
        %dma_start3A_19 = tpu.memref_slice %arg4[%add3A_11, %dma_start3A_18] : memref<102400x64xf32, #tpu.memory_space<hbm>> -> memref<800x64xf32, #tpu.memory_space<hbm>>
        tpu.enqueue_dma source(%arg6 : memref<800x64xf32, #tpu.memory_space<vmem>>) target(%dma_start3A_19 : memref<800x64xf32, #tpu.memory_space<hbm>>) target_semaphore(%run_scoped3A : memref<!tpu.dma_semaphore, #tpu.memory_space<semaphore_mem>>)
        %dma_wait3A_20 = arith.constant 0 : i32
        %dma_wait3A_21 = tpu.memref_slice %arg4[%add3A_11, %dma_wait3A_20] : memref<102400x64xf32, #tpu.memory_space<hbm>> -> memref<800x64xf32, #tpu.memory_space<hbm>>
        %dma_wait3A_22 = arith.constant 0 : i32
        %dma_wait3A_23 = tpu.memref_slice %arg4[%add3A_11, %dma_wait3A_22] : memref<102400x64xf32, #tpu.memory_space<hbm>> -> memref<800x64xf32, #tpu.memory_space<hbm>>
        tpu.wait_dma2 semaphore(%run_scoped3A : memref<!tpu.dma_semaphore, #tpu.memory_space<semaphore_mem>>) src(%arg6 : memref<800x64xf32, #tpu.memory_space<vmem>>) dst(%dma_wait3A_23 : memref<800x64xf32, #tpu.memory_space<hbm>>)
        tpu.yield
      }) : () -> ()
    }
    %scan3A_7 = arith.constant 4 : i32
    return
  }
}

#map = affine_map<(d0, d1) -> (0)>
#map1 = affine_map<(d0, d1) -> (0, 0)>
module attributes {stable_mosaic.version = 14 : i64} {
  func.func @_sc_gather_body(%arg0: i32, %arg1: i32, %arg2: memref<102400xi32, #tpu.memory_space<hbm>>, %arg3: memref<1000000x64xf32, #tpu.memory_space<hbm>>, %arg4: memref<102400x64xf32, #tpu.memory_space<hbm>>, %arg5: memref<800xi32, #tpu.memory_space<vmem>>, %arg6: memref<800x64xf32, #tpu.memory_space<vmem>>, %arg7: memref<!tpu.dma_semaphore, #tpu.memory_space<semaphore_mem>>) attributes {dimension_semantics = [#tpu.dimension_semantics<core_parallel>, #tpu.dimension_semantics<subcore_parallel>], iteration_bounds = array<i64: 2, 16>, scalar_prefetch = 0 : i64, scratch_operands = 3 : i64, tpu.core_type = #tpu.core_type<sc_vector_subcore>, window_params = [{transform_indices = #map}, {transform_indices = #map1}, {transform_indices = #map1}]} {
    %mul3A = arith.constant 2 : i32
    %mul3A_0 = arith.muli %arg1, %mul3A : i32
    %add3A = arith.addi %mul3A_0, %arg0 : i32
    %mul3A_1 = arith.constant 3200 : i32
    %mul3A_2 = arith.muli %add3A, %mul3A_1 : i32
    %scan3A = arith.constant 0 : i32
    %scan3A_3 = arith.constant 0 : i32
    %scan3A_4 = arith.constant 4 : i32
    %scan3A_5 = arith.addi %scan3A_3, %scan3A_4 : i32
    %scan3A_6 = arith.constant 1 : i32
    scf.for %scan3A_8 = %scan3A_3 to %scan3A_5 step %scan3A_6  : i32 {
      %mul3A_9 = arith.constant 800 : i32
      %mul3A_10 = arith.muli %scan3A_8, %mul3A_9 : i32
      %add3A_11 = arith.addi %mul3A_2, %mul3A_10 : i32
      "tpu.region"() ({
        %run_scoped3A = tpu.sem_alloc : memref<!tpu.dma_semaphore, #tpu.memory_space<semaphore_mem>>
        %dma_start3A_16 = tpu.memref_slice %arg2[%add3A_11] : memref<102400xi32, #tpu.memory_space<hbm>> -> memref<800xi32, #tpu.memory_space<hbm>>
        %dma_start3A_17 = tpu.memref_slice %arg2[%add3A_11] : memref<102400xi32, #tpu.memory_space<hbm>> -> memref<800xi32, #tpu.memory_space<hbm>>
        tpu.enqueue_dma source(%dma_start3A_17 : memref<800xi32, #tpu.memory_space<hbm>>) target(%arg5 : memref<800xi32, #tpu.memory_space<vmem>>) target_semaphore(%run_scoped3A : memref<!tpu.dma_semaphore, #tpu.memory_space<semaphore_mem>>)
        %dma_wait3A_18 = tpu.memref_slice %arg2[%add3A_11] : memref<102400xi32, #tpu.memory_space<hbm>> -> memref<800xi32, #tpu.memory_space<hbm>>
        %dma_wait3A_19 = tpu.memref_slice %arg2[%add3A_11] : memref<102400xi32, #tpu.memory_space<hbm>> -> memref<800xi32, #tpu.memory_space<hbm>>
        tpu.wait_dma2 semaphore(%run_scoped3A : memref<!tpu.dma_semaphore, #tpu.memory_space<semaphore_mem>>) src(%dma_wait3A_19 : memref<800xi32, #tpu.memory_space<hbm>>) dst(%arg5 : memref<800xi32, #tpu.memory_space<vmem>>)
        tpu.yield
      }) : () -> ()
      %dma_start3A = arith.constant 0 : i32
      %dma_start3A_12 = arith.constant 0 : i32
      %dma_start3A_13 = tpu.memref_slice %arg3[%dma_start3A, %dma_start3A_12] : memref<1000000x64xf32, #tpu.memory_space<hbm>> -> memref<1000000x64xf32, #tpu.memory_space<hbm>>
      tpu.enqueue_indirect_dma source(%dma_start3A_13 : memref<1000000x64xf32, #tpu.memory_space<hbm>>) target(%arg6 : memref<800x64xf32, #tpu.memory_space<vmem>>) offsets(%arg5 : memref<800xi32, #tpu.memory_space<vmem>>) semaphore(%arg7 : memref<!tpu.dma_semaphore, #tpu.memory_space<semaphore_mem>>)
      %dma_wait3A = arith.constant 0 : i32
      %dma_wait3A_14 = arith.constant 0 : i32
      %dma_wait3A_15 = tpu.memref_slice %arg3[%dma_wait3A, %dma_wait3A_14] : memref<1000000x64xf32, #tpu.memory_space<hbm>> -> memref<1000000x64xf32, #tpu.memory_space<hbm>>
      tpu.wait_indirect_dma semaphore(%arg7 : memref<!tpu.dma_semaphore, #tpu.memory_space<semaphore_mem>>) src(%dma_wait3A_15 : memref<1000000x64xf32, #tpu.memory_space<hbm>>) dst(%arg6 : memref<800x64xf32, #tpu.memory_space<vmem>>)
      "tpu.region"() ({
        %run_scoped3A = tpu.sem_alloc : memref<!tpu.dma_semaphore, #tpu.memory_space<semaphore_mem>>
        %dma_start3A_16 = arith.constant 0 : i32
        %dma_start3A_17 = tpu.memref_slice %arg4[%add3A_11, %dma_start3A_16] : memref<102400x64xf32, #tpu.memory_space<hbm>> -> memref<800x64xf32, #tpu.memory_space<hbm>>
        %dma_start3A_18 = arith.constant 0 : i32
        %dma_start3A_19 = tpu.memref_slice %arg4[%add3A_11, %dma_start3A_18] : memref<102400x64xf32, #tpu.memory_space<hbm>> -> memref<800x64xf32, #tpu.memory_space<hbm>>
        tpu.enqueue_dma source(%arg6 : memref<800x64xf32, #tpu.memory_space<vmem>>) target(%dma_start3A_19 : memref<800x64xf32, #tpu.memory_space<hbm>>) target_semaphore(%run_scoped3A : memref<!tpu.dma_semaphore, #tpu.memory_space<semaphore_mem>>)
        %dma_wait3A_20 = arith.constant 0 : i32
        %dma_wait3A_21 = tpu.memref_slice %arg4[%add3A_11, %dma_wait3A_20] : memref<102400x64xf32, #tpu.memory_space<hbm>> -> memref<800x64xf32, #tpu.memory_space<hbm>>
        %dma_wait3A_22 = arith.constant 0 : i32
        %dma_wait3A_23 = tpu.memref_slice %arg4[%add3A_11, %dma_wait3A_22] : memref<102400x64xf32, #tpu.memory_space<hbm>> -> memref<800x64xf32, #tpu.memory_space<hbm>>
        tpu.wait_dma2 semaphore(%run_scoped3A : memref<!tpu.dma_semaphore, #tpu.memory_space<semaphore_mem>>) src(%arg6 : memref<800x64xf32, #tpu.memory_space<vmem>>) dst(%dma_wait3A_23 : memref<800x64xf32, #tpu.memory_space<hbm>>)
        tpu.yield
      }) : () -> ()
    }
    %scan3A_7 = arith.constant 4 : i32
    return
  }
}

module attributes {stable_mosaic.version = 14 : i64} {
  func.func @_lstm_body(%arg0: i32, %arg1: memref<2048x128xf32, #tpu.memory_space<vmem>>, %arg2: memref<256x512xbf16, #tpu.memory_space<vmem>>, %arg3: memref<1x512xf32, #tpu.memory_space<vmem>>, %arg4: memref<2048x128xf32, #tpu.memory_space<vmem>>, %arg5: memref<2048x128xf32, #tpu.memory_space<vmem>>, %arg6: memref<2048x128xf32, #tpu.memory_space<vmem>>, %arg7: memref<2048x128xf32, #tpu.memory_space<vmem>>, %arg8: memref<2048x128xf32, #tpu.memory_space<vmem>>, %arg9: memref<2048x128xf32, #tpu.memory_space<vmem>>) attributes {dimension_semantics = [#tpu.dimension_semantics<arbitrary>], iteration_bounds = array<i64: 25>, scalar_prefetch = 0 : i64, scratch_operands = 2 : i64, tpu.core_type = #tpu.core_type<tc>, window_params = [{transform_indices = @transform_0, window_bounds = array<i64: 2048, 128>}, {pipeline_mode = #tpu.pipeline_mode<synchronous>, transform_indices = @transform_1, window_bounds = array<i64: 256, 512>}, {pipeline_mode = #tpu.pipeline_mode<synchronous>, transform_indices = @transform_2, window_bounds = array<i64: 1, 512>}, {pipeline_mode = #tpu.pipeline_mode<synchronous>, transform_indices = @transform_3, window_bounds = array<i64: 2048, 128>}, {pipeline_mode = #tpu.pipeline_mode<synchronous>, transform_indices = @transform_4, window_bounds = array<i64: 2048, 128>}, {pipeline_mode = #tpu.pipeline_mode<synchronous>, transform_indices = @transform_5, window_bounds = array<i64: 2048, 128>}, {pipeline_mode = #tpu.pipeline_mode<synchronous>, transform_indices = @transform_6, window_bounds = array<i64: 2048, 128>}]} {
    %eq3A = arith.constant 0 : i32
    %eq3A_0 = arith.cmpi eq, %arg0, %eq3A : i32
    %convert_element_type3A = arith.extui %eq3A_0 : i1 to i32
    %cond3A = arith.constant 0 : i32
    %cond3A_1 = arith.cmpi ne, %convert_element_type3A, %cond3A : i32
    scf.if %cond3A_1 {
      %get3A_67 = arith.constant 0 : index
      %get3A_68 = arith.constant 0 : index
      %get3A_69 = vector.load %arg4[%get3A_67, %get3A_68] : memref<2048x128xf32, #tpu.memory_space<vmem>>, vector<2048x128xf32>
      %swap3A_70 = arith.constant 0 : index
      %swap3A_71 = arith.constant 0 : index
      %swap3A_72 = vector.load %arg8[%swap3A_70, %swap3A_71] : memref<2048x128xf32, #tpu.memory_space<vmem>>, vector<2048x128xf32>
      tpu.vector_store %arg8[%swap3A_70, %swap3A_71], %get3A_69 {strides = array<i32>} : memref<2048x128xf32, #tpu.memory_space<vmem>>, vector<2048x128xf32>,
      %get3A_73 = arith.constant 0 : index
      %get3A_74 = arith.constant 0 : index
      %get3A_75 = vector.load %arg5[%get3A_73, %get3A_74] : memref<2048x128xf32, #tpu.memory_space<vmem>>, vector<2048x128xf32>
      %swap3A_76 = arith.constant 0 : index
      %swap3A_77 = arith.constant 0 : index
      %swap3A_78 = vector.load %arg9[%swap3A_76, %swap3A_77] : memref<2048x128xf32, #tpu.memory_space<vmem>>, vector<2048x128xf32>
      tpu.vector_store %arg9[%swap3A_76, %swap3A_77], %get3A_75 {strides = array<i32>} : memref<2048x128xf32, #tpu.memory_space<vmem>>, vector<2048x128xf32>,
    } else {
    }
    %get3A = arith.constant 0 : index
    %get3A_2 = arith.constant 0 : index
    %get3A_3 = vector.load %arg1[%get3A, %get3A_2] : memref<2048x128xf32, #tpu.memory_space<vmem>>, vector<2048x128xf32>
    %convert_element_type3A_4 = arith.truncf %get3A_3 : vector<2048x128xf32> to vector<2048x128xbf16>
    %get3A_5 = arith.constant 0 : index
    %get3A_6 = arith.constant 0 : index
    %get3A_7 = vector.load %arg8[%get3A_5, %get3A_6] : memref<2048x128xf32, #tpu.memory_space<vmem>>, vector<2048x128xf32>
    %get3A_8 = arith.constant 0 : index
    %get3A_9 = arith.constant 0 : index
    %get3A_10 = vector.load %arg9[%get3A_8, %get3A_9] : memref<2048x128xf32, #tpu.memory_space<vmem>>, vector<2048x128xf32>
    %convert_element_type3A_11 = arith.truncf %get3A_7 : vector<2048x128xf32> to vector<2048x128xbf16>
    %concatenate3A = tpu.concatenate %convert_element_type3A_4, %convert_element_type3A_11 in 1 : vector<2048x128xbf16>, vector<2048x128xbf16> -> vector<2048x256xbf16>
    %get3A_12 = arith.constant 0 : index
    %get3A_13 = arith.constant 0 : index
    %get3A_14 = vector.load %arg2[%get3A_12, %get3A_13] : memref<256x512xbf16, #tpu.memory_space<vmem>>, vector<256x512xbf16>
    %dot_general3A = arith.constant dense<0.000000e+00> : vector<2048x512xf32>
    %dot_general3A_15 = tpu.matmul %concatenate3A, %get3A_14, %dot_general3A {dimension_numbers = #tpu.dot_dimension_numbers<[1], [0], [0], [1], [0, 0, 1, 1], [], []>, transpose_lhs_hint = false} : vector<2048x256xbf16>, vector<256x512xbf16>, vector<2048x512xf32> -> vector<2048x512xf32>
    %get3A_16 = arith.constant 0 : index
    %get3A_17 = arith.constant 0 : index
    %get3A_18 = vector.load %arg3[%get3A_16, %get3A_17] : memref<1x512xf32, #tpu.memory_space<vmem>>, vector<1x512xf32>
    %add3A = vector.broadcast %get3A_18 : vector<1x512xf32> to vector<2048x512xf32>
    %add3A_19 = arith.addf %dot_general3A_15, %add3A : vector<2048x512xf32>
    %slice3A = vector.extract_strided_slice %add3A_19 {offsets = [0, 0], sizes = [2048, 128], strides = [1, 1]} : vector<2048x512xf32> to vector<2048x128xf32>
    %mul3A = arith.constant 5.000000e-01 : f32
    %mul3A_20 = vector.broadcast %mul3A : f32 to vector<2048x128xf32>
    %mul3A_21 = arith.mulf %mul3A_20, %slice3A : vector<2048x128xf32>
    %tanh3A = math.tanh %mul3A_21 : vector<2048x128xf32>
    %mul3A_22 = arith.constant 5.000000e-01 : f32
    %mul3A_23 = vector.broadcast %mul3A_22 : f32 to vector<2048x128xf32>
    %mul3A_24 = arith.mulf %mul3A_23, %tanh3A : vector<2048x128xf32>
    %add3A_25 = arith.constant 5.000000e-01 : f32
    %add3A_26 = vector.broadcast %add3A_25 : f32 to vector<2048x128xf32>
    %add3A_27 = arith.addf %mul3A_24, %add3A_26 : vector<2048x128xf32>
    %slice3A_28 = vector.extract_strided_slice %add3A_19 {offsets = [0, 128], sizes = [2048, 128], strides = [1, 1]} : vector<2048x512xf32> to vector<2048x128xf32>
    %mul3A_29 = arith.constant 5.000000e-01 : f32
    %mul3A_30 = vector.broadcast %mul3A_29 : f32 to vector<2048x128xf32>
    %mul3A_31 = arith.mulf %mul3A_30, %slice3A_28 : vector<2048x128xf32>
    %tanh3A_32 = math.tanh %mul3A_31 : vector<2048x128xf32>
    %mul3A_33 = arith.constant 5.000000e-01 : f32
    %mul3A_34 = vector.broadcast %mul3A_33 : f32 to vector<2048x128xf32>
    %mul3A_35 = arith.mulf %mul3A_34, %tanh3A_32 : vector<2048x128xf32>
    %add3A_36 = arith.constant 5.000000e-01 : f32
    %add3A_37 = vector.broadcast %add3A_36 : f32 to vector<2048x128xf32>
    %add3A_38 = arith.addf %mul3A_35, %add3A_37 : vector<2048x128xf32>
    %slice3A_39 = vector.extract_strided_slice %add3A_19 {offsets = [0, 256], sizes = [2048, 128], strides = [1, 1]} : vector<2048x512xf32> to vector<2048x128xf32>
    %tanh3A_40 = math.tanh %slice3A_39 : vector<2048x128xf32>
    %slice3A_41 = vector.extract_strided_slice %add3A_19 {offsets = [0, 384], sizes = [2048, 128], strides = [1, 1]} : vector<2048x512xf32> to vector<2048x128xf32>
    %mul3A_42 = arith.constant 5.000000e-01 : f32
    %mul3A_43 = vector.broadcast %mul3A_42 : f32 to vector<2048x128xf32>
    %mul3A_44 = arith.mulf %mul3A_43, %slice3A_41 : vector<2048x128xf32>
    %tanh3A_45 = math.tanh %mul3A_44 : vector<2048x128xf32>
    %mul3A_46 = arith.constant 5.000000e-01 : f32
    %mul3A_47 = vector.broadcast %mul3A_46 : f32 to vector<2048x128xf32>
    %mul3A_48 = arith.mulf %mul3A_47, %tanh3A_45 : vector<2048x128xf32>
    %add3A_49 = arith.constant 5.000000e-01 : f32
    %add3A_50 = vector.broadcast %add3A_49 : f32 to vector<2048x128xf32>
    %add3A_51 = arith.addf %mul3A_48, %add3A_50 : vector<2048x128xf32>
    %mul3A_52 = arith.mulf %add3A_38, %get3A_10 : vector<2048x128xf32>
    %mul3A_53 = arith.mulf %add3A_27, %tanh3A_40 : vector<2048x128xf32>
    %add3A_54 = arith.addf %mul3A_52, %mul3A_53 : vector<2048x128xf32>
    %tanh3A_55 = math.tanh %add3A_54 : vector<2048x128xf32>
    %mul3A_56 = arith.mulf %add3A_51, %tanh3A_55 : vector<2048x128xf32>
    %swap3A = arith.constant 0 : index
    %swap3A_57 = arith.constant 0 : index
    %swap3A_58 = vector.load %arg8[%swap3A, %swap3A_57] : memref<2048x128xf32, #tpu.memory_space<vmem>>, vector<2048x128xf32>
    tpu.vector_store %arg8[%swap3A, %swap3A_57], %mul3A_56 {strides = array<i32>} : memref<2048x128xf32, #tpu.memory_space<vmem>>, vector<2048x128xf32>,
    %swap3A_59 = arith.constant 0 : index
    %swap3A_60 = arith.constant 0 : index
    %swap3A_61 = vector.load %arg9[%swap3A_59, %swap3A_60] : memref<2048x128xf32, #tpu.memory_space<vmem>>, vector<2048x128xf32>
    tpu.vector_store %arg9[%swap3A_59, %swap3A_60], %add3A_54 {strides = array<i32>} : memref<2048x128xf32, #tpu.memory_space<vmem>>, vector<2048x128xf32>,
    %eq3A_62 = arith.constant 24 : i32
    %eq3A_63 = arith.cmpi eq, %arg0, %eq3A_62 : i32
    %convert_element_type3A_64 = arith.extui %eq3A_63 : i1 to i32
    %cond3A_65 = arith.constant 0 : i32
    %cond3A_66 = arith.cmpi ne, %convert_element_type3A_64, %cond3A_65 : i32
    scf.if %cond3A_66 {
      %swap3A_67 = arith.constant 0 : index
      %swap3A_68 = arith.constant 0 : index
      %swap3A_69 = vector.load %arg6[%swap3A_67, %swap3A_68] : memref<2048x128xf32, #tpu.memory_space<vmem>>, vector<2048x128xf32>
      tpu.vector_store %arg6[%swap3A_67, %swap3A_68], %mul3A_56 {strides = array<i32>} : memref<2048x128xf32, #tpu.memory_space<vmem>>, vector<2048x128xf32>,
      %swap3A_70 = arith.constant 0 : index
      %swap3A_71 = arith.constant 0 : index
      %swap3A_72 = vector.load %arg7[%swap3A_70, %swap3A_71] : memref<2048x128xf32, #tpu.memory_space<vmem>>, vector<2048x128xf32>
      tpu.vector_store %arg7[%swap3A_70, %swap3A_71], %add3A_54 {strides = array<i32>} : memref<2048x128xf32, #tpu.memory_space<vmem>>, vector<2048x128xf32>,
    } else {
    }
    return
  }
  func.func @transform_0(%arg0: i32) -> (i32, i32) {
    %c0_i32 = arith.constant 0 : i32
    %c0_i32_0 = arith.constant 0 : i32
    return %arg0, %c0_i32 : i32, i32
  }
  func.func @transform_1(%arg0: i32) -> (i32, i32) {
    %c0_i32 = arith.constant 0 : i32
    %c0_i32_0 = arith.constant 0 : i32
    %c0_i32_1 = arith.constant 0 : i32
    return %c0_i32, %c0_i32_0 : i32, i32
  }
  func.func @transform_2(%arg0: i32) -> (i32, i32) {
    %c0_i32 = arith.constant 0 : i32
    %c0_i32_0 = arith.constant 0 : i32
    %c0_i32_1 = arith.constant 0 : i32
    return %c0_i32, %c0_i32_0 : i32, i32
  }
  func.func @transform_3(%arg0: i32) -> (i32, i32) {
    %c0_i32 = arith.constant 0 : i32
    %c0_i32_0 = arith.constant 0 : i32
    %c0_i32_1 = arith.constant 0 : i32
    return %c0_i32, %c0_i32_0 : i32, i32
  }
  func.func @transform_4(%arg0: i32) -> (i32, i32) {
    %c0_i32 = arith.constant 0 : i32
    %c0_i32_0 = arith.constant 0 : i32
    %c0_i32_1 = arith.constant 0 : i32
    return %c0_i32, %c0_i32_0 : i32, i32
  }
  func.func @transform_5(%arg0: i32) -> (i32, i32) {
    %c0_i32 = arith.constant 0 : i32
    %c0_i32_0 = arith.constant 0 : i32
    %c0_i32_1 = arith.constant 0 : i32
    return %c0_i32, %c0_i32_0 : i32, i32
  }
  func.func @transform_6(%arg0: i32) -> (i32, i32) {
    %c0_i32 = arith.constant 0 : i32
    %c0_i32_0 = arith.constant 0 : i32
    %c0_i32_1 = arith.constant 0 : i32
    return %c0_i32, %c0_i32_0 : i32, i32
  }
}

</mosaic_0001>

<sc_bundles>
// kernel: kernel.18.cloned.1.call-start
scs
__scs_entry_jumppad:
0x0: {  	(pc) =	sbr.rel $0x88, $3  }
0x1: {  	(tag) =	ssettag $0x0;
	lr =	simm.s32 $0x1  }
0x2: {  	[smem:$0x3F9C] =	sst lr;
	_ =	strace $0xD0000000  }
0x3: {  	_ = 	snop  }
0x4: {  	_ = 	snop  }
0x5: {  	_ = 	snop  }
0x6: {  	_ = 	snop  }
0x7: {  	_ = 	snop  }
__scs_overlays_trampoline_lowered:
0x8: {  	[smem:$0x3FAB] =	sst s0  }
0x9: {  	[smem:$0x3FAC] =	sst s1  }
0xa: {  	[smem:$0x3FAD] =	sst s2  }
0xb: {  	[smem:$0x3FAE] =	sst s3  }
0xc: {  	[smem:$0x3FAF] =	sst s4  }
0xd: {  	[smem:$0x3FB0] =	sst s5  }
0xe: {  	[smem:$0x3FB1] =	sst s6  }
0xf: {  	[smem:$0x3FB2] =	sst s7  }
0x10: {  	[smem:$0x3FB3] =	sst s8  }
0x11: {  	[smem:$0x3FB4] =	sst s9;
	s0 =	simm.s32 @!p0 $0x0  }
0x12: {  	s1 =	sld [smem:$0x3F9A];
	s0 =	simm.s32 @p0 $0x1  }
0x13: {  	[smem:$0x3FB5] =	sst s0;
	s0 =	simm.s32 @!p1 $0x0  }
0x14: {  	s2 =	sld [smem:$0x3F99];
	s0 =	simm.s32 @p1 $0x1  }
0x15: {  	[smem:$0x3FB6] =	sst s0;
	s0 =	simm.s32 @!p2 $0x0  }
0x16: {  	s3 =	sld [smem:$0x3FDB];
	s0 =	simm.s32 @p2 $0x1  }
0x17: {  	s4 =	simm.s32 $0x1BF5;
	[smem:$0x3FB8] =	sst s0  }
0x18: {  	s0 =	sld [smem:$0x3F9B];
	_ =	swait.ge [sflag:s4], $0x0  }
0x19: {  	s7 =	sld [smem:$0x3F9C]  }
0x1a: {  	s8 =	sadd.s32 $0xFFFFE003, lr  }
0x1b: {  	s9 =	sadd.s32 $0xFFFFFEF7, lr;
	s5 =	simm.s32 $0xFFFFFFFF;
	p2 =	slt.u32 s8, $0xFFFFF086  }
0x1c: {  	p1 =	slt.u32 s9, $0xF7A;
	s5 =	simm.s32 @!p2 $0x0  }
0x1d: {  	s5 =	simm.s32 @p1 $0x1;
	p0 =	seq.s32 s7, s2  }
0x1e: {  	s7 =	smul.u32 @!p0 $0xF7A, s2;
	p2 =	seq.s32 @!p0 s5, $0x0  }
0x1f: {  	s9 =	smul.u32 $0xF7A, s1;
	s8 =	simm.s32 @!p0 $0x1BF5;
	p2 =	por !p2, p0  }
0x20: {  	[sflag:s8] =	ssyncset.s32 @!p0 $0xFFFFF086;
	s6 =	sadd.s32 @!p0 s3, s7;
	s7 =	simm.s32 @!p0 $0x108  }
0x21: {  	s3 =	sadd.s32 s3, s9;
	s6 =	sadd.s32 @!p0 $0x88, s6;
	s7 =	simm.s32 @p2 $0x1082  }
0x22: {  	[simem:s7], [sflag:s8] =	dma.local @!p0 [hbm:s6], $0xF7A  }
0x23: {  	s9 =	sor.u32 $0xD0000000, s2;
	s6 =	simm.s32 $0x108;
	_ =	swait.ge @!p0 [sflag:s8], $0x0  }
0x24: {  	s3 =	sadd.s32 $0x88, s3;
	s6 =	simm.s32 @!p1 $0x1082;
	[sflag:s4] =	ssyncset.s32 $0xFFFFF086  }
0x25: {  	[simem:s6], [sflag:s4] =	dma.local [hbm:s3], $0xF7A  }
0x26: {  	[smem:$0x3F9C] =	sst s1;
	(tag) =	ssettag s2;
	_ =	strace s9  }
0x27: {  	s1 =	sld [smem:$0x3FAC]  }
0x28: {  	s2 =	sld [smem:$0x3FAD]  }
0x29: {  	s4 =	sld [smem:$0x3FAF]  }
0x2a: {  	p0 =	seq.s32 s5, $0x0;
	s5 =	sld [smem:$0x3FB0]  }
0x2b: {  	s6 =	sld [smem:$0x3FB1]  }
0x2c: {  	s7 =	sld [smem:$0x3FB2]  }
0x2d: {  	s3 =	simm.s32 $0x108;
	s8 =	sld [smem:$0x3FB3]  }
0x2e: {  	s3 =	simm.s32 @!p0 $0x1082;
	s9 =	sld [smem:$0x3FB4]  }
0x2f: {  	lr =	sadd.s32 s0, s3;
	s0 =	sld [smem:$0x3FAB]  }
0x30: {  	s3 =	sld [smem:$0x3FAE]  }
0x31: {  	[smem:$0x3FB7] =	sst s10  }
0x32: {  	s10 =	sld [smem:$0x3FB5];
	_ =	sdelay $0x3  }
0x33: {  	p0 =	seq.s32 s10, $0x1;
	s10 =	sld [smem:$0x3FB7];
	_ =	sdelay $0x3  }
0x34: {  	[smem:$0x3FB7] =	sst s10  }
0x35: {  	s10 =	sld [smem:$0x3FB6];
	_ =	sdelay $0x3  }
0x36: {  	p1 =	seq.s32 s10, $0x1;
	s10 =	sld [smem:$0x3FB7];
	_ =	sdelay $0x3  }
0x37: {  	[smem:$0x3FB7] =	sst s10  }
0x38: {  	s10 =	sld [smem:$0x3FB8]  }
0x39: {  	_ = 	snop;
	(pc) =	sbr.ind lr, $3  }
0x3a: {  	_ = 	snop  }
0x3b: {  	_ = 	snop  }
0x3c: {  	p2 =	seq.s32 s10, $0x1;
	s10 =	sld [smem:$0x3FB7]  }
0x3d: {  	_ =	shalt  }
0x3e: {  	_ =	shalt  }
0x3f: {  	_ =	shalt  }
0x40: {  	_ =	shalt  }
0x41: {  	_ =	shalt  }
0x42: {  	_ =	shalt  }
0x43: {  	_ =	shalt  }
0x44: {  	_ =	shalt  }
0x45: {  	_ =	shalt  }
0x46: {  	_ =	shalt  }
0x47: {  	_ =	shalt  }
0x48: {  	_ =	shalt  }
0x49: {  	_ =	shalt  }
0x4a: {  	_ =	shalt  }
0x4b: {  	_ =	shalt  }
0x4c: {  	_ =	shalt  }
0x4d: {  	_ =	shalt  }
0x4e: {  	_ =	shalt  }
0x4f: {  	_ =	shalt  }
0x50: {  	_ =	shalt  }
0x51: {  	_ =	shalt  }
0x52: {  	_ =	shalt  }
0x53: {  	_ =	shalt  }
0x54: {  	_ =	shalt  }
0x55: {  	_ =	shalt  }
0x56: {  	_ =	shalt  }
0x57: {  	_ =	shalt  }
0x58: {  	_ =	shalt  }
0x59: {  	_ =	shalt  }
0x5a: {  	_ =	shalt  }
0x5b: {  	_ =	shalt  }
0x5c: {  	_ =	shalt  }
0x5d: {  	_ =	shalt  }
0x5e: {  	_ =	shalt  }
0x5f: {  	_ =	shalt  }
0x60: {  	_ =	shalt  }
0x61: {  	_ =	shalt  }
0x62: {  	_ =	shalt  }
0x63: {  	_ =	shalt  }
0x64: {  	_ =	shalt  }
0x65: {  	_ =	shalt  }
0x66: {  	_ =	shalt  }
0x67: {  	_ =	shalt  }
0x68: {  	_ =	shalt  }
0x69: {  	_ =	shalt  }
0x6a: {  	_ =	shalt  }
0x6b: {  	_ =	shalt  }
0x6c: {  	_ =	shalt  }
0x6d: {  	_ =	shalt  }
0x6e: {  	_ =	shalt  }
0x6f: {  	_ =	shalt  }
0x70: {  	_ =	shalt  }
0x71: {  	_ =	shalt  }
0x72: {  	_ =	shalt  }
0x73: {  	_ =	shalt  }
0x74: {  	_ =	shalt  }
0x75: {  	_ =	shalt  }
0x76: {  	_ =	shalt  }
0x77: {  	_ =	shalt  }
0x78: {  	_ =	shalt  }
0x79: {  	_ =	shalt  }
0x7a: {  	_ =	shalt  }
0x7b: {  	_ =	shalt  }
0x7c: {  	_ =	shalt  }
0x7d: {  	_ =	shalt  }
0x7e: {  	_ =	shalt  }
0x7f: {  	_ =	shalt  }
0x80: {  	_ =	shalt  }
0x81: {  	_ =	shalt  }
0x82: {  	_ =	shalt  }
0x83: {  	_ =	shalt  }
0x84: {  	_ =	shalt  }
0x85: {  	_ =	shalt  }
0x86: {  	_ =	shalt  }
0x87: {  	_ =	shalt  }
.Lfunc_end0:
.L_simem_size_0:
called_computation_lowered:
.L_overlay_start_0:
0x88: {  	s2 =	sld [smem:$0x3FD9]  }
0x89: {  	s3 =	sld [smem:$0x3FFE];
	_ =	sdelay $0x1  }
0x8a: {  	s1 =	srdreg.scid  }
0x8b: {  	s0 =	sand.u32 $0x1, s1  }
0x8c: {  	s16 =	sshll.u32 s0, $0xA;
	s2 =	sadd.s32 s3, s2  }
0x8d: {  	s2 =	sadd.s32 s2, s16  }
0x8e: {  	[smem:$0x3FC3] =	sst s2  }
0x8f: {  	_ = 	snop  }
0x90: {  	(tm) =	ssettm $0x1  }
0x91: {  	s17 =	sld [smem:$0x3FFB];
	_ =	sdelay $0x3  }
0x92: {  	_ =	strace s17  }
0x93: {  	s2 =	sld [smem:$0x3FFC];
	_ =	sdelay $0x3  }
0x94: {  	_ =	strace s2  }
0x95: {  	s2 =	sld [smem:$0x3FFD];
	_ =	sdelay $0x3  }
0x96: {  	_ =	strace s2  }
0x97: {  	_ =	strace $0x8FFFFFFF  }
0x98: {  	s18 =	sld [smem:$0x3FDB];
	_ =	sdelay $0x1  }
0x99: {  	s19 =	simm.s32 $_scs_section_size  }
0x9a: {  	s4 =	simm.s32 $_size__tile_overlayer_lowered;
	s5 =	simm.s32 $_tile_overlayer_lowered  }
0x9b: {  	s22 =	simm.s32 $0x1BFF;
	s21 =	sshll.u32 s5, $0x1;
	s2 =	sadd.s32 s19, s18  }
0x9c: {  	s6 =	simm.s32 $0x0;
	s20 =	sshll.u32 s4, $0x1;
	s4 =	sadd.s32 s21, s2  }
0x9d: {  	[timem:s6], [sflag:s22] =	dma.local [hbm:s4], s20  }
0x9e: {  	_ =	swait.ge [sflag:s22], s20  }
0x9f: {  	s3 =	ssub.s32 $0x0, s20;
	[sflag:s22] =	ssyncset.done $0x0  }
0xa0: {  	[sflag:s22] =	ssyncadd.s32 s3;
	_ =	sdelay $0x1  }
0xa1: {  	s23 =	simm.s32 $0x1B8B  }
0xa2: {  	_ =	swait.ge [sflag:s23], $0x1  }
0xa3: {  	[sflag:s23] =	ssyncset.done $0x0  }
0xa4: {  	s25 =	simm.s32 $0x1B8E;
	s24 =	sld [smem:$0x3FFE];
	[sflag:s23] =	ssyncadd.s32 $0xFFFFFFFF  }
0xa5: {  	s26 =	simm.s32 $execute0_lowered;
	[smem:$0x3FD2] =	sst s25  }
0xa6: {  	s4 =	sshll.u32 s26, $0x1;
	_ =	strace $0x80000046;
	[dreg:$0x1] =	wrdreg $0xFFFFFFFF  }
0xa7: {  	s28 =	simm.s32 $_size_execute0_lowered;
	s2 =	sadd.s32 s2, s4;
	[dreg:$0x0] =	wrdreg $0x0  }
0xa8: {  	s4 =	sshll.u32 s28, $0x1;
	[dreg:$0x2] =	wrdreg s2  }
0xa9: {  	[dreg:$0x3] =	wrdreg s4  }
0xaa: {  	[dreg:$0x4] =	wrdreg $0xC0  }
0xab: {  	_ =	task [dreg:s6], $0x5FFFF  }
0xac: {  	[dreg:$0x1] =	wrdreg $0xFFFFFFFF  }
0xad: {  	[dreg:$0x0] =	wrdreg $0x60  }
0xae: {  	[dreg:$0x2] =	wrdreg s24  }
0xaf: {  	[dreg:$0x3] =	wrdreg $0x9  }
0xb0: {  	_ =	task.clear_ibuf [dreg:s6], $0x4FFFF;
	_ =	strace $0x90000046  }
0xb1: {  	s29 =	simm.s32 $0x9;
	_ =	strace $0x80000048  }
0xb2: {  	_ =	swait.ge [sflag:s29], $0x1  }
0xb3: {  	[sflag:s29] =	ssyncadd.s32 $0xFFFFFFFF  }
0xb4: {  	_ =	strace $0x90000048  }
0xb5: {  	_ =	sfence  }
0xb6: {  	s30 =	sld [smem:$0x0];
	_ =	sdelay $0x2  }
0xb7: {  	s31 =	sshll.u32 s1, $0xD;
	s1 =	sshrl.u32 s1, $0x2  }
0xb8: {  	s3 =	sand.u32 $0x4000, s31;
	s1 =	sadd.s32 s1, s30  }
0xb9: {  	s0 =	sor.u32 s3, s0;
	s1 =	sshll.u32 s1, $0x11  }
0xba: {  	s0 =	sor.u32 s1, s0  }
0xbb: {  	s0 =	sadd.s32 $0x8F2B, s0  }
0xbc: {  	[sflag:s0] =	ssyncadd.remote.s32 $0x1  }
0xbd: {  	_ =	sfence.sel $0xFFFF  }
0xbe: {  	[dreg:$0x0] =	wrdreg $0xFFFFFFFF;
	(pc) =	sbr.abs _section_cstart, $3  }
0xbf: {  	[dreg:$0x1] =	wrdreg $0xFFFFFFFF  }
0xc0: {  	_ =	task.clear_ibuf [dreg:s6], $0x2FFFF;
	_ =	strace $0x9FFFFFFF  }
0xc1: {  	(tm) =	ssettm $0x7FFFFFFF  }
tec
execute0_lowered:
.L_overlay_start_1:
0x0: {  	(tag) =	ssettag $0x1  }
0x1: {  	s1 =	srdreg.scid;
	s0 =	stileid.u32  }
0x2: {  	s14 =	sand.u32 $0x1, s1;
	s28 =	sshll.u32 s0, $0x1  }
0x3: {  	s8 =	sor.u32 s14, s28  }
0x4: {  	s9 =	rddreg [dreg:$0x0];
	s13 =	smul.u32 $0xC80, s8  }
0x5: {  	s2 =	simm.s32 $0x0;
	s1 =	rddreg [dreg:$0x1]  }
0x6: {  	[smem:$0x7FF] =	sst s2;
	s15 =	sadd.s32 $0x4200, s9;
	s3 =	sshrl.u32 s13, $0x3  }
0x7: {  	_ =	strace $0x80000047;
	s4 =	sadd.s32 s15, s3;
	s3 =	simm.s32 $0x2  }
0x8: {  	[tilespmem:s2], [sflag:$0x2] =	stream.linear.gather [hbm4b:s4+s2], $0x320, $0x38;
	[tilespmem:$0xCB20] =	vst v63  }
0x9: {  	_ =	swait.ge [sflag:s3], $0x320  }
0xa: {  	s6 =	simm.s32 $0x320;
	[sflag:s3] =	ssyncset.done $0x0  }
0xb: {  	s7 =	simm.s32 $0x1;
	s5 =	sadd.s32 $0xF46600, s9;
	[sflag:s3] =	ssyncadd.s32 $0xFFFFFCE0  }
0xc: {  	[tilespmem:s6], [sflag:$0x1] =	stream.indirect.gather [hbm4b:s5+s6], $0x40, s2, s6, $0xb8;
	[tilespmem:$0xCB20] =	vst v63  }
0xd: {  	s8 =	smul.u32 $0x6400, s8;
	_ =	swait.ge [sflag:s7], $0xC800  }
0xe: {  	s16 =	sadd.s32 $0x7400, s9;
	[sflag:s7] =	ssyncset.done $0x0  }
0xf: {  	s8 =	sadd.s32 s16, s8;
	[sflag:s7] =	ssyncadd.s32 $0xFFFF3800  }
0x10: {  	[hbm4b:s8+s2] =	stream.linear.scatter [tilespmem:s6], [sflag:$0x2], $0xC800, $0x38;
	[tilespmem:$0xCB20] =	vst v63  }
0x11: {  	s10 =	sadd.s32 $0x320, s13;
	_ =	swait.ge [sflag:s3], $0xC800  }
0x12: {  	s29 =	sshrl.u32 s10, $0x3;
	[sflag:s3] =	ssyncset.done $0x0  }
0x13: {  	s9 =	sadd.s32 s15, s29;
	[sflag:s3] =	ssyncadd.s32 $0xFFFF3800  }
0x14: {  	[tilespmem:s2], [sflag:$0x2] =	stream.linear.gather [hbm4b:s9+s2], $0x320, $0x38;
	[tilespmem:$0xCB20] =	vst v63  }
0x15: {  	_ =	swait.ge [sflag:s3], $0x320  }
0x16: {  	[sflag:s3] =	ssyncset.done $0x0  }
0x17: {  	[sflag:s3] =	ssyncadd.s32 $0xFFFFFCE0  }
0x18: {  	[tilespmem:s6], [sflag:$0x1] =	stream.indirect.gather [hbm4b:s5+s6], $0x40, s2, s6, $0xb8;
	[tilespmem:$0xCB20] =	vst v63  }
0x19: {  	_ =	swait.ge [sflag:s7], $0xC800  }
0x1a: {  	s10 =	sshll.u32 s10, $0x3;
	[sflag:s7] =	ssyncset.done $0x0  }
0x1b: {  	s10 =	sadd.s32 s16, s10;
	[sflag:s7] =	ssyncadd.s32 $0xFFFF3800  }
0x1c: {  	[hbm4b:s10+s2] =	stream.linear.scatter [tilespmem:s6], [sflag:$0x2], $0xC800, $0x38;
	[tilespmem:$0xCB20] =	vst v63  }
0x1d: {  	s12 =	sadd.s32 $0x640, s13;
	_ =	swait.ge [sflag:s3], $0xC800  }
0x1e: {  	s11 =	sshrl.u32 s12, $0x3;
	[sflag:s3] =	ssyncset.done $0x0  }
0x1f: {  	s11 =	sadd.s32 s15, s11;
	[sflag:s3] =	ssyncadd.s32 $0xFFFF3800  }
0x20: {  	[tilespmem:s2], [sflag:$0x2] =	stream.linear.gather [hbm4b:s11+s2], $0x320, $0x38;
	[tilespmem:$0xCB20] =	vst v63  }
0x21: {  	_ =	swait.ge [sflag:s3], $0x320  }
0x22: {  	[sflag:s3] =	ssyncset.done $0x0  }
0x23: {  	[sflag:s3] =	ssyncadd.s32 $0xFFFFFCE0  }
0x24: {  	[tilespmem:s6], [sflag:$0x1] =	stream.indirect.gather [hbm4b:s5+s6], $0x40, s2, s6, $0xb8;
	[tilespmem:$0xCB20] =	vst v63  }
0x25: {  	_ =	swait.ge [sflag:s7], $0xC800  }
0x26: {  	s12 =	sshll.u32 s12, $0x3;
	[sflag:s7] =	ssyncset.done $0x0  }
0x27: {  	s12 =	sadd.s32 s16, s12;
	[sflag:s7] =	ssyncadd.s32 $0xFFFF3800  }
0x28: {  	[hbm4b:s12+s2] =	stream.linear.scatter [tilespmem:s6], [sflag:$0x2], $0xC800, $0x38;
	[tilespmem:$0xCB20] =	vst v63  }
0x29: {  	s17 =	sadd.s32 $0x960, s13;
	_ =	swait.ge [sflag:s3], $0xC800  }
0x2a: {  	s13 =	sshrl.u32 s17, $0x3;
	[sflag:s3] =	ssyncset.done $0x0  }
0x2b: {  	s14 =	ssub.s32 $0x2, s14;
	s13 =	sadd.s32 s15, s13;
	[sflag:s3] =	ssyncadd.s32 $0xFFFF3800  }
0x2c: {  	[tilespmem:s2], [sflag:$0x2] =	stream.linear.gather [hbm4b:s13+s2], $0x320, $0x38;
	[tilespmem:$0xCB20] =	vst v63  }
0x2d: {  	s30 =	sshrl.u32 s14, $0x1;
	_ =	swait.ge [sflag:s3], $0x320  }
0x2e: {  	s15 =	ssub.s32 s14, s30;
	[sflag:s3] =	ssyncset.done $0x0  }
0x2f: {  	s15 =	smax.u32 s15, $0x1;
	[sflag:s3] =	ssyncadd.s32 $0xFFFFFCE0  }
0x30: {  	[tilespmem:s6], [sflag:$0x1] =	stream.indirect.gather [hbm4b:s5+s6], $0x40, s2, s6, $0xb8;
	[tilespmem:$0xCB20] =	vst v63  }
0x31: {  	p0 =	sne.s32 s15, $0x1;
	_ =	swait.ge [sflag:s7], $0xC800  }
.Ltmp0:
0x32: {  	s31 =	sshll.u32 s17, $0x3;
	[sflag:s7] =	ssyncset.done $0x0;
	(pc) =	sbr.rel @!p0 .LBB2_2-.Ltmp0, $4  }
0x33: {  	s14 =	sadd.s32 s16, s31;
	[sflag:s7] =	ssyncadd.s32 $0xFFFF3800  }
0x34: {  	[hbm4b:s14+s2] =	stream.linear.scatter [tilespmem:s6], [sflag:$0x2], $0xC800, $0x38;
	[tilespmem:$0xCB20] =	vst v63  }
0x35: {  	_ =	swait.ge [sflag:s3], $0xC800  }
0x36: {  	s15 =	sadd.s32 $0xFFFFFFFF, s15;
	[sflag:s3] =	ssyncset.done $0x0  }
.LBB2_1:
0x37: {  	p0 =	sne.s32 s15, $0x1;
	s15 =	sadd.s32 $0xFFFFFFFF, s15;
	[sflag:s3] =	ssyncadd.s32 $0xFFFF3800  }
0x38: {  	[tilespmem:s2], [sflag:$0x2] =	stream.linear.gather [hbm4b:s4+s2], $0x320, $0x38;
	[tilespmem:$0xCB20] =	vst v63  }
0x39: {  	_ =	swait.ge [sflag:s3], $0x320  }
0x3a: {  	[sflag:s3] =	ssyncset.done $0x0  }
0x3b: {  	[sflag:s3] =	ssyncadd.s32 $0xFFFFFCE0  }
0x3c: {  	[tilespmem:s6], [sflag:$0x1] =	stream.indirect.gather [hbm4b:s5+s6], $0x40, s2, s6, $0xb8;
	[tilespmem:$0xCB20] =	vst v63  }
0x3d: {  	_ =	swait.ge [sflag:s7], $0xC800  }
0x3e: {  	[sflag:s7] =	ssyncset.done $0x0  }
0x3f: {  	[sflag:s7] =	ssyncadd.s32 $0xFFFF3800  }
0x40: {  	[hbm4b:s8+s2] =	stream.linear.scatter [tilespmem:s6], [sflag:$0x2], $0xC800, $0x38;
	[tilespmem:$0xCB20] =	vst v63  }
0x41: {  	_ =	swait.ge [sflag:s3], $0xC800  }
0x42: {  	[sflag:s3] =	ssyncset.done $0x0  }
0x43: {  	[sflag:s3] =	ssyncadd.s32 $0xFFFF3800  }
0x44: {  	[tilespmem:s2], [sflag:$0x2] =	stream.linear.gather [hbm4b:s9+s2], $0x320, $0x38;
	[tilespmem:$0xCB20] =	vst v63  }
0x45: {  	_ =	swait.ge [sflag:s3], $0x320  }
0x46: {  	[sflag:s3] =	ssyncset.done $0x0  }
0x47: {  	[sflag:s3] =	ssyncadd.s32 $0xFFFFFCE0  }
0x48: {  	[tilespmem:s6], [sflag:$0x1] =	stream.indirect.gather [hbm4b:s5+s6], $0x40, s2, s6, $0xb8;
	[tilespmem:$0xCB20] =	vst v63  }
0x49: {  	_ =	swait.ge [sflag:s7], $0xC800  }
0x4a: {  	[sflag:s7] =	ssyncset.done $0x0  }
0x4b: {  	[sflag:s7] =	ssyncadd.s32 $0xFFFF3800  }
0x4c: {  	[hbm4b:s10+s2] =	stream.linear.scatter [tilespmem:s6], [sflag:$0x2], $0xC800, $0x38;
	[tilespmem:$0xCB20] =	vst v63  }
0x4d: {  	_ =	swait.ge [sflag:s3], $0xC800  }
0x4e: {  	[sflag:s3] =	ssyncset.done $0x0  }
0x4f: {  	[sflag:s3] =	ssyncadd.s32 $0xFFFF3800  }
0x50: {  	[tilespmem:s2], [sflag:$0x2] =	stream.linear.gather [hbm4b:s11+s2], $0x320, $0x38;
	[tilespmem:$0xCB20] =	vst v63  }
0x51: {  	_ =	swait.ge [sflag:s3], $0x320  }
0x52: {  	[sflag:s3] =	ssyncset.done $0x0  }
0x53: {  	[sflag:s3] =	ssyncadd.s32 $0xFFFFFCE0  }
0x54: {  	[tilespmem:s6], [sflag:$0x1] =	stream.indirect.gather [hbm4b:s5+s6], $0x40, s2, s6, $0xb8;
	[tilespmem:$0xCB20] =	vst v63  }
0x55: {  	_ =	swait.ge [sflag:s7], $0xC800  }
0x56: {  	[sflag:s7] =	ssyncset.done $0x0  }
0x57: {  	[sflag:s7] =	ssyncadd.s32 $0xFFFF3800  }
0x58: {  	[hbm4b:s12+s2] =	stream.linear.scatter [tilespmem:s6], [sflag:$0x2], $0xC800, $0x38;
	[tilespmem:$0xCB20] =	vst v63  }
0x59: {  	_ =	swait.ge [sflag:s3], $0xC800  }
0x5a: {  	[sflag:s3] =	ssyncset.done $0x0  }
0x5b: {  	[sflag:s3] =	ssyncadd.s32 $0xFFFF3800  }
0x5c: {  	[tilespmem:s2], [sflag:$0x2] =	stream.linear.gather [hbm4b:s13+s2], $0x320, $0x38;
	[tilespmem:$0xCB20] =	vst v63  }
0x5d: {  	_ =	swait.ge [sflag:s3], $0x320  }
0x5e: {  	[sflag:s3] =	ssyncset.done $0x0  }
0x5f: {  	[sflag:s3] =	ssyncadd.s32 $0xFFFFFCE0  }
0x60: {  	[tilespmem:s6], [sflag:$0x1] =	stream.indirect.gather [hbm4b:s5+s6], $0x40, s2, s6, $0xb8;
	[tilespmem:$0xCB20] =	vst v63  }
0x61: {  	_ =	swait.ge [sflag:s7], $0xC800  }
.Ltmp1:
0x62: {  	[sflag:s7] =	ssyncset.done $0x0;
	(pc) =	sbr.rel @p0 .LBB2_1-.Ltmp1, $4  }
0x63: {  	[sflag:s7] =	ssyncadd.s32 $0xFFFF3800  }
0x64: {  	[hbm4b:s14+s2] =	stream.linear.scatter [tilespmem:s6], [sflag:$0x2], $0xC800, $0x38;
	[tilespmem:$0xCB20] =	vst v63  }
0x65: {  	_ =	swait.ge [sflag:s3], $0xC800  }
0x66: {  	[sflag:s3] =	ssyncset.done $0x0  }
.LBB2_2:
0x67: {  	[sflag:s3] =	ssyncadd.s32 $0xFFFF3800  }
0x68: {  	_ =	sfence.sel $0x180000  }
0x69: {  	[bflag:$0x0] =	sbarrier.arrive $0xFFFF  }
0x6a: {  	p0 =	sne.s32 s0, $0x0;
	_ =	strace $0x90000047  }
0x6b: {  	s0 =	sadd.s32 @!p0 $0x100000, s1;
	[bflag:$0x2] =	sbarrier.arrive $0xFFFF  }
0x6c: {  	[sflag:s0] =	ssyncadd.tile.s32 @!p0 $0x1;
	_ =	shalt  }
.Lfunc_end2:
_tile_overlayer_lowered:
.L_overlay_start_2:
0x6d: {  	(tag) =	ssettag $0x2  }
0x6e: {  	s0 =	rddreg [dreg:$0x0];
	s2 =	stileid.u32  }
0x6f: {  	s1 =	rddreg [dreg:$0x1];
	p0 =	sne.s32 s2, $0x0  }
0x70: {  	s3 =	rddreg [dreg:$0x2];
	[bflag:$0x3] =	sbarrier.arrive $0xFFFF;
	s2 =	simm.s32 @!p0 $0x1C02  }
0x71: {  	[timem:s3], [sflag:s2] =	dma.local @!p0 [hbm:s0], s1  }
0x72: {  	s0 =	simm.s32 @!p0 $0x2  }
0x73: {  	_ =	swait.ge @!p0 [sflag:s0], s1  }
0x74: {  	s1 =	ssub.s32 @!p0 $0x0, s1;
	[sflag:s0] =	ssyncset.done @!p0 $0x0  }
0x75: {  	[sflag:s0] =	ssyncadd.s32 @!p0 s1  }
0x76: {  	[bflag:$0x3] =	sbarrier.arrive $0xFFFF  }
0x77: {  	_ =	shalt  }

// kernel: kernel.21.cloned.1.call-start
scs
__scs_entry_jumppad:
0x0: {  	(pc) =	sbr.rel $0x88, $3  }
0x1: {  	(tag) =	ssettag $0x0;
	lr =	simm.s32 $0x1  }
0x2: {  	[smem:$0x3F9C] =	sst lr;
	_ =	strace $0xD0000000  }
0x3: {  	_ = 	snop  }
0x4: {  	_ = 	snop  }
0x5: {  	_ = 	snop  }
0x6: {  	_ = 	snop  }
0x7: {  	_ = 	snop  }
__scs_overlays_trampoline_lowered:
0x8: {  	[smem:$0x3FAB] =	sst s0  }
0x9: {  	[smem:$0x3FAC] =	sst s1  }
0xa: {  	[smem:$0x3FAD] =	sst s2  }
0xb: {  	[smem:$0x3FAE] =	sst s3  }
0xc: {  	[smem:$0x3FAF] =	sst s4  }
0xd: {  	[smem:$0x3FB0] =	sst s5  }
0xe: {  	[smem:$0x3FB1] =	sst s6  }
0xf: {  	[smem:$0x3FB2] =	sst s7  }
0x10: {  	[smem:$0x3FB3] =	sst s8  }
0x11: {  	[smem:$0x3FB4] =	sst s9;
	s0 =	simm.s32 @!p0 $0x0  }
0x12: {  	s1 =	sld [smem:$0x3F9A];
	s0 =	simm.s32 @p0 $0x1  }
0x13: {  	[smem:$0x3FB5] =	sst s0;
	s0 =	simm.s32 @!p1 $0x0  }
0x14: {  	s2 =	sld [smem:$0x3F99];
	s0 =	simm.s32 @p1 $0x1  }
0x15: {  	[smem:$0x3FB6] =	sst s0;
	s0 =	simm.s32 @!p2 $0x0  }
0x16: {  	s3 =	sld [smem:$0x3FDB];
	s0 =	simm.s32 @p2 $0x1  }
0x17: {  	s4 =	simm.s32 $0x1BF5;
	[smem:$0x3FB8] =	sst s0  }
0x18: {  	s0 =	sld [smem:$0x3F9B];
	_ =	swait.ge [sflag:s4], $0x0  }
0x19: {  	s7 =	sld [smem:$0x3F9C]  }
0x1a: {  	s8 =	sadd.s32 $0xFFFFE003, lr  }
0x1b: {  	s9 =	sadd.s32 $0xFFFFFEF7, lr;
	s5 =	simm.s32 $0xFFFFFFFF;
	p2 =	slt.u32 s8, $0xFFFFF086  }
0x1c: {  	p1 =	slt.u32 s9, $0xF7A;
	s5 =	simm.s32 @!p2 $0x0  }
0x1d: {  	s5 =	simm.s32 @p1 $0x1;
	p0 =	seq.s32 s7, s2  }
0x1e: {  	s7 =	smul.u32 @!p0 $0xF7A, s2;
	p2 =	seq.s32 @!p0 s5, $0x0  }
0x1f: {  	s9 =	smul.u32 $0xF7A, s1;
	s8 =	simm.s32 @!p0 $0x1BF5;
	p2 =	por !p2, p0  }
0x20: {  	[sflag:s8] =	ssyncset.s32 @!p0 $0xFFFFF086;
	s6 =	sadd.s32 @!p0 s3, s7;
	s7 =	simm.s32 @!p0 $0x108  }
0x21: {  	s3 =	sadd.s32 s3, s9;
	s6 =	sadd.s32 @!p0 $0x88, s6;
	s7 =	simm.s32 @p2 $0x1082  }
0x22: {  	[simem:s7], [sflag:s8] =	dma.local @!p0 [hbm:s6], $0xF7A  }
0x23: {  	s9 =	sor.u32 $0xD0000000, s2;
	s6 =	simm.s32 $0x108;
	_ =	swait.ge @!p0 [sflag:s8], $0x0  }
0x24: {  	s3 =	sadd.s32 $0x88, s3;
	s6 =	simm.s32 @!p1 $0x1082;
	[sflag:s4] =	ssyncset.s32 $0xFFFFF086  }
0x25: {  	[simem:s6], [sflag:s4] =	dma.local [hbm:s3], $0xF7A  }
0x26: {  	[smem:$0x3F9C] =	sst s1;
	(tag) =	ssettag s2;
	_ =	strace s9  }
0x27: {  	s1 =	sld [smem:$0x3FAC]  }
0x28: {  	s2 =	sld [smem:$0x3FAD]  }
0x29: {  	s4 =	sld [smem:$0x3FAF]  }
0x2a: {  	p0 =	seq.s32 s5, $0x0;
	s5 =	sld [smem:$0x3FB0]  }
0x2b: {  	s6 =	sld [smem:$0x3FB1]  }
0x2c: {  	s7 =	sld [smem:$0x3FB2]  }
0x2d: {  	s3 =	simm.s32 $0x108;
	s8 =	sld [smem:$0x3FB3]  }
0x2e: {  	s3 =	simm.s32 @!p0 $0x1082;
	s9 =	sld [smem:$0x3FB4]  }
0x2f: {  	lr =	sadd.s32 s0, s3;
	s0 =	sld [smem:$0x3FAB]  }
0x30: {  	s3 =	sld [smem:$0x3FAE]  }
0x31: {  	[smem:$0x3FB7] =	sst s10  }
0x32: {  	s10 =	sld [smem:$0x3FB5];
	_ =	sdelay $0x3  }
0x33: {  	p0 =	seq.s32 s10, $0x1;
	s10 =	sld [smem:$0x3FB7];
	_ =	sdelay $0x3  }
0x34: {  	[smem:$0x3FB7] =	sst s10  }
0x35: {  	s10 =	sld [smem:$0x3FB6];
	_ =	sdelay $0x3  }
0x36: {  	p1 =	seq.s32 s10, $0x1;
	s10 =	sld [smem:$0x3FB7];
	_ =	sdelay $0x3  }
0x37: {  	[smem:$0x3FB7] =	sst s10  }
0x38: {  	s10 =	sld [smem:$0x3FB8]  }
0x39: {  	_ = 	snop;
	(pc) =	sbr.ind lr, $3  }
0x3a: {  	_ = 	snop  }
0x3b: {  	_ = 	snop  }
0x3c: {  	p2 =	seq.s32 s10, $0x1;
	s10 =	sld [smem:$0x3FB7]  }
0x3d: {  	_ =	shalt  }
0x3e: {  	_ =	shalt  }
0x3f: {  	_ =	shalt  }
0x40: {  	_ =	shalt  }
0x41: {  	_ =	shalt  }
0x42: {  	_ =	shalt  }
0x43: {  	_ =	shalt  }
0x44: {  	_ =	shalt  }
0x45: {  	_ =	shalt  }
0x46: {  	_ =	shalt  }
0x47: {  	_ =	shalt  }
0x48: {  	_ =	shalt  }
0x49: {  	_ =	shalt  }
0x4a: {  	_ =	shalt  }
0x4b: {  	_ =	shalt  }
0x4c: {  	_ =	shalt  }
0x4d: {  	_ =	shalt  }
0x4e: {  	_ =	shalt  }
0x4f: {  	_ =	shalt  }
0x50: {  	_ =	shalt  }
0x51: {  	_ =	shalt  }
0x52: {  	_ =	shalt  }
0x53: {  	_ =	shalt  }
0x54: {  	_ =	shalt  }
0x55: {  	_ =	shalt  }
0x56: {  	_ =	shalt  }
0x57: {  	_ =	shalt  }
0x58: {  	_ =	shalt  }
0x59: {  	_ =	shalt  }
0x5a: {  	_ =	shalt  }
0x5b: {  	_ =	shalt  }
0x5c: {  	_ =	shalt  }
0x5d: {  	_ =	shalt  }
0x5e: {  	_ =	shalt  }
0x5f: {  	_ =	shalt  }
0x60: {  	_ =	shalt  }
0x61: {  	_ =	shalt  }
0x62: {  	_ =	shalt  }
0x63: {  	_ =	shalt  }
0x64: {  	_ =	shalt  }
0x65: {  	_ =	shalt  }
0x66: {  	_ =	shalt  }
0x67: {  	_ =	shalt  }
0x68: {  	_ =	shalt  }
0x69: {  	_ =	shalt  }
0x6a: {  	_ =	shalt  }
0x6b: {  	_ =	shalt  }
0x6c: {  	_ =	shalt  }
0x6d: {  	_ =	shalt  }
0x6e: {  	_ =	shalt  }
0x6f: {  	_ =	shalt  }
0x70: {  	_ =	shalt  }
0x71: {  	_ =	shalt  }
0x72: {  	_ =	shalt  }
0x73: {  	_ =	shalt  }
0x74: {  	_ =	shalt  }
0x75: {  	_ =	shalt  }
0x76: {  	_ =	shalt  }
0x77: {  	_ =	shalt  }
0x78: {  	_ =	shalt  }
0x79: {  	_ =	shalt  }
0x7a: {  	_ =	shalt  }
0x7b: {  	_ =	shalt  }
0x7c: {  	_ =	shalt  }
0x7d: {  	_ =	shalt  }
0x7e: {  	_ =	shalt  }
0x7f: {  	_ =	shalt  }
0x80: {  	_ =	shalt  }
0x81: {  	_ =	shalt  }
0x82: {  	_ =	shalt  }
0x83: {  	_ =	shalt  }
0x84: {  	_ =	shalt  }
0x85: {  	_ =	shalt  }
0x86: {  	_ =	shalt  }
0x87: {  	_ =	shalt  }
.Lfunc_end0:
.L_simem_size_0:
called_computation.1_lowered:
.L_overlay_start_0:
0x88: {  	s2 =	sld [smem:$0x3FD9]  }
0x89: {  	s3 =	sld [smem:$0x3FFE];
	_ =	sdelay $0x1  }
0x8a: {  	s1 =	srdreg.scid  }
0x8b: {  	s0 =	sand.u32 $0x1, s1  }
0x8c: {  	s16 =	sshll.u32 s0, $0xA;
	s2 =	sadd.s32 s3, s2  }
0x8d: {  	s2 =	sadd.s32 s2, s16  }
0x8e: {  	[smem:$0x3FC3] =	sst s2  }
0x8f: {  	_ = 	snop  }
0x90: {  	s2 =	sld [smem:$0x3FD0];
	_ =	sdelay $0x2  }
0x91: {  	s17 =	simm.s32 $0x11;
	s4 =	simm.s32 $0x10  }
0x92: {  	[smem:s4], [sflag:s17] =	dma.local [hbm:s2], $0x1  }
0x93: {  	_ =	swait.eq [sflag:s17], $0x1  }
0x94: {  	[sflag:s17] =	ssyncset.done $0x0  }
0x95: {  	[sflag:s17] =	ssyncadd.s32 $0xFFFFFFFF  }
0x96: {  	s3 =	sld [smem:$0x12];
	(tm) =	ssettm $0x1  }
0x97: {  	s18 =	sld [smem:$0x3FFB];
	_ =	sdelay $0x3  }
0x98: {  	_ =	strace s18  }
0x99: {  	s2 =	sld [smem:$0x3FFC];
	_ =	sdelay $0x3  }
0x9a: {  	_ =	strace s2  }
0x9b: {  	s2 =	sld [smem:$0x3FFD];
	_ =	sdelay $0x3  }
0x9c: {  	_ =	strace s2  }
0x9d: {  	_ =	strace $0x8FFFFFFF  }
0x9e: {  	s19 =	sld [smem:$0x3FDB];
	_ =	sdelay $0x1  }
0x9f: {  	s20 =	simm.s32 $_scs_section_size  }
0xa0: {  	s5 =	simm.s32 $_size__tile_overlayer_lowered;
	s6 =	simm.s32 $_tile_overlayer_lowered  }
0xa1: {  	s7 =	simm.s32 $0x1BFF;
	s21 =	sshll.u32 s6, $0x1;
	s4 =	sadd.s32 s20, s19  }
0xa2: {  	s22 =	simm.s32 $0x0;
	s5 =	sshll.u32 s5, $0x1;
	s6 =	sadd.s32 s21, s4  }
0xa3: {  	[timem:s22], [sflag:s7] =	dma.local [hbm:s6], s5  }
0xa4: {  	_ =	swait.ge [sflag:s7], s5  }
0xa5: {  	s5 =	ssub.s32 $0x0, s5;
	[sflag:s7] =	ssyncset.done $0x0  }
0xa6: {  	[sflag:s7] =	ssyncadd.s32 s5;
	_ =	sdelay $0x1  }
0xa7: {  	s23 =	simm.s32 $0x1B8B  }
0xa8: {  	_ =	swait.ge [sflag:s23], $0x1  }
0xa9: {  	[sflag:s23] =	ssyncset.done $0x0  }
0xaa: {  	[sflag:s23] =	ssyncadd.s32 $0xFFFFFFFF  }
0xab: {  	s5 =	sld [smem:$0x0]  }
0xac: {  	s6 =	sand.u32 $0xFFFFFFFE, s1  }
0xad: {  	p0 =	sne.s32 s1, s6  }
0xae: {  	s6 =	sshll.u32 @p0 s6, $0xE  }
0xaf: {  	s6 =	sadd.s32 @p0 $0x11B8D, s6;
	s7 =	sshll.u32 @p0 s5, $0x11  }
0xb0: {  	s6 =	sor.u32 @p0 s7, s6  }
0xb1: {  	[sflag:s6] =	ssyncadd.remote.s32 @p0 $0x1;
	_ =	sdelay $0x1  }
0xb2: {  	s6 =	simm.s32 @p0 $0x1B8D  }
0xb3: {  	_ =	swait.eq @p0 [sflag:s6], $0x1  }
0xb4: {  	[sflag:s6] =	ssyncadd.s32 @p0 $0xFFFFFFFF  }
0xb5: {  	s7 =	sshll.u32 @!p0 s1, $0xE  }
0xb6: {  	s7 =	sor.u32 @!p0 $0x4000, s7;
	s6 =	simm.s32 @!p0 $0x1B8D  }
0xb7: {  	s5 =	sshll.u32 @!p0 s5, $0x11;
	s7 =	sadd.s32 @!p0 $0x11B8D, s7;
	_ =	swait.eq @!p0 [sflag:s6], $0x1  }
0xb8: {  	s5 =	sor.u32 @!p0 s5, s7;
	[sflag:s6] =	ssyncadd.s32 @!p0 $0xFFFFFFFF  }
0xb9: {  	s25 =	simm.s32 $0x1B8E;
	s24 =	sld [smem:$0x3FFE];
	[sflag:s5] =	ssyncadd.remote.s32 @!p0 $0x1  }
0xba: {  	s26 =	simm.s32 $execute0_lowered;
	[smem:$0x3FD2] =	sst s25  }
0xbb: {  	s6 =	sshll.u32 s26, $0x1;
	_ =	strace $0x80000049;
	[dreg:$0x1] =	wrdreg $0xFFFFFFFF  }
0xbc: {  	s28 =	simm.s32 $_size_execute0_lowered;
	s4 =	sadd.s32 s4, s6;
	[dreg:$0x0] =	wrdreg $0x0  }
0xbd: {  	s6 =	sshll.u32 s28, $0x1;
	[dreg:$0x2] =	wrdreg s4  }
0xbe: {  	[dreg:$0x3] =	wrdreg s6  }
0xbf: {  	[dreg:$0x4] =	wrdreg $0xC0  }
0xc0: {  	_ =	task [dreg:s22], $0x5FFFF  }
0xc1: {  	[dreg:$0x1] =	wrdreg $0xFFFFFFFF  }
0xc2: {  	[dreg:$0x0] =	wrdreg $0x60  }
0xc3: {  	[dreg:$0x2] =	wrdreg s3  }
0xc4: {  	[dreg:$0x3] =	wrdreg s24  }
0xc5: {  	[dreg:$0x4] =	wrdreg $0xA  }
0xc6: {  	_ =	task.clear_ibuf [dreg:s22], $0x5FFFF;
	_ =	strace $0x90000049  }
0xc7: {  	s29 =	simm.s32 $0xA;
	_ =	strace $0x8000004B  }
0xc8: {  	_ =	swait.ge [sflag:s29], $0x1  }
0xc9: {  	[sflag:s29] =	ssyncadd.s32 $0xFFFFFFFF  }
0xca: {  	_ =	strace $0x9000004B  }
0xcb: {  	_ =	sfence  }
0xcc: {  	s30 =	sld [smem:$0x0];
	_ =	sdelay $0x2  }
0xcd: {  	s31 =	sshll.u32 s1, $0xD;
	s1 =	sshrl.u32 s1, $0x2  }
0xce: {  	s4 =	sand.u32 $0x4000, s31;
	s1 =	sadd.s32 s1, s30  }
0xcf: {  	s0 =	sor.u32 s4, s0;
	s1 =	sshll.u32 s1, $0x11  }
0xd0: {  	s0 =	sor.u32 s1, s0  }
0xd1: {  	s0 =	sadd.s32 $0x8F2B, s0  }
0xd2: {  	[sflag:s0] =	ssyncadd.remote.s32 $0x1  }
0xd3: {  	_ =	sfence.sel $0xFFFF  }
0xd4: {  	[dreg:$0x0] =	wrdreg $0xFFFFFFFF;
	(pc) =	sbr.abs _section_cstart, $3  }
0xd5: {  	[dreg:$0x1] =	wrdreg $0xFFFFFFFF  }
0xd6: {  	_ =	task.clear_ibuf [dreg:s22], $0x2FFFF;
	_ =	strace $0x9FFFFFFF  }
0xd7: {  	(tm) =	ssettm $0x7FFFFFFF  }
tec
execute0_lowered:
.L_overlay_start_1:
0x0: {  	(tag) =	ssettag $0x1  }
0x1: {  	s1 =	srdreg.scid;
	s0 =	stileid.u32  }
0x2: {  	s14 =	sand.u32 $0x1, s1;
	s26 =	sshll.u32 s0, $0x1  }
0x3: {  	s13 =	rddreg [dreg:$0x0];
	s8 =	sor.u32 s14, s26  }
0x4: {  	s9 =	rddreg [dreg:$0x1];
	s15 =	smul.u32 $0xC80, s8  }
0x5: {  	s2 =	simm.s32 $0x0;
	s1 =	rddreg [dreg:$0x2]  }
0x6: {  	[smem:$0x7FF] =	sst s2;
	s3 =	sshrl.u32 s15, $0x3  }
0x7: {  	_ =	strace $0x8000004A;
	s4 =	sadd.s32 s13, s3;
	s3 =	simm.s32 $0x2  }
0x8: {  	[tilespmem:s2], [sflag:$0x2] =	stream.linear.gather [hbm4b:s4+s2], $0x320, $0x38;
	[tilespmem:$0xCB20] =	vst v63  }
0x9: {  	_ =	swait.ge [sflag:s3], $0x320  }
0xa: {  	s6 =	simm.s32 $0x320;
	[sflag:s3] =	ssyncset.done $0x0  }
0xb: {  	s7 =	simm.s32 $0x1;
	s5 =	sadd.s32 $0xF46600, s9;
	[sflag:s3] =	ssyncadd.s32 $0xFFFFFCE0  }
0xc: {  	[tilespmem:s6], [sflag:$0x1] =	stream.indirect.gather [hbm4b:s5+s6], $0x40, s2, s6, $0xb8;
	[tilespmem:$0xCB20] =	vst v63  }
0xd: {  	s8 =	smul.u32 $0x6400, s8;
	_ =	swait.ge [sflag:s7], $0xC800  }
0xe: {  	s16 =	sadd.s32 $0xDBC00, s9;
	[sflag:s7] =	ssyncset.done $0x0  }
0xf: {  	s8 =	sadd.s32 s16, s8;
	[sflag:s7] =	ssyncadd.s32 $0xFFFF3800  }
0x10: {  	[hbm4b:s8+s2] =	stream.linear.scatter [tilespmem:s6], [sflag:$0x2], $0xC800, $0x38;
	[tilespmem:$0xCB20] =	vst v63  }
0x11: {  	s10 =	sadd.s32 $0x320, s15;
	_ =	swait.ge [sflag:s3], $0xC800  }
0x12: {  	s28 =	sshrl.u32 s10, $0x3;
	[sflag:s3] =	ssyncset.done $0x0  }
0x13: {  	s9 =	sadd.s32 s13, s28;
	[sflag:s3] =	ssyncadd.s32 $0xFFFF3800  }
0x14: {  	[tilespmem:s2], [sflag:$0x2] =	stream.linear.gather [hbm4b:s9+s2], $0x320, $0x38;
	[tilespmem:$0xCB20] =	vst v63  }
0x15: {  	_ =	swait.ge [sflag:s3], $0x320  }
0x16: {  	[sflag:s3] =	ssyncset.done $0x0  }
0x17: {  	[sflag:s3] =	ssyncadd.s32 $0xFFFFFCE0  }
0x18: {  	[tilespmem:s6], [sflag:$0x1] =	stream.indirect.gather [hbm4b:s5+s6], $0x40, s2, s6, $0xb8;
	[tilespmem:$0xCB20] =	vst v63  }
0x19: {  	_ =	swait.ge [sflag:s7], $0xC800  }
0x1a: {  	s10 =	sshll.u32 s10, $0x3;
	[sflag:s7] =	ssyncset.done $0x0  }
0x1b: {  	s10 =	sadd.s32 s16, s10;
	[sflag:s7] =	ssyncadd.s32 $0xFFFF3800  }
0x1c: {  	[hbm4b:s10+s2] =	stream.linear.scatter [tilespmem:s6], [sflag:$0x2], $0xC800, $0x38;
	[tilespmem:$0xCB20] =	vst v63  }
0x1d: {  	s12 =	sadd.s32 $0x640, s15;
	_ =	swait.ge [sflag:s3], $0xC800  }
0x1e: {  	s11 =	sshrl.u32 s12, $0x3;
	[sflag:s3] =	ssyncset.done $0x0  }
0x1f: {  	s11 =	sadd.s32 s13, s11;
	[sflag:s3] =	ssyncadd.s32 $0xFFFF3800  }
0x20: {  	[tilespmem:s2], [sflag:$0x2] =	stream.linear.gather [hbm4b:s11+s2], $0x320, $0x38;
	[tilespmem:$0xCB20] =	vst v63  }
0x21: {  	_ =	swait.ge [sflag:s3], $0x320  }
0x22: {  	[sflag:s3] =	ssyncset.done $0x0  }
0x23: {  	[sflag:s3] =	ssyncadd.s32 $0xFFFFFCE0  }
0x24: {  	[tilespmem:s6], [sflag:$0x1] =	stream.indirect.gather [hbm4b:s5+s6], $0x40, s2, s6, $0xb8;
	[tilespmem:$0xCB20] =	vst v63  }
0x25: {  	_ =	swait.ge [sflag:s7], $0xC800  }
0x26: {  	s12 =	sshll.u32 s12, $0x3;
	[sflag:s7] =	ssyncset.done $0x0  }
0x27: {  	s12 =	sadd.s32 s16, s12;
	[sflag:s7] =	ssyncadd.s32 $0xFFFF3800  }
0x28: {  	[hbm4b:s12+s2] =	stream.linear.scatter [tilespmem:s6], [sflag:$0x2], $0xC800, $0x38;
	[tilespmem:$0xCB20] =	vst v63  }
0x29: {  	s15 =	sadd.s32 $0x960, s15;
	_ =	swait.ge [sflag:s3], $0xC800  }
0x2a: {  	s17 =	sshrl.u32 s15, $0x3;
	[sflag:s3] =	ssyncset.done $0x0  }
0x2b: {  	s14 =	ssub.s32 $0x2, s14;
	s13 =	sadd.s32 s13, s17;
	[sflag:s3] =	ssyncadd.s32 $0xFFFF3800  }
0x2c: {  	[tilespmem:s2], [sflag:$0x2] =	stream.linear.gather [hbm4b:s13+s2], $0x320, $0x38;
	[tilespmem:$0xCB20] =	vst v63  }
0x2d: {  	s29 =	sshrl.u32 s14, $0x1;
	_ =	swait.ge [sflag:s3], $0x320  }
0x2e: {  	s17 =	ssub.s32 s14, s29;
	[sflag:s3] =	ssyncset.done $0x0  }
0x2f: {  	s31 =	smax.u32 s17, $0x1;
	[sflag:s3] =	ssyncadd.s32 $0xFFFFFCE0  }
0x30: {  	[tilespmem:s6], [sflag:$0x1] =	stream.indirect.gather [hbm4b:s5+s6], $0x40, s2, s6, $0xb8;
	[tilespmem:$0xCB20] =	vst v63  }
0x31: {  	p0 =	sne.s32 s31, $0x1;
	_ =	swait.ge [sflag:s7], $0xC800  }
.Ltmp0:
0x32: {  	s30 =	sshll.u32 s15, $0x3;
	[sflag:s7] =	ssyncset.done $0x0;
	(pc) =	sbr.rel @!p0 .LBB2_2-.Ltmp0, $4  }
0x33: {  	s14 =	sadd.s32 s16, s30;
	[sflag:s7] =	ssyncadd.s32 $0xFFFF3800  }
0x34: {  	[hbm4b:s14+s2] =	stream.linear.scatter [tilespmem:s6], [sflag:$0x2], $0xC800, $0x38;
	[tilespmem:$0xCB20] =	vst v63  }
0x35: {  	_ =	swait.ge [sflag:s3], $0xC800  }
0x36: {  	s15 =	sadd.s32 $0xFFFFFFFF, s31;
	[sflag:s3] =	ssyncset.done $0x0  }
.LBB2_1:
0x37: {  	p0 =	sne.s32 s15, $0x1;
	s15 =	sadd.s32 $0xFFFFFFFF, s15;
	[sflag:s3] =	ssyncadd.s32 $0xFFFF3800  }
0x38: {  	[tilespmem:s2], [sflag:$0x2] =	stream.linear.gather [hbm4b:s4+s2], $0x320, $0x38;
	[tilespmem:$0xCB20] =	vst v63  }
0x39: {  	_ =	swait.ge [sflag:s3], $0x320  }
0x3a: {  	[sflag:s3] =	ssyncset.done $0x0  }
0x3b: {  	[sflag:s3] =	ssyncadd.s32 $0xFFFFFCE0  }
0x3c: {  	[tilespmem:s6], [sflag:$0x1] =	stream.indirect.gather [hbm4b:s5+s6], $0x40, s2, s6, $0xb8;
	[tilespmem:$0xCB20] =	vst v63  }
0x3d: {  	_ =	swait.ge [sflag:s7], $0xC800  }
0x3e: {  	[sflag:s7] =	ssyncset.done $0x0  }
0x3f: {  	[sflag:s7] =	ssyncadd.s32 $0xFFFF3800  }
0x40: {  	[hbm4b:s8+s2] =	stream.linear.scatter [tilespmem:s6], [sflag:$0x2], $0xC800, $0x38;
	[tilespmem:$0xCB20] =	vst v63  }
0x41: {  	_ =	swait.ge [sflag:s3], $0xC800  }
0x42: {  	[sflag:s3] =	ssyncset.done $0x0  }
0x43: {  	[sflag:s3] =	ssyncadd.s32 $0xFFFF3800  }
0x44: {  	[tilespmem:s2], [sflag:$0x2] =	stream.linear.gather [hbm4b:s9+s2], $0x320, $0x38;
	[tilespmem:$0xCB20] =	vst v63  }
0x45: {  	_ =	swait.ge [sflag:s3], $0x320  }
0x46: {  	[sflag:s3] =	ssyncset.done $0x0  }
0x47: {  	[sflag:s3] =	ssyncadd.s32 $0xFFFFFCE0  }
0x48: {  	[tilespmem:s6], [sflag:$0x1] =	stream.indirect.gather [hbm4b:s5+s6], $0x40, s2, s6, $0xb8;
	[tilespmem:$0xCB20] =	vst v63  }
0x49: {  	_ =	swait.ge [sflag:s7], $0xC800  }
0x4a: {  	[sflag:s7] =	ssyncset.done $0x0  }
0x4b: {  	[sflag:s7] =	ssyncadd.s32 $0xFFFF3800  }
0x4c: {  	[hbm4b:s10+s2] =	stream.linear.scatter [tilespmem:s6], [sflag:$0x2], $0xC800, $0x38;
	[tilespmem:$0xCB20] =	vst v63  }
0x4d: {  	_ =	swait.ge [sflag:s3], $0xC800  }
0x4e: {  	[sflag:s3] =	ssyncset.done $0x0  }
0x4f: {  	[sflag:s3] =	ssyncadd.s32 $0xFFFF3800  }
0x50: {  	[tilespmem:s2], [sflag:$0x2] =	stream.linear.gather [hbm4b:s11+s2], $0x320, $0x38;
	[tilespmem:$0xCB20] =	vst v63  }
0x51: {  	_ =	swait.ge [sflag:s3], $0x320  }
0x52: {  	[sflag:s3] =	ssyncset.done $0x0  }
0x53: {  	[sflag:s3] =	ssyncadd.s32 $0xFFFFFCE0  }
0x54: {  	[tilespmem:s6], [sflag:$0x1] =	stream.indirect.gather [hbm4b:s5+s6], $0x40, s2, s6, $0xb8;
	[tilespmem:$0xCB20] =	vst v63  }
0x55: {  	_ =	swait.ge [sflag:s7], $0xC800  }
0x56: {  	[sflag:s7] =	ssyncset.done $0x0  }
0x57: {  	[sflag:s7] =	ssyncadd.s32 $0xFFFF3800  }
0x58: {  	[hbm4b:s12+s2] =	stream.linear.scatter [tilespmem:s6], [sflag:$0x2], $0xC800, $0x38;
	[tilespmem:$0xCB20] =	vst v63  }
0x59: {  	_ =	swait.ge [sflag:s3], $0xC800  }
0x5a: {  	[sflag:s3] =	ssyncset.done $0x0  }
0x5b: {  	[sflag:s3] =	ssyncadd.s32 $0xFFFF3800  }
0x5c: {  	[tilespmem:s2], [sflag:$0x2] =	stream.linear.gather [hbm4b:s13+s2], $0x320, $0x38;
	[tilespmem:$0xCB20] =	vst v63  }
0x5d: {  	_ =	swait.ge [sflag:s3], $0x320  }
0x5e: {  	[sflag:s3] =	ssyncset.done $0x0  }
0x5f: {  	[sflag:s3] =	ssyncadd.s32 $0xFFFFFCE0  }
0x60: {  	[tilespmem:s6], [sflag:$0x1] =	stream.indirect.gather [hbm4b:s5+s6], $0x40, s2, s6, $0xb8;
	[tilespmem:$0xCB20] =	vst v63  }
0x61: {  	_ =	swait.ge [sflag:s7], $0xC800  }
.Ltmp1:
0x62: {  	[sflag:s7] =	ssyncset.done $0x0;
	(pc) =	sbr.rel @p0 .LBB2_1-.Ltmp1, $4  }
0x63: {  	[sflag:s7] =	ssyncadd.s32 $0xFFFF3800  }
0x64: {  	[hbm4b:s14+s2] =	stream.linear.scatter [tilespmem:s6], [sflag:$0x2], $0xC800, $0x38;
	[tilespmem:$0xCB20] =	vst v63  }
0x65: {  	_ =	swait.ge [sflag:s3], $0xC800  }
0x66: {  	[sflag:s3] =	ssyncset.done $0x0  }
.LBB2_2:
0x67: {  	[sflag:s3] =	ssyncadd.s32 $0xFFFF3800  }
0x68: {  	_ =	sfence.sel $0x180000  }
0x69: {  	[bflag:$0x0] =	sbarrier.arrive $0xFFFF  }
0x6a: {  	p0 =	sne.s32 s0, $0x0;
	_ =	strace $0x9000004A  }
0x6b: {  	s0 =	sadd.s32 @!p0 $0x100000, s1;
	[bflag:$0x2] =	sbarrier.arrive $0xFFFF  }
0x6c: {  	[sflag:s0] =	ssyncadd.tile.s32 @!p0 $0x1;
	_ =	shalt  }
.Lfunc_end2:
_tile_overlayer_lowered:
.L_overlay_start_2:
0x6d: {  	(tag) =	ssettag $0x2  }
0x6e: {  	s0 =	rddreg [dreg:$0x0];
	s2 =	stileid.u32  }
0x6f: {  	s1 =	rddreg [dreg:$0x1];
	p0 =	sne.s32 s2, $0x0  }
0x70: {  	s3 =	rddreg [dreg:$0x2];
	[bflag:$0x3] =	sbarrier.arrive $0xFFFF;
	s2 =	simm.s32 @!p0 $0x1C02  }
0x71: {  	[timem:s3], [sflag:s2] =	dma.local @!p0 [hbm:s0], s1  }
0x72: {  	s0 =	simm.s32 @!p0 $0x2  }
0x73: {  	_ =	swait.ge @!p0 [sflag:s0], s1  }
0x74: {  	s1 =	ssub.s32 @!p0 $0x0, s1;
	[sflag:s0] =	ssyncset.done @!p0 $0x0  }
0x75: {  	[sflag:s0] =	ssyncadd.s32 @!p0 s1  }
0x76: {  	[bflag:$0x3] =	sbarrier.arrive $0xFFFF  }
0x77: {  	_ =	shalt  }

// kernel: kernel.24.cloned.1.call-start
scs
__scs_entry_jumppad:
0x0: {  	(pc) =	sbr.rel $0x88, $3  }
0x1: {  	(tag) =	ssettag $0x0;
	lr =	simm.s32 $0x1  }
0x2: {  	[smem:$0x3F9C] =	sst lr;
	_ =	strace $0xD0000000  }
0x3: {  	_ = 	snop  }
0x4: {  	_ = 	snop  }
0x5: {  	_ = 	snop  }
0x6: {  	_ = 	snop  }
0x7: {  	_ = 	snop  }
__scs_overlays_trampoline_lowered:
0x8: {  	[smem:$0x3FAB] =	sst s0  }
0x9: {  	[smem:$0x3FAC] =	sst s1  }
0xa: {  	[smem:$0x3FAD] =	sst s2  }
0xb: {  	[smem:$0x3FAE] =	sst s3  }
0xc: {  	[smem:$0x3FAF] =	sst s4  }
0xd: {  	[smem:$0x3FB0] =	sst s5  }
0xe: {  	[smem:$0x3FB1] =	sst s6  }
0xf: {  	[smem:$0x3FB2] =	sst s7  }
0x10: {  	[smem:$0x3FB3] =	sst s8  }
0x11: {  	[smem:$0x3FB4] =	sst s9;
	s0 =	simm.s32 @!p0 $0x0  }
0x12: {  	s1 =	sld [smem:$0x3F9A];
	s0 =	simm.s32 @p0 $0x1  }
0x13: {  	[smem:$0x3FB5] =	sst s0;
	s0 =	simm.s32 @!p1 $0x0  }
0x14: {  	s2 =	sld [smem:$0x3F99];
	s0 =	simm.s32 @p1 $0x1  }
0x15: {  	[smem:$0x3FB6] =	sst s0;
	s0 =	simm.s32 @!p2 $0x0  }
0x16: {  	s3 =	sld [smem:$0x3FDB];
	s0 =	simm.s32 @p2 $0x1  }
0x17: {  	s4 =	simm.s32 $0x1BF5;
	[smem:$0x3FB8] =	sst s0  }
0x18: {  	s0 =	sld [smem:$0x3F9B];
	_ =	swait.ge [sflag:s4], $0x0  }
0x19: {  	s7 =	sld [smem:$0x3F9C]  }
0x1a: {  	s8 =	sadd.s32 $0xFFFFE003, lr  }
0x1b: {  	s9 =	sadd.s32 $0xFFFFFEF7, lr;
	s5 =	simm.s32 $0xFFFFFFFF;
	p2 =	slt.u32 s8, $0xFFFFF086  }
0x1c: {  	p1 =	slt.u32 s9, $0xF7A;
	s5 =	simm.s32 @!p2 $0x0  }
0x1d: {  	s5 =	simm.s32 @p1 $0x1;
	p0 =	seq.s32 s7, s2  }
0x1e: {  	s7 =	smul.u32 @!p0 $0xF7A, s2;
	p2 =	seq.s32 @!p0 s5, $0x0  }
0x1f: {  	s9 =	smul.u32 $0xF7A, s1;
	s8 =	simm.s32 @!p0 $0x1BF5;
	p2 =	por !p2, p0  }
0x20: {  	[sflag:s8] =	ssyncset.s32 @!p0 $0xFFFFF086;
	s6 =	sadd.s32 @!p0 s3, s7;
	s7 =	simm.s32 @!p0 $0x108  }
0x21: {  	s3 =	sadd.s32 s3, s9;
	s6 =	sadd.s32 @!p0 $0x88, s6;
	s7 =	simm.s32 @p2 $0x1082  }
0x22: {  	[simem:s7], [sflag:s8] =	dma.local @!p0 [hbm:s6], $0xF7A  }
0x23: {  	s9 =	sor.u32 $0xD0000000, s2;
	s6 =	simm.s32 $0x108;
	_ =	swait.ge @!p0 [sflag:s8], $0x0  }
0x24: {  	s3 =	sadd.s32 $0x88, s3;
	s6 =	simm.s32 @!p1 $0x1082;
	[sflag:s4] =	ssyncset.s32 $0xFFFFF086  }
0x25: {  	[simem:s6], [sflag:s4] =	dma.local [hbm:s3], $0xF7A  }
0x26: {  	[smem:$0x3F9C] =	sst s1;
	(tag) =	ssettag s2;
	_ =	strace s9  }
0x27: {  	s1 =	sld [smem:$0x3FAC]  }
0x28: {  	s2 =	sld [smem:$0x3FAD]  }
0x29: {  	s4 =	sld [smem:$0x3FAF]  }
0x2a: {  	p0 =	seq.s32 s5, $0x0;
	s5 =	sld [smem:$0x3FB0]  }
0x2b: {  	s6 =	sld [smem:$0x3FB1]  }
0x2c: {  	s7 =	sld [smem:$0x3FB2]  }
0x2d: {  	s3 =	simm.s32 $0x108;
	s8 =	sld [smem:$0x3FB3]  }
0x2e: {  	s3 =	simm.s32 @!p0 $0x1082;
	s9 =	sld [smem:$0x3FB4]  }
0x2f: {  	lr =	sadd.s32 s0, s3;
	s0 =	sld [smem:$0x3FAB]  }
0x30: {  	s3 =	sld [smem:$0x3FAE]  }
0x31: {  	[smem:$0x3FB7] =	sst s10  }
0x32: {  	s10 =	sld [smem:$0x3FB5];
	_ =	sdelay $0x3  }
0x33: {  	p0 =	seq.s32 s10, $0x1;
	s10 =	sld [smem:$0x3FB7];
	_ =	sdelay $0x3  }
0x34: {  	[smem:$0x3FB7] =	sst s10  }
0x35: {  	s10 =	sld [smem:$0x3FB6];
	_ =	sdelay $0x3  }
0x36: {  	p1 =	seq.s32 s10, $0x1;
	s10 =	sld [smem:$0x3FB7];
	_ =	sdelay $0x3  }
0x37: {  	[smem:$0x3FB7] =	sst s10  }
0x38: {  	s10 =	sld [smem:$0x3FB8]  }
0x39: {  	_ = 	snop;
	(pc) =	sbr.ind lr, $3  }
0x3a: {  	_ = 	snop  }
0x3b: {  	_ = 	snop  }
0x3c: {  	p2 =	seq.s32 s10, $0x1;
	s10 =	sld [smem:$0x3FB7]  }
0x3d: {  	_ =	shalt  }
0x3e: {  	_ =	shalt  }
0x3f: {  	_ =	shalt  }
0x40: {  	_ =	shalt  }
0x41: {  	_ =	shalt  }
0x42: {  	_ =	shalt  }
0x43: {  	_ =	shalt  }
0x44: {  	_ =	shalt  }
0x45: {  	_ =	shalt  }
0x46: {  	_ =	shalt  }
0x47: {  	_ =	shalt  }
0x48: {  	_ =	shalt  }
0x49: {  	_ =	shalt  }
0x4a: {  	_ =	shalt  }
0x4b: {  	_ =	shalt  }
0x4c: {  	_ =	shalt  }
0x4d: {  	_ =	shalt  }
0x4e: {  	_ =	shalt  }
0x4f: {  	_ =	shalt  }
0x50: {  	_ =	shalt  }
0x51: {  	_ =	shalt  }
0x52: {  	_ =	shalt  }
0x53: {  	_ =	shalt  }
0x54: {  	_ =	shalt  }
0x55: {  	_ =	shalt  }
0x56: {  	_ =	shalt  }
0x57: {  	_ =	shalt  }
0x58: {  	_ =	shalt  }
0x59: {  	_ =	shalt  }
0x5a: {  	_ =	shalt  }
0x5b: {  	_ =	shalt  }
0x5c: {  	_ =	shalt  }
0x5d: {  	_ =	shalt  }
0x5e: {  	_ =	shalt  }
0x5f: {  	_ =	shalt  }
0x60: {  	_ =	shalt  }
0x61: {  	_ =	shalt  }
0x62: {  	_ =	shalt  }
0x63: {  	_ =	shalt  }
0x64: {  	_ =	shalt  }
0x65: {  	_ =	shalt  }
0x66: {  	_ =	shalt  }
0x67: {  	_ =	shalt  }
0x68: {  	_ =	shalt  }
0x69: {  	_ =	shalt  }
0x6a: {  	_ =	shalt  }
0x6b: {  	_ =	shalt  }
0x6c: {  	_ =	shalt  }
0x6d: {  	_ =	shalt  }
0x6e: {  	_ =	shalt  }
0x6f: {  	_ =	shalt  }
0x70: {  	_ =	shalt  }
0x71: {  	_ =	shalt  }
0x72: {  	_ =	shalt  }
0x73: {  	_ =	shalt  }
0x74: {  	_ =	shalt  }
0x75: {  	_ =	shalt  }
0x76: {  	_ =	shalt  }
0x77: {  	_ =	shalt  }
0x78: {  	_ =	shalt  }
0x79: {  	_ =	shalt  }
0x7a: {  	_ =	shalt  }
0x7b: {  	_ =	shalt  }
0x7c: {  	_ =	shalt  }
0x7d: {  	_ =	shalt  }
0x7e: {  	_ =	shalt  }
0x7f: {  	_ =	shalt  }
0x80: {  	_ =	shalt  }
0x81: {  	_ =	shalt  }
0x82: {  	_ =	shalt  }
0x83: {  	_ =	shalt  }
0x84: {  	_ =	shalt  }
0x85: {  	_ =	shalt  }
0x86: {  	_ =	shalt  }
0x87: {  	_ =	shalt  }
.Lfunc_end0:
.L_simem_size_0:
called_computation.2_lowered:
.L_overlay_start_0:
0x88: {  	s2 =	sld [smem:$0x3FD9]  }
0x89: {  	s3 =	sld [smem:$0x3FFE];
	_ =	sdelay $0x1  }
0x8a: {  	s1 =	srdreg.scid  }
0x8b: {  	s0 =	sand.u32 $0x1, s1  }
0x8c: {  	s16 =	sshll.u32 s0, $0xA;
	s2 =	sadd.s32 s3, s2  }
0x8d: {  	s2 =	sadd.s32 s2, s16  }
0x8e: {  	[smem:$0x3FC3] =	sst s2  }
0x8f: {  	_ = 	snop  }
0x90: {  	s2 =	sld [smem:$0x3FD0];
	_ =	sdelay $0x2  }
0x91: {  	s17 =	simm.s32 $0x11;
	s4 =	simm.s32 $0x10  }
0x92: {  	[smem:s4], [sflag:s17] =	dma.local [hbm:s2], $0x1  }
0x93: {  	_ =	swait.eq [sflag:s17], $0x1  }
0x94: {  	[sflag:s17] =	ssyncset.done $0x0  }
0x95: {  	[sflag:s17] =	ssyncadd.s32 $0xFFFFFFFF  }
0x96: {  	s3 =	sld [smem:$0x11];
	(tm) =	ssettm $0x1  }
0x97: {  	s18 =	sld [smem:$0x3FFB];
	_ =	sdelay $0x3  }
0x98: {  	_ =	strace s18  }
0x99: {  	s2 =	sld [smem:$0x3FFC];
	_ =	sdelay $0x3  }
0x9a: {  	_ =	strace s2  }
0x9b: {  	s2 =	sld [smem:$0x3FFD];
	_ =	sdelay $0x3  }
0x9c: {  	_ =	strace s2  }
0x9d: {  	_ =	strace $0x8FFFFFFF  }
0x9e: {  	s19 =	sld [smem:$0x3FDB];
	_ =	sdelay $0x1  }
0x9f: {  	s20 =	simm.s32 $_scs_section_size  }
0xa0: {  	s5 =	simm.s32 $_size__tile_overlayer_lowered;
	s6 =	simm.s32 $_tile_overlayer_lowered  }
0xa1: {  	s7 =	simm.s32 $0x1BFF;
	s21 =	sshll.u32 s6, $0x1;
	s4 =	sadd.s32 s20, s19  }
0xa2: {  	s22 =	simm.s32 $0x0;
	s5 =	sshll.u32 s5, $0x1;
	s6 =	sadd.s32 s21, s4  }
0xa3: {  	[timem:s22], [sflag:s7] =	dma.local [hbm:s6], s5  }
0xa4: {  	_ =	swait.ge [sflag:s7], s5  }
0xa5: {  	s5 =	ssub.s32 $0x0, s5;
	[sflag:s7] =	ssyncset.done $0x0  }
0xa6: {  	[sflag:s7] =	ssyncadd.s32 s5;
	_ =	sdelay $0x1  }
0xa7: {  	s23 =	simm.s32 $0x1B8B  }
0xa8: {  	_ =	swait.ge [sflag:s23], $0x1  }
0xa9: {  	[sflag:s23] =	ssyncset.done $0x0  }
0xaa: {  	[sflag:s23] =	ssyncadd.s32 $0xFFFFFFFF  }
0xab: {  	s5 =	sld [smem:$0x0]  }
0xac: {  	s6 =	sand.u32 $0xFFFFFFFE, s1  }
0xad: {  	p0 =	sne.s32 s1, s6  }
0xae: {  	s6 =	sshll.u32 @p0 s6, $0xE  }
0xaf: {  	s6 =	sadd.s32 @p0 $0x11B8D, s6;
	s7 =	sshll.u32 @p0 s5, $0x11  }
0xb0: {  	s6 =	sor.u32 @p0 s7, s6  }
0xb1: {  	[sflag:s6] =	ssyncadd.remote.s32 @p0 $0x1;
	_ =	sdelay $0x1  }
0xb2: {  	s6 =	simm.s32 @p0 $0x1B8D  }
0xb3: {  	_ =	swait.eq @p0 [sflag:s6], $0x1  }
0xb4: {  	[sflag:s6] =	ssyncadd.s32 @p0 $0xFFFFFFFF  }
0xb5: {  	s7 =	sshll.u32 @!p0 s1, $0xE  }
0xb6: {  	s7 =	sor.u32 @!p0 $0x4000, s7;
	s6 =	simm.s32 @!p0 $0x1B8D  }
0xb7: {  	s5 =	sshll.u32 @!p0 s5, $0x11;
	s7 =	sadd.s32 @!p0 $0x11B8D, s7;
	_ =	swait.eq @!p0 [sflag:s6], $0x1  }
0xb8: {  	s5 =	sor.u32 @!p0 s5, s7;
	[sflag:s6] =	ssyncadd.s32 @!p0 $0xFFFFFFFF  }
0xb9: {  	s25 =	simm.s32 $0x1B8E;
	s24 =	sld [smem:$0x3FFE];
	[sflag:s5] =	ssyncadd.remote.s32 @!p0 $0x1  }
0xba: {  	s26 =	simm.s32 $execute0_lowered;
	[smem:$0x3FD2] =	sst s25  }
0xbb: {  	s6 =	sshll.u32 s26, $0x1;
	_ =	strace $0x8000004C;
	[dreg:$0x1] =	wrdreg $0xFFFFFFFF  }
0xbc: {  	s28 =	simm.s32 $_size_execute0_lowered;
	s4 =	sadd.s32 s4, s6;
	[dreg:$0x0] =	wrdreg $0x0  }
0xbd: {  	s6 =	sshll.u32 s28, $0x1;
	[dreg:$0x2] =	wrdreg s4  }
0xbe: {  	[dreg:$0x3] =	wrdreg s6  }
0xbf: {  	[dreg:$0x4] =	wrdreg $0xC0  }
0xc0: {  	_ =	task [dreg:s22], $0x5FFFF  }
0xc1: {  	[dreg:$0x1] =	wrdreg $0xFFFFFFFF  }
0xc2: {  	[dreg:$0x0] =	wrdreg $0x60  }
0xc3: {  	[dreg:$0x2] =	wrdreg s3  }
0xc4: {  	[dreg:$0x3] =	wrdreg s24  }
0xc5: {  	[dreg:$0x4] =	wrdreg $0xB  }
0xc6: {  	_ =	task.clear_ibuf [dreg:s22], $0x5FFFF;
	_ =	strace $0x9000004C  }
0xc7: {  	s29 =	simm.s32 $0xB;
	_ =	strace $0x8000004E  }
0xc8: {  	_ =	swait.ge [sflag:s29], $0x1  }
0xc9: {  	[sflag:s29] =	ssyncadd.s32 $0xFFFFFFFF  }
0xca: {  	_ =	strace $0x9000004E  }
0xcb: {  	_ =	sfence  }
0xcc: {  	s30 =	sld [smem:$0x0];
	_ =	sdelay $0x2  }
0xcd: {  	s31 =	sshll.u32 s1, $0xD;
	s1 =	sshrl.u32 s1, $0x2  }
0xce: {  	s4 =	sand.u32 $0x4000, s31;
	s1 =	sadd.s32 s1, s30  }
0xcf: {  	s0 =	sor.u32 s4, s0;
	s1 =	sshll.u32 s1, $0x11  }
0xd0: {  	s0 =	sor.u32 s1, s0  }
0xd1: {  	s0 =	sadd.s32 $0x8F2B, s0  }
0xd2: {  	[sflag:s0] =	ssyncadd.remote.s32 $0x1  }
0xd3: {  	_ =	sfence.sel $0xFFFF  }
0xd4: {  	[dreg:$0x0] =	wrdreg $0xFFFFFFFF;
	(pc) =	sbr.abs _section_cstart, $3  }
0xd5: {  	[dreg:$0x1] =	wrdreg $0xFFFFFFFF  }
0xd6: {  	_ =	task.clear_ibuf [dreg:s22], $0x2FFFF;
	_ =	strace $0x9FFFFFFF  }
0xd7: {  	(tm) =	ssettm $0x7FFFFFFF  }
tec
execute0_lowered:
.L_overlay_start_1:
0x0: {  	(tag) =	ssettag $0x1  }
0x1: {  	s1 =	srdreg.scid;
	s0 =	stileid.u32  }
0x2: {  	s14 =	sand.u32 $0x1, s1;
	s26 =	sshll.u32 s0, $0x1  }
0x3: {  	s13 =	rddreg [dreg:$0x0];
	s8 =	sor.u32 s14, s26  }
0x4: {  	s9 =	rddreg [dreg:$0x1];
	s15 =	smul.u32 $0xC80, s8  }
0x5: {  	s2 =	simm.s32 $0x0;
	s1 =	rddreg [dreg:$0x2]  }
0x6: {  	[smem:$0x7FF] =	sst s2;
	s3 =	sshrl.u32 s15, $0x3  }
0x7: {  	_ =	strace $0x8000004D;
	s4 =	sadd.s32 s13, s3;
	s3 =	simm.s32 $0x2  }
0x8: {  	[tilespmem:s2], [sflag:$0x2] =	stream.linear.gather [hbm4b:s4+s2], $0x320, $0x38;
	[tilespmem:$0xCB20] =	vst v63  }
0x9: {  	_ =	swait.ge [sflag:s3], $0x320  }
0xa: {  	s6 =	simm.s32 $0x320;
	[sflag:s3] =	ssyncset.done $0x0  }
0xb: {  	s7 =	simm.s32 $0x1;
	s5 =	sadd.s32 $0xF46600, s9;
	[sflag:s3] =	ssyncadd.s32 $0xFFFFFCE0  }
0xc: {  	[tilespmem:s6], [sflag:$0x1] =	stream.indirect.gather [hbm4b:s5+s6], $0x40, s2, s6, $0xb8;
	[tilespmem:$0xCB20] =	vst v63  }
0xd: {  	s8 =	smul.u32 $0x6400, s8;
	_ =	swait.ge [sflag:s7], $0xC800  }
0xe: {  	s16 =	sadd.s32 $0x1A3C00, s9;
	[sflag:s7] =	ssyncset.done $0x0  }
0xf: {  	s8 =	sadd.s32 s16, s8;
	[sflag:s7] =	ssyncadd.s32 $0xFFFF3800  }
0x10: {  	[hbm4b:s8+s2] =	stream.linear.scatter [tilespmem:s6], [sflag:$0x2], $0xC800, $0x38;
	[tilespmem:$0xCB20] =	vst v63  }
0x11: {  	s10 =	sadd.s32 $0x320, s15;
	_ =	swait.ge [sflag:s3], $0xC800  }
0x12: {  	s28 =	sshrl.u32 s10, $0x3;
	[sflag:s3] =	ssyncset.done $0x0  }
0x13: {  	s9 =	sadd.s32 s13, s28;
	[sflag:s3] =	ssyncadd.s32 $0xFFFF3800  }
0x14: {  	[tilespmem:s2], [sflag:$0x2] =	stream.linear.gather [hbm4b:s9+s2], $0x320, $0x38;
	[tilespmem:$0xCB20] =	vst v63  }
0x15: {  	_ =	swait.ge [sflag:s3], $0x320  }
0x16: {  	[sflag:s3] =	ssyncset.done $0x0  }
0x17: {  	[sflag:s3] =	ssyncadd.s32 $0xFFFFFCE0  }
0x18: {  	[tilespmem:s6], [sflag:$0x1] =	stream.indirect.gather [hbm4b:s5+s6], $0x40, s2, s6, $0xb8;
	[tilespmem:$0xCB20] =	vst v63  }
0x19: {  	_ =	swait.ge [sflag:s7], $0xC800  }
0x1a: {  	s10 =	sshll.u32 s10, $0x3;
	[sflag:s7] =	ssyncset.done $0x0  }
0x1b: {  	s10 =	sadd.s32 s16, s10;
	[sflag:s7] =	ssyncadd.s32 $0xFFFF3800  }
0x1c: {  	[hbm4b:s10+s2] =	stream.linear.scatter [tilespmem:s6], [sflag:$0x2], $0xC800, $0x38;
	[tilespmem:$0xCB20] =	vst v63  }
0x1d: {  	s12 =	sadd.s32 $0x640, s15;
	_ =	swait.ge [sflag:s3], $0xC800  }
0x1e: {  	s11 =	sshrl.u32 s12, $0x3;
	[sflag:s3] =	ssyncset.done $0x0  }
0x1f: {  	s11 =	sadd.s32 s13, s11;
	[sflag:s3] =	ssyncadd.s32 $0xFFFF3800  }
0x20: {  	[tilespmem:s2], [sflag:$0x2] =	stream.linear.gather [hbm4b:s11+s2], $0x320, $0x38;
	[tilespmem:$0xCB20] =	vst v63  }
0x21: {  	_ =	swait.ge [sflag:s3], $0x320  }
0x22: {  	[sflag:s3] =	ssyncset.done $0x0  }
0x23: {  	[sflag:s3] =	ssyncadd.s32 $0xFFFFFCE0  }
0x24: {  	[tilespmem:s6], [sflag:$0x1] =	stream.indirect.gather [hbm4b:s5+s6], $0x40, s2, s6, $0xb8;
	[tilespmem:$0xCB20] =	vst v63  }
0x25: {  	_ =	swait.ge [sflag:s7], $0xC800  }
0x26: {  	s12 =	sshll.u32 s12, $0x3;
	[sflag:s7] =	ssyncset.done $0x0  }
0x27: {  	s12 =	sadd.s32 s16, s12;
	[sflag:s7] =	ssyncadd.s32 $0xFFFF3800  }
0x28: {  	[hbm4b:s12+s2] =	stream.linear.scatter [tilespmem:s6], [sflag:$0x2], $0xC800, $0x38;
	[tilespmem:$0xCB20] =	vst v63  }
0x29: {  	s15 =	sadd.s32 $0x960, s15;
	_ =	swait.ge [sflag:s3], $0xC800  }
0x2a: {  	s17 =	sshrl.u32 s15, $0x3;
	[sflag:s3] =	ssyncset.done $0x0  }
0x2b: {  	s14 =	ssub.s32 $0x2, s14;
	s13 =	sadd.s32 s13, s17;
	[sflag:s3] =	ssyncadd.s32 $0xFFFF3800  }
0x2c: {  	[tilespmem:s2], [sflag:$0x2] =	stream.linear.gather [hbm4b:s13+s2], $0x320, $0x38;
	[tilespmem:$0xCB20] =	vst v63  }
0x2d: {  	s29 =	sshrl.u32 s14, $0x1;
	_ =	swait.ge [sflag:s3], $0x320  }
0x2e: {  	s17 =	ssub.s32 s14, s29;
	[sflag:s3] =	ssyncset.done $0x0  }
0x2f: {  	s31 =	smax.u32 s17, $0x1;
	[sflag:s3] =	ssyncadd.s32 $0xFFFFFCE0  }
0x30: {  	[tilespmem:s6], [sflag:$0x1] =	stream.indirect.gather [hbm4b:s5+s6], $0x40, s2, s6, $0xb8;
	[tilespmem:$0xCB20] =	vst v63  }
0x31: {  	p0 =	sne.s32 s31, $0x1;
	_ =	swait.ge [sflag:s7], $0xC800  }
.Ltmp0:
0x32: {  	s30 =	sshll.u32 s15, $0x3;
	[sflag:s7] =	ssyncset.done $0x0;
	(pc) =	sbr.rel @!p0 .LBB2_2-.Ltmp0, $4  }
0x33: {  	s14 =	sadd.s32 s16, s30;
	[sflag:s7] =	ssyncadd.s32 $0xFFFF3800  }
0x34: {  	[hbm4b:s14+s2] =	stream.linear.scatter [tilespmem:s6], [sflag:$0x2], $0xC800, $0x38;
	[tilespmem:$0xCB20] =	vst v63  }
0x35: {  	_ =	swait.ge [sflag:s3], $0xC800  }
0x36: {  	s15 =	sadd.s32 $0xFFFFFFFF, s31;
	[sflag:s3] =	ssyncset.done $0x0  }
.LBB2_1:
0x37: {  	p0 =	sne.s32 s15, $0x1;
	s15 =	sadd.s32 $0xFFFFFFFF, s15;
	[sflag:s3] =	ssyncadd.s32 $0xFFFF3800  }
0x38: {  	[tilespmem:s2], [sflag:$0x2] =	stream.linear.gather [hbm4b:s4+s2], $0x320, $0x38;
	[tilespmem:$0xCB20] =	vst v63  }
0x39: {  	_ =	swait.ge [sflag:s3], $0x320  }
0x3a: {  	[sflag:s3] =	ssyncset.done $0x0  }
0x3b: {  	[sflag:s3] =	ssyncadd.s32 $0xFFFFFCE0  }
0x3c: {  	[tilespmem:s6], [sflag:$0x1] =	stream.indirect.gather [hbm4b:s5+s6], $0x40, s2, s6, $0xb8;
	[tilespmem:$0xCB20] =	vst v63  }
0x3d: {  	_ =	swait.ge [sflag:s7], $0xC800  }
0x3e: {  	[sflag:s7] =	ssyncset.done $0x0  }
0x3f: {  	[sflag:s7] =	ssyncadd.s32 $0xFFFF3800  }
0x40: {  	[hbm4b:s8+s2] =	stream.linear.scatter [tilespmem:s6], [sflag:$0x2], $0xC800, $0x38;
	[tilespmem:$0xCB20] =	vst v63  }
0x41: {  	_ =	swait.ge [sflag:s3], $0xC800  }
0x42: {  	[sflag:s3] =	ssyncset.done $0x0  }
0x43: {  	[sflag:s3] =	ssyncadd.s32 $0xFFFF3800  }
0x44: {  	[tilespmem:s2], [sflag:$0x2] =	stream.linear.gather [hbm4b:s9+s2], $0x320, $0x38;
	[tilespmem:$0xCB20] =	vst v63  }
0x45: {  	_ =	swait.ge [sflag:s3], $0x320  }
0x46: {  	[sflag:s3] =	ssyncset.done $0x0  }
0x47: {  	[sflag:s3] =	ssyncadd.s32 $0xFFFFFCE0  }
0x48: {  	[tilespmem:s6], [sflag:$0x1] =	stream.indirect.gather [hbm4b:s5+s6], $0x40, s2, s6, $0xb8;
	[tilespmem:$0xCB20] =	vst v63  }
0x49: {  	_ =	swait.ge [sflag:s7], $0xC800  }
0x4a: {  	[sflag:s7] =	ssyncset.done $0x0  }
0x4b: {  	[sflag:s7] =	ssyncadd.s32 $0xFFFF3800  }
0x4c: {  	[hbm4b:s10+s2] =	stream.linear.scatter [tilespmem:s6], [sflag:$0x2], $0xC800, $0x38;
	[tilespmem:$0xCB20] =	vst v63  }
0x4d: {  	_ =	swait.ge [sflag:s3], $0xC800  }
0x4e: {  	[sflag:s3] =	ssyncset.done $0x0  }
0x4f: {  	[sflag:s3] =	ssyncadd.s32 $0xFFFF3800  }
0x50: {  	[tilespmem:s2], [sflag:$0x2] =	stream.linear.gather [hbm4b:s11+s2], $0x320, $0x38;
	[tilespmem:$0xCB20] =	vst v63  }
0x51: {  	_ =	swait.ge [sflag:s3], $0x320  }
0x52: {  	[sflag:s3] =	ssyncset.done $0x0  }
0x53: {  	[sflag:s3] =	ssyncadd.s32 $0xFFFFFCE0  }
0x54: {  	[tilespmem:s6], [sflag:$0x1] =	stream.indirect.gather [hbm4b:s5+s6], $0x40, s2, s6, $0xb8;
	[tilespmem:$0xCB20] =	vst v63  }
0x55: {  	_ =	swait.ge [sflag:s7], $0xC800  }
0x56: {  	[sflag:s7] =	ssyncset.done $0x0  }
0x57: {  	[sflag:s7] =	ssyncadd.s32 $0xFFFF3800  }
0x58: {  	[hbm4b:s12+s2] =	stream.linear.scatter [tilespmem:s6], [sflag:$0x2], $0xC800, $0x38;
	[tilespmem:$0xCB20] =	vst v63  }
0x59: {  	_ =	swait.ge [sflag:s3], $0xC800  }
0x5a: {  	[sflag:s3] =	ssyncset.done $0x0  }
0x5b: {  	[sflag:s3] =	ssyncadd.s32 $0xFFFF3800  }
0x5c: {  	[tilespmem:s2], [sflag:$0x2] =	stream.linear.gather [hbm4b:s13+s2], $0x320, $0x38;
	[tilespmem:$0xCB20] =	vst v63  }
0x5d: {  	_ =	swait.ge [sflag:s3], $0x320  }
0x5e: {  	[sflag:s3] =	ssyncset.done $0x0  }
0x5f: {  	[sflag:s3] =	ssyncadd.s32 $0xFFFFFCE0  }
0x60: {  	[tilespmem:s6], [sflag:$0x1] =	stream.indirect.gather [hbm4b:s5+s6], $0x40, s2, s6, $0xb8;
	[tilespmem:$0xCB20] =	vst v63  }
0x61: {  	_ =	swait.ge [sflag:s7], $0xC800  }
.Ltmp1:
0x62: {  	[sflag:s7] =	ssyncset.done $0x0;
	(pc) =	sbr.rel @p0 .LBB2_1-.Ltmp1, $4  }
0x63: {  	[sflag:s7] =	ssyncadd.s32 $0xFFFF3800  }
0x64: {  	[hbm4b:s14+s2] =	stream.linear.scatter [tilespmem:s6], [sflag:$0x2], $0xC800, $0x38;
	[tilespmem:$0xCB20] =	vst v63  }
0x65: {  	_ =	swait.ge [sflag:s3], $0xC800  }
0x66: {  	[sflag:s3] =	ssyncset.done $0x0  }
.LBB2_2:
0x67: {  	[sflag:s3] =	ssyncadd.s32 $0xFFFF3800  }
0x68: {  	_ =	sfence.sel $0x180000  }
0x69: {  	[bflag:$0x0] =	sbarrier.arrive $0xFFFF  }
0x6a: {  	p0 =	sne.s32 s0, $0x0;
	_ =	strace $0x9000004D  }
0x6b: {  	s0 =	sadd.s32 @!p0 $0x100000, s1;
	[bflag:$0x2] =	sbarrier.arrive $0xFFFF  }
0x6c: {  	[sflag:s0] =	ssyncadd.tile.s32 @!p0 $0x1;
	_ =	shalt  }
.Lfunc_end2:
_tile_overlayer_lowered:
.L_overlay_start_2:
0x6d: {  	(tag) =	ssettag $0x2  }
0x6e: {  	s0 =	rddreg [dreg:$0x0];
	s2 =	stileid.u32  }
0x6f: {  	s1 =	rddreg [dreg:$0x1];
	p0 =	sne.s32 s2, $0x0  }
0x70: {  	s3 =	rddreg [dreg:$0x2];
	[bflag:$0x3] =	sbarrier.arrive $0xFFFF;
	s2 =	simm.s32 @!p0 $0x1C02  }
0x71: {  	[timem:s3], [sflag:s2] =	dma.local @!p0 [hbm:s0], s1  }
0x72: {  	s0 =	simm.s32 @!p0 $0x2  }
0x73: {  	_ =	swait.ge @!p0 [sflag:s0], s1  }
0x74: {  	s1 =	ssub.s32 @!p0 $0x0, s1;
	[sflag:s0] =	ssyncset.done @!p0 $0x0  }
0x75: {  	[sflag:s0] =	ssyncadd.s32 @!p0 s1  }
0x76: {  	[bflag:$0x3] =	sbarrier.arrive $0xFFFF  }
0x77: {  	_ =	shalt  }

// kernel: kernel.27.cloned.1.call-start
scs
__scs_entry_jumppad:
0x0: {  	(pc) =	sbr.rel $0x88, $3  }
0x1: {  	(tag) =	ssettag $0x0;
	lr =	simm.s32 $0x1  }
0x2: {  	[smem:$0x3F9C] =	sst lr;
	_ =	strace $0xD0000000  }
0x3: {  	_ = 	snop  }
0x4: {  	_ = 	snop  }
0x5: {  	_ = 	snop  }
0x6: {  	_ = 	snop  }
0x7: {  	_ = 	snop  }
__scs_overlays_trampoline_lowered:
0x8: {  	[smem:$0x3FAB] =	sst s0  }
0x9: {  	[smem:$0x3FAC] =	sst s1  }
0xa: {  	[smem:$0x3FAD] =	sst s2  }
0xb: {  	[smem:$0x3FAE] =	sst s3  }
0xc: {  	[smem:$0x3FAF] =	sst s4  }
0xd: {  	[smem:$0x3FB0] =	sst s5  }
0xe: {  	[smem:$0x3FB1] =	sst s6  }
0xf: {  	[smem:$0x3FB2] =	sst s7  }
0x10: {  	[smem:$0x3FB3] =	sst s8  }
0x11: {  	[smem:$0x3FB4] =	sst s9;
	s0 =	simm.s32 @!p0 $0x0  }
0x12: {  	s1 =	sld [smem:$0x3F9A];
	s0 =	simm.s32 @p0 $0x1  }
0x13: {  	[smem:$0x3FB5] =	sst s0;
	s0 =	simm.s32 @!p1 $0x0  }
0x14: {  	s2 =	sld [smem:$0x3F99];
	s0 =	simm.s32 @p1 $0x1  }
0x15: {  	[smem:$0x3FB6] =	sst s0;
	s0 =	simm.s32 @!p2 $0x0  }
0x16: {  	s3 =	sld [smem:$0x3FDB];
	s0 =	simm.s32 @p2 $0x1  }
0x17: {  	s4 =	simm.s32 $0x1BF5;
	[smem:$0x3FB8] =	sst s0  }
0x18: {  	s0 =	sld [smem:$0x3F9B];
	_ =	swait.ge [sflag:s4], $0x0  }
0x19: {  	s7 =	sld [smem:$0x3F9C]  }
0x1a: {  	s8 =	sadd.s32 $0xFFFFE003, lr  }
0x1b: {  	s9 =	sadd.s32 $0xFFFFFEF7, lr;
	s5 =	simm.s32 $0xFFFFFFFF;
	p2 =	slt.u32 s8, $0xFFFFF086  }
0x1c: {  	p1 =	slt.u32 s9, $0xF7A;
	s5 =	simm.s32 @!p2 $0x0  }
0x1d: {  	s5 =	simm.s32 @p1 $0x1;
	p0 =	seq.s32 s7, s2  }
0x1e: {  	s7 =	smul.u32 @!p0 $0xF7A, s2;
	p2 =	seq.s32 @!p0 s5, $0x0  }
0x1f: {  	s9 =	smul.u32 $0xF7A, s1;
	s8 =	simm.s32 @!p0 $0x1BF5;
	p2 =	por !p2, p0  }
0x20: {  	[sflag:s8] =	ssyncset.s32 @!p0 $0xFFFFF086;
	s6 =	sadd.s32 @!p0 s3, s7;
	s7 =	simm.s32 @!p0 $0x108  }
0x21: {  	s3 =	sadd.s32 s3, s9;
	s6 =	sadd.s32 @!p0 $0x88, s6;
	s7 =	simm.s32 @p2 $0x1082  }
0x22: {  	[simem:s7], [sflag:s8] =	dma.local @!p0 [hbm:s6], $0xF7A  }
0x23: {  	s9 =	sor.u32 $0xD0000000, s2;
	s6 =	simm.s32 $0x108;
	_ =	swait.ge @!p0 [sflag:s8], $0x0  }
0x24: {  	s3 =	sadd.s32 $0x88, s3;
	s6 =	simm.s32 @!p1 $0x1082;
	[sflag:s4] =	ssyncset.s32 $0xFFFFF086  }
0x25: {  	[simem:s6], [sflag:s4] =	dma.local [hbm:s3], $0xF7A  }
0x26: {  	[smem:$0x3F9C] =	sst s1;
	(tag) =	ssettag s2;
	_ =	strace s9  }
0x27: {  	s1 =	sld [smem:$0x3FAC]  }
0x28: {  	s2 =	sld [smem:$0x3FAD]  }
0x29: {  	s4 =	sld [smem:$0x3FAF]  }
0x2a: {  	p0 =	seq.s32 s5, $0x0;
	s5 =	sld [smem:$0x3FB0]  }
0x2b: {  	s6 =	sld [smem:$0x3FB1]  }
0x2c: {  	s7 =	sld [smem:$0x3FB2]  }
0x2d: {  	s3 =	simm.s32 $0x108;
	s8 =	sld [smem:$0x3FB3]  }
0x2e: {  	s3 =	simm.s32 @!p0 $0x1082;
	s9 =	sld [smem:$0x3FB4]  }
0x2f: {  	lr =	sadd.s32 s0, s3;
	s0 =	sld [smem:$0x3FAB]  }
0x30: {  	s3 =	sld [smem:$0x3FAE]  }
0x31: {  	[smem:$0x3FB7] =	sst s10  }
0x32: {  	s10 =	sld [smem:$0x3FB5];
	_ =	sdelay $0x3  }
0x33: {  	p0 =	seq.s32 s10, $0x1;
	s10 =	sld [smem:$0x3FB7];
	_ =	sdelay $0x3  }
0x34: {  	[smem:$0x3FB7] =	sst s10  }
0x35: {  	s10 =	sld [smem:$0x3FB6];
	_ =	sdelay $0x3  }
0x36: {  	p1 =	seq.s32 s10, $0x1;
	s10 =	sld [smem:$0x3FB7];
	_ =	sdelay $0x3  }
0x37: {  	[smem:$0x3FB7] =	sst s10  }
0x38: {  	s10 =	sld [smem:$0x3FB8]  }
0x39: {  	_ = 	snop;
	(pc) =	sbr.ind lr, $3  }
0x3a: {  	_ = 	snop  }
0x3b: {  	_ = 	snop  }
0x3c: {  	p2 =	seq.s32 s10, $0x1;
	s10 =	sld [smem:$0x3FB7]  }
0x3d: {  	_ =	shalt  }
0x3e: {  	_ =	shalt  }
0x3f: {  	_ =	shalt  }
0x40: {  	_ =	shalt  }
0x41: {  	_ =	shalt  }
0x42: {  	_ =	shalt  }
0x43: {  	_ =	shalt  }
0x44: {  	_ =	shalt  }
0x45: {  	_ =	shalt  }
0x46: {  	_ =	shalt  }
0x47: {  	_ =	shalt  }
0x48: {  	_ =	shalt  }
0x49: {  	_ =	shalt  }
0x4a: {  	_ =	shalt  }
0x4b: {  	_ =	shalt  }
0x4c: {  	_ =	shalt  }
0x4d: {  	_ =	shalt  }
0x4e: {  	_ =	shalt  }
0x4f: {  	_ =	shalt  }
0x50: {  	_ =	shalt  }
0x51: {  	_ =	shalt  }
0x52: {  	_ =	shalt  }
0x53: {  	_ =	shalt  }
0x54: {  	_ =	shalt  }
0x55: {  	_ =	shalt  }
0x56: {  	_ =	shalt  }
0x57: {  	_ =	shalt  }
0x58: {  	_ =	shalt  }
0x59: {  	_ =	shalt  }
0x5a: {  	_ =	shalt  }
0x5b: {  	_ =	shalt  }
0x5c: {  	_ =	shalt  }
0x5d: {  	_ =	shalt  }
0x5e: {  	_ =	shalt  }
0x5f: {  	_ =	shalt  }
0x60: {  	_ =	shalt  }
0x61: {  	_ =	shalt  }
0x62: {  	_ =	shalt  }
0x63: {  	_ =	shalt  }
0x64: {  	_ =	shalt  }
0x65: {  	_ =	shalt  }
0x66: {  	_ =	shalt  }
0x67: {  	_ =	shalt  }
0x68: {  	_ =	shalt  }
0x69: {  	_ =	shalt  }
0x6a: {  	_ =	shalt  }
0x6b: {  	_ =	shalt  }
0x6c: {  	_ =	shalt  }
0x6d: {  	_ =	shalt  }
0x6e: {  	_ =	shalt  }
0x6f: {  	_ =	shalt  }
0x70: {  	_ =	shalt  }
0x71: {  	_ =	shalt  }
0x72: {  	_ =	shalt  }
0x73: {  	_ =	shalt  }
0x74: {  	_ =	shalt  }
0x75: {  	_ =	shalt  }
0x76: {  	_ =	shalt  }
0x77: {  	_ =	shalt  }
0x78: {  	_ =	shalt  }
0x79: {  	_ =	shalt  }
0x7a: {  	_ =	shalt  }
0x7b: {  	_ =	shalt  }
0x7c: {  	_ =	shalt  }
0x7d: {  	_ =	shalt  }
0x7e: {  	_ =	shalt  }
0x7f: {  	_ =	shalt  }
0x80: {  	_ =	shalt  }
0x81: {  	_ =	shalt  }
0x82: {  	_ =	shalt  }
0x83: {  	_ =	shalt  }
0x84: {  	_ =	shalt  }
0x85: {  	_ =	shalt  }
0x86: {  	_ =	shalt  }
0x87: {  	_ =	shalt  }
.Lfunc_end0:
.L_simem_size_0:
called_computation.3_lowered:
.L_overlay_start_0:
0x88: {  	s2 =	sld [smem:$0x3FD9]  }
0x89: {  	s3 =	sld [smem:$0x3FFE];
	_ =	sdelay $0x1  }
0x8a: {  	s1 =	srdreg.scid  }
0x8b: {  	s0 =	sand.u32 $0x1, s1  }
0x8c: {  	s16 =	sshll.u32 s0, $0xA;
	s2 =	sadd.s32 s3, s2  }
0x8d: {  	s2 =	sadd.s32 s2, s16  }
0x8e: {  	[smem:$0x3FC3] =	sst s2  }
0x8f: {  	_ = 	snop  }
0x90: {  	s2 =	sld [smem:$0x3FD0];
	_ =	sdelay $0x2  }
0x91: {  	s17 =	simm.s32 $0x11;
	s4 =	simm.s32 $0x10  }
0x92: {  	[smem:s4], [sflag:s17] =	dma.local [hbm:s2], $0x1  }
0x93: {  	_ =	swait.eq [sflag:s17], $0x1  }
0x94: {  	[sflag:s17] =	ssyncset.done $0x0  }
0x95: {  	[sflag:s17] =	ssyncadd.s32 $0xFFFFFFFF  }
0x96: {  	s3 =	sld [smem:$0x10];
	(tm) =	ssettm $0x1  }
0x97: {  	s18 =	sld [smem:$0x3FFB];
	_ =	sdelay $0x3  }
0x98: {  	_ =	strace s18  }
0x99: {  	s2 =	sld [smem:$0x3FFC];
	_ =	sdelay $0x3  }
0x9a: {  	_ =	strace s2  }
0x9b: {  	s2 =	sld [smem:$0x3FFD];
	_ =	sdelay $0x3  }
0x9c: {  	_ =	strace s2  }
0x9d: {  	_ =	strace $0x8FFFFFFF  }
0x9e: {  	s19 =	sld [smem:$0x3FDB];
	_ =	sdelay $0x1  }
0x9f: {  	s20 =	simm.s32 $_scs_section_size  }
0xa0: {  	s5 =	simm.s32 $_size__tile_overlayer_lowered;
	s6 =	simm.s32 $_tile_overlayer_lowered  }
0xa1: {  	s7 =	simm.s32 $0x1BFF;
	s21 =	sshll.u32 s6, $0x1;
	s4 =	sadd.s32 s20, s19  }
0xa2: {  	s22 =	simm.s32 $0x0;
	s5 =	sshll.u32 s5, $0x1;
	s6 =	sadd.s32 s21, s4  }
0xa3: {  	[timem:s22], [sflag:s7] =	dma.local [hbm:s6], s5  }
0xa4: {  	_ =	swait.ge [sflag:s7], s5  }
0xa5: {  	s5 =	ssub.s32 $0x0, s5;
	[sflag:s7] =	ssyncset.done $0x0  }
0xa6: {  	[sflag:s7] =	ssyncadd.s32 s5;
	_ =	sdelay $0x1  }
0xa7: {  	s23 =	simm.s32 $0x1B8B  }
0xa8: {  	_ =	swait.ge [sflag:s23], $0x1  }
0xa9: {  	[sflag:s23] =	ssyncset.done $0x0  }
0xaa: {  	[sflag:s23] =	ssyncadd.s32 $0xFFFFFFFF  }
0xab: {  	s5 =	sld [smem:$0x0]  }
0xac: {  	s6 =	sand.u32 $0xFFFFFFFE, s1  }
0xad: {  	p0 =	sne.s32 s1, s6  }
0xae: {  	s6 =	sshll.u32 @p0 s6, $0xE  }
0xaf: {  	s6 =	sadd.s32 @p0 $0x11B8D, s6;
	s7 =	sshll.u32 @p0 s5, $0x11  }
0xb0: {  	s6 =	sor.u32 @p0 s7, s6  }
0xb1: {  	[sflag:s6] =	ssyncadd.remote.s32 @p0 $0x1;
	_ =	sdelay $0x1  }
0xb2: {  	s6 =	simm.s32 @p0 $0x1B8D  }
0xb3: {  	_ =	swait.eq @p0 [sflag:s6], $0x1  }
0xb4: {  	[sflag:s6] =	ssyncadd.s32 @p0 $0xFFFFFFFF  }
0xb5: {  	s7 =	sshll.u32 @!p0 s1, $0xE  }
0xb6: {  	s7 =	sor.u32 @!p0 $0x4000, s7;
	s6 =	simm.s32 @!p0 $0x1B8D  }
0xb7: {  	s5 =	sshll.u32 @!p0 s5, $0x11;
	s7 =	sadd.s32 @!p0 $0x11B8D, s7;
	_ =	swait.eq @!p0 [sflag:s6], $0x1  }
0xb8: {  	s5 =	sor.u32 @!p0 s5, s7;
	[sflag:s6] =	ssyncadd.s32 @!p0 $0xFFFFFFFF  }
0xb9: {  	s25 =	simm.s32 $0x1B8E;
	s24 =	sld [smem:$0x3FFE];
	[sflag:s5] =	ssyncadd.remote.s32 @!p0 $0x1  }
0xba: {  	s26 =	simm.s32 $execute0_lowered;
	[smem:$0x3FD2] =	sst s25  }
0xbb: {  	s6 =	sshll.u32 s26, $0x1;
	_ =	strace $0x8000004F;
	[dreg:$0x1] =	wrdreg $0xFFFFFFFF  }
0xbc: {  	s28 =	simm.s32 $_size_execute0_lowered;
	s4 =	sadd.s32 s4, s6;
	[dreg:$0x0] =	wrdreg $0x0  }
0xbd: {  	s6 =	sshll.u32 s28, $0x1;
	[dreg:$0x2] =	wrdreg s4  }
0xbe: {  	[dreg:$0x3] =	wrdreg s6  }
0xbf: {  	[dreg:$0x4] =	wrdreg $0xC0  }
0xc0: {  	_ =	task [dreg:s22], $0x5FFFF  }
0xc1: {  	[dreg:$0x1] =	wrdreg $0xFFFFFFFF  }
0xc2: {  	[dreg:$0x0] =	wrdreg $0x60  }
0xc3: {  	[dreg:$0x2] =	wrdreg s3  }
0xc4: {  	[dreg:$0x3] =	wrdreg s24  }
0xc5: {  	[dreg:$0x4] =	wrdreg $0xC  }
0xc6: {  	_ =	task.clear_ibuf [dreg:s22], $0x5FFFF;
	_ =	strace $0x9000004F  }
0xc7: {  	s29 =	simm.s32 $0xC;
	_ =	strace $0x80000051  }
0xc8: {  	_ =	swait.ge [sflag:s29], $0x1  }
0xc9: {  	[sflag:s29] =	ssyncadd.s32 $0xFFFFFFFF  }
0xca: {  	_ =	strace $0x90000051  }
0xcb: {  	_ =	sfence  }
0xcc: {  	s30 =	sld [smem:$0x0];
	_ =	sdelay $0x2  }
0xcd: {  	s31 =	sshll.u32 s1, $0xD;
	s1 =	sshrl.u32 s1, $0x2  }
0xce: {  	s4 =	sand.u32 $0x4000, s31;
	s1 =	sadd.s32 s1, s30  }
0xcf: {  	s0 =	sor.u32 s4, s0;
	s1 =	sshll.u32 s1, $0x11  }
0xd0: {  	s0 =	sor.u32 s1, s0  }
0xd1: {  	s0 =	sadd.s32 $0x8F2B, s0  }
0xd2: {  	[sflag:s0] =	ssyncadd.remote.s32 $0x1  }
0xd3: {  	_ =	sfence.sel $0xFFFF  }
0xd4: {  	[dreg:$0x0] =	wrdreg $0xFFFFFFFF;
	(pc) =	sbr.abs _section_cstart, $3  }
0xd5: {  	[dreg:$0x1] =	wrdreg $0xFFFFFFFF  }
0xd6: {  	_ =	task.clear_ibuf [dreg:s22], $0x2FFFF;
	_ =	strace $0x9FFFFFFF  }
0xd7: {  	(tm) =	ssettm $0x7FFFFFFF  }
tec
execute0_lowered:
.L_overlay_start_1:
0x0: {  	(tag) =	ssettag $0x1  }
0x1: {  	s1 =	srdreg.scid;
	s0 =	stileid.u32  }
0x2: {  	s14 =	sand.u32 $0x1, s1;
	s26 =	sshll.u32 s0, $0x1  }
0x3: {  	s13 =	rddreg [dreg:$0x0];
	s8 =	sor.u32 s14, s26  }
0x4: {  	s9 =	rddreg [dreg:$0x1];
	s15 =	smul.u32 $0xC80, s8  }
0x5: {  	s2 =	simm.s32 $0x0;
	s1 =	rddreg [dreg:$0x2]  }
0x6: {  	[smem:$0x7FF] =	sst s2;
	s3 =	sshrl.u32 s15, $0x3  }
0x7: {  	_ =	strace $0x80000050;
	s4 =	sadd.s32 s13, s3;
	s3 =	simm.s32 $0x2  }
0x8: {  	[tilespmem:s2], [sflag:$0x2] =	stream.linear.gather [hbm4b:s4+s2], $0x320, $0x38;
	[tilespmem:$0xCB20] =	vst v63  }
0x9: {  	_ =	swait.ge [sflag:s3], $0x320  }
0xa: {  	s6 =	simm.s32 $0x320;
	[sflag:s3] =	ssyncset.done $0x0  }
0xb: {  	s7 =	simm.s32 $0x1;
	s5 =	sadd.s32 $0xF46600, s9;
	[sflag:s3] =	ssyncadd.s32 $0xFFFFFCE0  }
0xc: {  	[tilespmem:s6], [sflag:$0x1] =	stream.indirect.gather [hbm4b:s5+s6], $0x40, s2, s6, $0xb8;
	[tilespmem:$0xCB20] =	vst v63  }
0xd: {  	s8 =	smul.u32 $0x6400, s8;
	_ =	swait.ge [sflag:s7], $0xC800  }
0xe: {  	s16 =	sadd.s32 $0x26BC00, s9;
	[sflag:s7] =	ssyncset.done $0x0  }
0xf: {  	s8 =	sadd.s32 s16, s8;
	[sflag:s7] =	ssyncadd.s32 $0xFFFF3800  }
0x10: {  	[hbm4b:s8+s2] =	stream.linear.scatter [tilespmem:s6], [sflag:$0x2], $0xC800, $0x38;
	[tilespmem:$0xCB20] =	vst v63  }
0x11: {  	s10 =	sadd.s32 $0x320, s15;
	_ =	swait.ge [sflag:s3], $0xC800  }
0x12: {  	s28 =	sshrl.u32 s10, $0x3;
	[sflag:s3] =	ssyncset.done $0x0  }
0x13: {  	s9 =	sadd.s32 s13, s28;
	[sflag:s3] =	ssyncadd.s32 $0xFFFF3800  }
0x14: {  	[tilespmem:s2], [sflag:$0x2] =	stream.linear.gather [hbm4b:s9+s2], $0x320, $0x38;
	[tilespmem:$0xCB20] =	vst v63  }
0x15: {  	_ =	swait.ge [sflag:s3], $0x320  }
0x16: {  	[sflag:s3] =	ssyncset.done $0x0  }
0x17: {  	[sflag:s3] =	ssyncadd.s32 $0xFFFFFCE0  }
0x18: {  	[tilespmem:s6], [sflag:$0x1] =	stream.indirect.gather [hbm4b:s5+s6], $0x40, s2, s6, $0xb8;
	[tilespmem:$0xCB20] =	vst v63  }
0x19: {  	_ =	swait.ge [sflag:s7], $0xC800  }
0x1a: {  	s10 =	sshll.u32 s10, $0x3;
	[sflag:s7] =	ssyncset.done $0x0  }
0x1b: {  	s10 =	sadd.s32 s16, s10;
	[sflag:s7] =	ssyncadd.s32 $0xFFFF3800  }
0x1c: {  	[hbm4b:s10+s2] =	stream.linear.scatter [tilespmem:s6], [sflag:$0x2], $0xC800, $0x38;
	[tilespmem:$0xCB20] =	vst v63  }
0x1d: {  	s12 =	sadd.s32 $0x640, s15;
	_ =	swait.ge [sflag:s3], $0xC800  }
0x1e: {  	s11 =	sshrl.u32 s12, $0x3;
	[sflag:s3] =	ssyncset.done $0x0  }
0x1f: {  	s11 =	sadd.s32 s13, s11;
	[sflag:s3] =	ssyncadd.s32 $0xFFFF3800  }
0x20: {  	[tilespmem:s2], [sflag:$0x2] =	stream.linear.gather [hbm4b:s11+s2], $0x320, $0x38;
	[tilespmem:$0xCB20] =	vst v63  }
0x21: {  	_ =	swait.ge [sflag:s3], $0x320  }
0x22: {  	[sflag:s3] =	ssyncset.done $0x0  }
0x23: {  	[sflag:s3] =	ssyncadd.s32 $0xFFFFFCE0  }
0x24: {  	[tilespmem:s6], [sflag:$0x1] =	stream.indirect.gather [hbm4b:s5+s6], $0x40, s2, s6, $0xb8;
	[tilespmem:$0xCB20] =	vst v63  }
0x25: {  	_ =	swait.ge [sflag:s7], $0xC800  }
0x26: {  	s12 =	sshll.u32 s12, $0x3;
	[sflag:s7] =	ssyncset.done $0x0  }
0x27: {  	s12 =	sadd.s32 s16, s12;
	[sflag:s7] =	ssyncadd.s32 $0xFFFF3800  }
0x28: {  	[hbm4b:s12+s2] =	stream.linear.scatter [tilespmem:s6], [sflag:$0x2], $0xC800, $0x38;
	[tilespmem:$0xCB20] =	vst v63  }
0x29: {  	s15 =	sadd.s32 $0x960, s15;
	_ =	swait.ge [sflag:s3], $0xC800  }
0x2a: {  	s17 =	sshrl.u32 s15, $0x3;
	[sflag:s3] =	ssyncset.done $0x0  }
0x2b: {  	s14 =	ssub.s32 $0x2, s14;
	s13 =	sadd.s32 s13, s17;
	[sflag:s3] =	ssyncadd.s32 $0xFFFF3800  }
0x2c: {  	[tilespmem:s2], [sflag:$0x2] =	stream.linear.gather [hbm4b:s13+s2], $0x320, $0x38;
	[tilespmem:$0xCB20] =	vst v63  }
0x2d: {  	s29 =	sshrl.u32 s14, $0x1;
	_ =	swait.ge [sflag:s3], $0x320  }
0x2e: {  	s17 =	ssub.s32 s14, s29;
	[sflag:s3] =	ssyncset.done $0x0  }
0x2f: {  	s31 =	smax.u32 s17, $0x1;
	[sflag:s3] =	ssyncadd.s32 $0xFFFFFCE0  }
0x30: {  	[tilespmem:s6], [sflag:$0x1] =	stream.indirect.gather [hbm4b:s5+s6], $0x40, s2, s6, $0xb8;
	[tilespmem:$0xCB20] =	vst v63  }
0x31: {  	p0 =	sne.s32 s31, $0x1;
	_ =	swait.ge [sflag:s7], $0xC800  }
.Ltmp0:
0x32: {  	s30 =	sshll.u32 s15, $0x3;
	[sflag:s7] =	ssyncset.done $0x0;
	(pc) =	sbr.rel @!p0 .LBB2_2-.Ltmp0, $4  }
0x33: {  	s14 =	sadd.s32 s16, s30;
	[sflag:s7] =	ssyncadd.s32 $0xFFFF3800  }
0x34: {  	[hbm4b:s14+s2] =	stream.linear.scatter [tilespmem:s6], [sflag:$0x2], $0xC800, $0x38;
	[tilespmem:$0xCB20] =	vst v63  }
0x35: {  	_ =	swait.ge [sflag:s3], $0xC800  }
0x36: {  	s15 =	sadd.s32 $0xFFFFFFFF, s31;
	[sflag:s3] =	ssyncset.done $0x0  }
.LBB2_1:
0x37: {  	p0 =	sne.s32 s15, $0x1;
	s15 =	sadd.s32 $0xFFFFFFFF, s15;
	[sflag:s3] =	ssyncadd.s32 $0xFFFF3800  }
0x38: {  	[tilespmem:s2], [sflag:$0x2] =	stream.linear.gather [hbm4b:s4+s2], $0x320, $0x38;
	[tilespmem:$0xCB20] =	vst v63  }
0x39: {  	_ =	swait.ge [sflag:s3], $0x320  }
0x3a: {  	[sflag:s3] =	ssyncset.done $0x0  }
0x3b: {  	[sflag:s3] =	ssyncadd.s32 $0xFFFFFCE0  }
0x3c: {  	[tilespmem:s6], [sflag:$0x1] =	stream.indirect.gather [hbm4b:s5+s6], $0x40, s2, s6, $0xb8;
	[tilespmem:$0xCB20] =	vst v63  }
0x3d: {  	_ =	swait.ge [sflag:s7], $0xC800  }
0x3e: {  	[sflag:s7] =	ssyncset.done $0x0  }
0x3f: {  	[sflag:s7] =	ssyncadd.s32 $0xFFFF3800  }
0x40: {  	[hbm4b:s8+s2] =	stream.linear.scatter [tilespmem:s6], [sflag:$0x2], $0xC800, $0x38;
	[tilespmem:$0xCB20] =	vst v63  }
0x41: {  	_ =	swait.ge [sflag:s3], $0xC800  }
0x42: {  	[sflag:s3] =	ssyncset.done $0x0  }
0x43: {  	[sflag:s3] =	ssyncadd.s32 $0xFFFF3800  }
0x44: {  	[tilespmem:s2], [sflag:$0x2] =	stream.linear.gather [hbm4b:s9+s2], $0x320, $0x38;
	[tilespmem:$0xCB20] =	vst v63  }
0x45: {  	_ =	swait.ge [sflag:s3], $0x320  }
0x46: {  	[sflag:s3] =	ssyncset.done $0x0  }
0x47: {  	[sflag:s3] =	ssyncadd.s32 $0xFFFFFCE0  }
0x48: {  	[tilespmem:s6], [sflag:$0x1] =	stream.indirect.gather [hbm4b:s5+s6], $0x40, s2, s6, $0xb8;
	[tilespmem:$0xCB20] =	vst v63  }
0x49: {  	_ =	swait.ge [sflag:s7], $0xC800  }
0x4a: {  	[sflag:s7] =	ssyncset.done $0x0  }
0x4b: {  	[sflag:s7] =	ssyncadd.s32 $0xFFFF3800  }
0x4c: {  	[hbm4b:s10+s2] =	stream.linear.scatter [tilespmem:s6], [sflag:$0x2], $0xC800, $0x38;
	[tilespmem:$0xCB20] =	vst v63  }
0x4d: {  	_ =	swait.ge [sflag:s3], $0xC800  }
0x4e: {  	[sflag:s3] =	ssyncset.done $0x0  }
0x4f: {  	[sflag:s3] =	ssyncadd.s32 $0xFFFF3800  }
0x50: {  	[tilespmem:s2], [sflag:$0x2] =	stream.linear.gather [hbm4b:s11+s2], $0x320, $0x38;
	[tilespmem:$0xCB20] =	vst v63  }
0x51: {  	_ =	swait.ge [sflag:s3], $0x320  }
0x52: {  	[sflag:s3] =	ssyncset.done $0x0  }
0x53: {  	[sflag:s3] =	ssyncadd.s32 $0xFFFFFCE0  }
0x54: {  	[tilespmem:s6], [sflag:$0x1] =	stream.indirect.gather [hbm4b:s5+s6], $0x40, s2, s6, $0xb8;
	[tilespmem:$0xCB20] =	vst v63  }
0x55: {  	_ =	swait.ge [sflag:s7], $0xC800  }
0x56: {  	[sflag:s7] =	ssyncset.done $0x0  }
0x57: {  	[sflag:s7] =	ssyncadd.s32 $0xFFFF3800  }
0x58: {  	[hbm4b:s12+s2] =	stream.linear.scatter [tilespmem:s6], [sflag:$0x2], $0xC800, $0x38;
	[tilespmem:$0xCB20] =	vst v63  }
0x59: {  	_ =	swait.ge [sflag:s3], $0xC800  }
0x5a: {  	[sflag:s3] =	ssyncset.done $0x0  }
0x5b: {  	[sflag:s3] =	ssyncadd.s32 $0xFFFF3800  }
0x5c: {  	[tilespmem:s2], [sflag:$0x2] =	stream.linear.gather [hbm4b:s13+s2], $0x320, $0x38;
	[tilespmem:$0xCB20] =	vst v63  }
0x5d: {  	_ =	swait.ge [sflag:s3], $0x320  }
0x5e: {  	[sflag:s3] =	ssyncset.done $0x0  }
0x5f: {  	[sflag:s3] =	ssyncadd.s32 $0xFFFFFCE0  }
0x60: {  	[tilespmem:s6], [sflag:$0x1] =	stream.indirect.gather [hbm4b:s5+s6], $0x40, s2, s6, $0xb8;
	[tilespmem:$0xCB20] =	vst v63  }
0x61: {  	_ =	swait.ge [sflag:s7], $0xC800  }
.Ltmp1:
0x62: {  	[sflag:s7] =	ssyncset.done $0x0;
	(pc) =	sbr.rel @p0 .LBB2_1-.Ltmp1, $4  }
0x63: {  	[sflag:s7] =	ssyncadd.s32 $0xFFFF3800  }
0x64: {  	[hbm4b:s14+s2] =	stream.linear.scatter [tilespmem:s6], [sflag:$0x2], $0xC800, $0x38;
	[tilespmem:$0xCB20] =	vst v63  }
0x65: {  	_ =	swait.ge [sflag:s3], $0xC800  }
0x66: {  	[sflag:s3] =	ssyncset.done $0x0  }
.LBB2_2:
0x67: {  	[sflag:s3] =	ssyncadd.s32 $0xFFFF3800  }
0x68: {  	_ =	sfence.sel $0x180000  }
0x69: {  	[bflag:$0x0] =	sbarrier.arrive $0xFFFF  }
0x6a: {  	p0 =	sne.s32 s0, $0x0;
	_ =	strace $0x90000050  }
0x6b: {  	s0 =	sadd.s32 @!p0 $0x100000, s1;
	[bflag:$0x2] =	sbarrier.arrive $0xFFFF  }
0x6c: {  	[sflag:s0] =	ssyncadd.tile.s32 @!p0 $0x1;
	_ =	shalt  }
.Lfunc_end2:
_tile_overlayer_lowered:
.L_overlay_start_2:
0x6d: {  	(tag) =	ssettag $0x2  }
0x6e: {  	s0 =	rddreg [dreg:$0x0];
	s2 =	stileid.u32  }
0x6f: {  	s1 =	rddreg [dreg:$0x1];
	p0 =	sne.s32 s2, $0x0  }
0x70: {  	s3 =	rddreg [dreg:$0x2];
	[bflag:$0x3] =	sbarrier.arrive $0xFFFF;
	s2 =	simm.s32 @!p0 $0x1C02  }
0x71: {  	[timem:s3], [sflag:s2] =	dma.local @!p0 [hbm:s0], s1  }
0x72: {  	s0 =	simm.s32 @!p0 $0x2  }
0x73: {  	_ =	swait.ge @!p0 [sflag:s0], s1  }
0x74: {  	s1 =	ssub.s32 @!p0 $0x0, s1;
	[sflag:s0] =	ssyncset.done @!p0 $0x0  }
0x75: {  	[sflag:s0] =	ssyncadd.s32 @!p0 s1  }
0x76: {  	[bflag:$0x3] =	sbarrier.arrive $0xFFFF  }
0x77: {  	_ =	shalt  }

// kernel: kernel.30.cloned.1.call-start
scs
__scs_entry_jumppad:
0x0: {  	(pc) =	sbr.rel $0x88, $3  }
0x1: {  	(tag) =	ssettag $0x0;
	lr =	simm.s32 $0x1  }
0x2: {  	[smem:$0x3F9C] =	sst lr;
	_ =	strace $0xD0000000  }
0x3: {  	_ = 	snop  }
0x4: {  	_ = 	snop  }
0x5: {  	_ = 	snop  }
0x6: {  	_ = 	snop  }
0x7: {  	_ = 	snop  }
__scs_overlays_trampoline_lowered:
0x8: {  	[smem:$0x3FAB] =	sst s0  }
0x9: {  	[smem:$0x3FAC] =	sst s1  }
0xa: {  	[smem:$0x3FAD] =	sst s2  }
0xb: {  	[smem:$0x3FAE] =	sst s3  }
0xc: {  	[smem:$0x3FAF] =	sst s4  }
0xd: {  	[smem:$0x3FB0] =	sst s5  }
0xe: {  	[smem:$0x3FB1] =	sst s6  }
0xf: {  	[smem:$0x3FB2] =	sst s7  }
0x10: {  	[smem:$0x3FB3] =	sst s8  }
0x11: {  	[smem:$0x3FB4] =	sst s9;
	s0 =	simm.s32 @!p0 $0x0  }
0x12: {  	s1 =	sld [smem:$0x3F9A];
	s0 =	simm.s32 @p0 $0x1  }
0x13: {  	[smem:$0x3FB5] =	sst s0;
	s0 =	simm.s32 @!p1 $0x0  }
0x14: {  	s2 =	sld [smem:$0x3F99];
	s0 =	simm.s32 @p1 $0x1  }
0x15: {  	[smem:$0x3FB6] =	sst s0;
	s0 =	simm.s32 @!p2 $0x0  }
0x16: {  	s3 =	sld [smem:$0x3FDB];
	s0 =	simm.s32 @p2 $0x1  }
0x17: {  	s4 =	simm.s32 $0x1BF5;
	[smem:$0x3FB8] =	sst s0  }
0x18: {  	s0 =	sld [smem:$0x3F9B];
	_ =	swait.ge [sflag:s4], $0x0  }
0x19: {  	s7 =	sld [smem:$0x3F9C]  }
0x1a: {  	s8 =	sadd.s32 $0xFFFFE003, lr  }
0x1b: {  	s9 =	sadd.s32 $0xFFFFFEF7, lr;
	s5 =	simm.s32 $0xFFFFFFFF;
	p2 =	slt.u32 s8, $0xFFFFF086  }
0x1c: {  	p1 =	slt.u32 s9, $0xF7A;
	s5 =	simm.s32 @!p2 $0x0  }
0x1d: {  	s5 =	simm.s32 @p1 $0x1;
	p0 =	seq.s32 s7, s2  }
0x1e: {  	s7 =	smul.u32 @!p0 $0xF7A, s2;
	p2 =	seq.s32 @!p0 s5, $0x0  }
0x1f: {  	s9 =	smul.u32 $0xF7A, s1;
	s8 =	simm.s32 @!p0 $0x1BF5;
	p2 =	por !p2, p0  }
0x20: {  	[sflag:s8] =	ssyncset.s32 @!p0 $0xFFFFF086;
	s6 =	sadd.s32 @!p0 s3, s7;
	s7 =	simm.s32 @!p0 $0x108  }
0x21: {  	s3 =	sadd.s32 s3, s9;
	s6 =	sadd.s32 @!p0 $0x88, s6;
	s7 =	simm.s32 @p2 $0x1082  }
0x22: {  	[simem:s7], [sflag:s8] =	dma.local @!p0 [hbm:s6], $0xF7A  }
0x23: {  	s9 =	sor.u32 $0xD0000000, s2;
	s6 =	simm.s32 $0x108;
	_ =	swait.ge @!p0 [sflag:s8], $0x0  }
0x24: {  	s3 =	sadd.s32 $0x88, s3;
	s6 =	simm.s32 @!p1 $0x1082;
	[sflag:s4] =	ssyncset.s32 $0xFFFFF086  }
0x25: {  	[simem:s6], [sflag:s4] =	dma.local [hbm:s3], $0xF7A  }
0x26: {  	[smem:$0x3F9C] =	sst s1;
	(tag) =	ssettag s2;
	_ =	strace s9  }
0x27: {  	s1 =	sld [smem:$0x3FAC]  }
0x28: {  	s2 =	sld [smem:$0x3FAD]  }
0x29: {  	s4 =	sld [smem:$0x3FAF]  }
0x2a: {  	p0 =	seq.s32 s5, $0x0;
	s5 =	sld [smem:$0x3FB0]  }
0x2b: {  	s6 =	sld [smem:$0x3FB1]  }
0x2c: {  	s7 =	sld [smem:$0x3FB2]  }
0x2d: {  	s3 =	simm.s32 $0x108;
	s8 =	sld [smem:$0x3FB3]  }
0x2e: {  	s3 =	simm.s32 @!p0 $0x1082;
	s9 =	sld [smem:$0x3FB4]  }
0x2f: {  	lr =	sadd.s32 s0, s3;
	s0 =	sld [smem:$0x3FAB]  }
0x30: {  	s3 =	sld [smem:$0x3FAE]  }
0x31: {  	[smem:$0x3FB7] =	sst s10  }
0x32: {  	s10 =	sld [smem:$0x3FB5];
	_ =	sdelay $0x3  }
0x33: {  	p0 =	seq.s32 s10, $0x1;
	s10 =	sld [smem:$0x3FB7];
	_ =	sdelay $0x3  }
0x34: {  	[smem:$0x3FB7] =	sst s10  }
0x35: {  	s10 =	sld [smem:$0x3FB6];
	_ =	sdelay $0x3  }
0x36: {  	p1 =	seq.s32 s10, $0x1;
	s10 =	sld [smem:$0x3FB7];
	_ =	sdelay $0x3  }
0x37: {  	[smem:$0x3FB7] =	sst s10  }
0x38: {  	s10 =	sld [smem:$0x3FB8]  }
0x39: {  	_ = 	snop;
	(pc) =	sbr.ind lr, $3  }
0x3a: {  	_ = 	snop  }
0x3b: {  	_ = 	snop  }
0x3c: {  	p2 =	seq.s32 s10, $0x1;
	s10 =	sld [smem:$0x3FB7]  }
0x3d: {  	_ =	shalt  }
0x3e: {  	_ =	shalt  }
0x3f: {  	_ =	shalt  }
0x40: {  	_ =	shalt  }
0x41: {  	_ =	shalt  }
0x42: {  	_ =	shalt  }
0x43: {  	_ =	shalt  }
0x44: {  	_ =	shalt  }
0x45: {  	_ =	shalt  }
0x46: {  	_ =	shalt  }
0x47: {  	_ =	shalt  }
0x48: {  	_ =	shalt  }
0x49: {  	_ =	shalt  }
0x4a: {  	_ =	shalt  }
0x4b: {  	_ =	shalt  }
0x4c: {  	_ =	shalt  }
0x4d: {  	_ =	shalt  }
0x4e: {  	_ =	shalt  }
0x4f: {  	_ =	shalt  }
0x50: {  	_ =	shalt  }
0x51: {  	_ =	shalt  }
0x52: {  	_ =	shalt  }
0x53: {  	_ =	shalt  }
0x54: {  	_ =	shalt  }
0x55: {  	_ =	shalt  }
0x56: {  	_ =	shalt  }
0x57: {  	_ =	shalt  }
0x58: {  	_ =	shalt  }
0x59: {  	_ =	shalt  }
0x5a: {  	_ =	shalt  }
0x5b: {  	_ =	shalt  }
0x5c: {  	_ =	shalt  }
0x5d: {  	_ =	shalt  }
0x5e: {  	_ =	shalt  }
0x5f: {  	_ =	shalt  }
0x60: {  	_ =	shalt  }
0x61: {  	_ =	shalt  }
0x62: {  	_ =	shalt  }
0x63: {  	_ =	shalt  }
0x64: {  	_ =	shalt  }
0x65: {  	_ =	shalt  }
0x66: {  	_ =	shalt  }
0x67: {  	_ =	shalt  }
0x68: {  	_ =	shalt  }
0x69: {  	_ =	shalt  }
0x6a: {  	_ =	shalt  }
0x6b: {  	_ =	shalt  }
0x6c: {  	_ =	shalt  }
0x6d: {  	_ =	shalt  }
0x6e: {  	_ =	shalt  }
0x6f: {  	_ =	shalt  }
0x70: {  	_ =	shalt  }
0x71: {  	_ =	shalt  }
0x72: {  	_ =	shalt  }
0x73: {  	_ =	shalt  }
0x74: {  	_ =	shalt  }
0x75: {  	_ =	shalt  }
0x76: {  	_ =	shalt  }
0x77: {  	_ =	shalt  }
0x78: {  	_ =	shalt  }
0x79: {  	_ =	shalt  }
0x7a: {  	_ =	shalt  }
0x7b: {  	_ =	shalt  }
0x7c: {  	_ =	shalt  }
0x7d: {  	_ =	shalt  }
0x7e: {  	_ =	shalt  }
0x7f: {  	_ =	shalt  }
0x80: {  	_ =	shalt  }
0x81: {  	_ =	shalt  }
0x82: {  	_ =	shalt  }
0x83: {  	_ =	shalt  }
0x84: {  	_ =	shalt  }
0x85: {  	_ =	shalt  }
0x86: {  	_ =	shalt  }
0x87: {  	_ =	shalt  }
.Lfunc_end0:
.L_simem_size_0:
called_computation.4_lowered:
.L_overlay_start_0:
0x88: {  	s2 =	sld [smem:$0x3FD9]  }
0x89: {  	s3 =	sld [smem:$0x3FFE];
	_ =	sdelay $0x1  }
0x8a: {  	s1 =	srdreg.scid  }
0x8b: {  	s0 =	sand.u32 $0x1, s1  }
0x8c: {  	s17 =	sshll.u32 s0, $0xA;
	s2 =	sadd.s32 s3, s2  }
0x8d: {  	s2 =	sadd.s32 s2, s17  }
0x8e: {  	[smem:$0x3FC3] =	sst s2  }
0x8f: {  	_ = 	snop  }
0x90: {  	(tm) =	ssettm $0x1  }
0x91: {  	s18 =	sld [smem:$0x3FFB];
	_ =	sdelay $0x3  }
0x92: {  	_ =	strace s18  }
0x93: {  	s2 =	sld [smem:$0x3FFC];
	_ =	sdelay $0x3  }
0x94: {  	_ =	strace s2  }
0x95: {  	s2 =	sld [smem:$0x3FFD];
	_ =	sdelay $0x3  }
0x96: {  	_ =	strace s2  }
0x97: {  	_ =	strace $0x8FFFFFFF  }
0x98: {  	s19 =	sld [smem:$0x3FDB];
	_ =	sdelay $0x1  }
0x99: {  	s20 =	simm.s32 $_scs_section_size  }
0x9a: {  	s4 =	simm.s32 $_size__tile_overlayer_lowered;
	s5 =	simm.s32 $_tile_overlayer_lowered  }
0x9b: {  	s6 =	simm.s32 $0x1BFF;
	s21 =	sshll.u32 s5, $0x1;
	s3 =	sadd.s32 s20, s19  }
0x9c: {  	s22 =	simm.s32 $0x0;
	s4 =	sshll.u32 s4, $0x1;
	s5 =	sadd.s32 s21, s3  }
0x9d: {  	[timem:s22], [sflag:s6] =	dma.local [hbm:s5], s4  }
0x9e: {  	_ =	swait.ge [sflag:s6], s4  }
0x9f: {  	s4 =	ssub.s32 $0x0, s4;
	[sflag:s6] =	ssyncset.done $0x0  }
0xa0: {  	[sflag:s6] =	ssyncadd.s32 s4;
	_ =	sdelay $0x1  }
0xa1: {  	s23 =	simm.s32 $0x1B8B  }
0xa2: {  	_ =	swait.ge [sflag:s23], $0x1  }
0xa3: {  	[sflag:s23] =	ssyncset.done $0x0  }
0xa4: {  	[sflag:s23] =	ssyncadd.s32 $0xFFFFFFFF  }
0xa5: {  	s4 =	sld [smem:$0x0]  }
0xa6: {  	s5 =	sand.u32 $0xFFFFFFFE, s1  }
0xa7: {  	p0 =	sne.s32 s1, s5  }
0xa8: {  	s5 =	sshll.u32 @p0 s5, $0xE  }
0xa9: {  	s5 =	sadd.s32 @p0 $0x11B8D, s5;
	s6 =	sshll.u32 @p0 s4, $0x11  }
0xaa: {  	s5 =	sor.u32 @p0 s6, s5  }
0xab: {  	[sflag:s5] =	ssyncadd.remote.s32 @p0 $0x1;
	_ =	sdelay $0x1  }
0xac: {  	s5 =	simm.s32 @p0 $0x1B8D  }
0xad: {  	_ =	swait.eq @p0 [sflag:s5], $0x1  }
0xae: {  	[sflag:s5] =	ssyncadd.s32 @p0 $0xFFFFFFFF  }
0xaf: {  	s6 =	sshll.u32 @!p0 s1, $0xE  }
0xb0: {  	s6 =	sor.u32 @!p0 $0x4000, s6;
	s5 =	simm.s32 @!p0 $0x1B8D  }
0xb1: {  	s4 =	sshll.u32 @!p0 s4, $0x11;
	s6 =	sadd.s32 @!p0 $0x11B8D, s6;
	_ =	swait.eq @!p0 [sflag:s5], $0x1  }
0xb2: {  	s4 =	sor.u32 @!p0 s4, s6;
	[sflag:s5] =	ssyncadd.s32 @!p0 $0xFFFFFFFF  }
0xb3: {  	s25 =	simm.s32 $0x1B8E;
	s24 =	sld [smem:$0x3FFE];
	[sflag:s4] =	ssyncadd.remote.s32 @!p0 $0x1  }
0xb4: {  	s26 =	simm.s32 $execute0_lowered;
	[smem:$0x3FD2] =	sst s25  }
0xb5: {  	s5 =	sshll.u32 s26, $0x1;
	_ =	strace $0x80000052;
	[dreg:$0x1] =	wrdreg $0xFFFFFFFF  }
0xb6: {  	s28 =	simm.s32 $_size_execute0_lowered;
	s3 =	sadd.s32 s3, s5;
	[dreg:$0x0] =	wrdreg $0x0  }
0xb7: {  	s5 =	sshll.u32 s28, $0x1;
	[dreg:$0x2] =	wrdreg s3  }
0xb8: {  	[dreg:$0x3] =	wrdreg s5  }
0xb9: {  	[dreg:$0x4] =	wrdreg $0xC0  }
0xba: {  	_ =	task [dreg:s22], $0x5FFFF  }
0xbb: {  	[dreg:$0x1] =	wrdreg $0xFFFFFFFF  }
0xbc: {  	[dreg:$0x0] =	wrdreg $0x60  }
0xbd: {  	[dreg:$0x2] =	wrdreg s24  }
0xbe: {  	[dreg:$0x3] =	wrdreg $0xD  }
0xbf: {  	_ =	task.clear_ibuf [dreg:s22], $0x4FFFF;
	_ =	strace $0x90000052  }
0xc0: {  	s29 =	simm.s32 $0xD;
	_ =	strace $0x80000054  }
0xc1: {  	_ =	swait.ge [sflag:s29], $0x1  }
0xc2: {  	[sflag:s29] =	ssyncadd.s32 $0xFFFFFFFF  }
0xc3: {  	_ =	strace $0x90000054  }
0xc4: {  	_ =	sfence  }
0xc5: {  	s30 =	sld [smem:$0x0];
	_ =	sdelay $0x2  }
0xc6: {  	s31 =	sshll.u32 s1, $0xD;
	s1 =	sshrl.u32 s1, $0x2  }
0xc7: {  	s4 =	sand.u32 $0x4000, s31;
	s1 =	sadd.s32 s1, s30  }
0xc8: {  	s0 =	sor.u32 s4, s0;
	s1 =	sshll.u32 s1, $0x11  }
0xc9: {  	s0 =	sor.u32 s1, s0  }
0xca: {  	s0 =	sadd.s32 $0x8F2B, s0  }
0xcb: {  	[sflag:s0] =	ssyncadd.remote.s32 $0x1  }
0xcc: {  	_ =	sfence.sel $0xFFFF  }
0xcd: {  	[dreg:$0x0] =	wrdreg $0xFFFFFFFF;
	(pc) =	sbr.abs _section_cstart, $3  }
0xce: {  	[dreg:$0x1] =	wrdreg $0xFFFFFFFF  }
0xcf: {  	_ =	task.clear_ibuf [dreg:s22], $0x2FFFF;
	_ =	strace $0x9FFFFFFF  }
0xd0: {  	(tm) =	ssettm $0x7FFFFFFF  }
0xd1: {  	_ =	shalt  }
tec
execute0_lowered:
.L_overlay_start_1:
0x0: {  	(tag) =	ssettag $0x1  }
0x1: {  	s1 =	srdreg.scid;
	s0 =	stileid.u32  }
0x2: {  	s14 =	sand.u32 $0x1, s1;
	s28 =	sshll.u32 s0, $0x1  }
0x3: {  	s8 =	sor.u32 s14, s28  }
0x4: {  	s9 =	rddreg [dreg:$0x0];
	s13 =	smul.u32 $0xC80, s8  }
0x5: {  	s2 =	simm.s32 $0x0;
	s1 =	rddreg [dreg:$0x1]  }
0x6: {  	[smem:$0x7FF] =	sst s2;
	s15 =	sadd.s32 $0xCF400, s9;
	s3 =	sshrl.u32 s13, $0x3  }
0x7: {  	_ =	strace $0x80000053;
	s4 =	sadd.s32 s15, s3;
	s3 =	simm.s32 $0x2  }
0x8: {  	[tilespmem:s2], [sflag:$0x2] =	stream.linear.gather [hbm4b:s4+s2], $0x320, $0x38;
	[tilespmem:$0xCB20] =	vst v63  }
0x9: {  	_ =	swait.ge [sflag:s3], $0x320  }
0xa: {  	s6 =	simm.s32 $0x320;
	[sflag:s3] =	ssyncset.done $0x0  }
0xb: {  	s7 =	simm.s32 $0x1;
	s5 =	sadd.s32 $0xF46600, s9;
	[sflag:s3] =	ssyncadd.s32 $0xFFFFFCE0  }
0xc: {  	[tilespmem:s6], [sflag:$0x1] =	stream.indirect.gather [hbm4b:s5+s6], $0x40, s2, s6, $0xb8;
	[tilespmem:$0xCB20] =	vst v63  }
0xd: {  	s8 =	smul.u32 $0x6400, s8;
	_ =	swait.ge [sflag:s7], $0xC800  }
0xe: {  	s16 =	sadd.s32 $0x333C00, s9;
	[sflag:s7] =	ssyncset.done $0x0  }
0xf: {  	s8 =	sadd.s32 s16, s8;
	[sflag:s7] =	ssyncadd.s32 $0xFFFF3800  }
0x10: {  	[hbm4b:s8+s2] =	stream.linear.scatter [tilespmem:s6], [sflag:$0x2], $0xC800, $0x38;
	[tilespmem:$0xCB20] =	vst v63  }
0x11: {  	s10 =	sadd.s32 $0x320, s13;
	_ =	swait.ge [sflag:s3], $0xC800  }
0x12: {  	s29 =	sshrl.u32 s10, $0x3;
	[sflag:s3] =	ssyncset.done $0x0  }
0x13: {  	s9 =	sadd.s32 s15, s29;
	[sflag:s3] =	ssyncadd.s32 $0xFFFF3800  }
0x14: {  	[tilespmem:s2], [sflag:$0x2] =	stream.linear.gather [hbm4b:s9+s2], $0x320, $0x38;
	[tilespmem:$0xCB20] =	vst v63  }
0x15: {  	_ =	swait.ge [sflag:s3], $0x320  }
0x16: {  	[sflag:s3] =	ssyncset.done $0x0  }
0x17: {  	[sflag:s3] =	ssyncadd.s32 $0xFFFFFCE0  }
0x18: {  	[tilespmem:s6], [sflag:$0x1] =	stream.indirect.gather [hbm4b:s5+s6], $0x40, s2, s6, $0xb8;
	[tilespmem:$0xCB20] =	vst v63  }
0x19: {  	_ =	swait.ge [sflag:s7], $0xC800  }
0x1a: {  	s10 =	sshll.u32 s10, $0x3;
	[sflag:s7] =	ssyncset.done $0x0  }
0x1b: {  	s10 =	sadd.s32 s16, s10;
	[sflag:s7] =	ssyncadd.s32 $0xFFFF3800  }
0x1c: {  	[hbm4b:s10+s2] =	stream.linear.scatter [tilespmem:s6], [sflag:$0x2], $0xC800, $0x38;
	[tilespmem:$0xCB20] =	vst v63  }
0x1d: {  	s12 =	sadd.s32 $0x640, s13;
	_ =	swait.ge [sflag:s3], $0xC800  }
0x1e: {  	s11 =	sshrl.u32 s12, $0x3;
	[sflag:s3] =	ssyncset.done $0x0  }
0x1f: {  	s11 =	sadd.s32 s15, s11;
	[sflag:s3] =	ssyncadd.s32 $0xFFFF3800  }
0x20: {  	[tilespmem:s2], [sflag:$0x2] =	stream.linear.gather [hbm4b:s11+s2], $0x320, $0x38;
	[tilespmem:$0xCB20] =	vst v63  }
0x21: {  	_ =	swait.ge [sflag:s3], $0x320  }
0x22: {  	[sflag:s3] =	ssyncset.done $0x0  }
0x23: {  	[sflag:s3] =	ssyncadd.s32 $0xFFFFFCE0  }
0x24: {  	[tilespmem:s6], [sflag:$0x1] =	stream.indirect.gather [hbm4b:s5+s6], $0x40, s2, s6, $0xb8;
	[tilespmem:$0xCB20] =	vst v63  }
0x25: {  	_ =	swait.ge [sflag:s7], $0xC800  }
0x26: {  	s12 =	sshll.u32 s12, $0x3;
	[sflag:s7] =	ssyncset.done $0x0  }
0x27: {  	s12 =	sadd.s32 s16, s12;
	[sflag:s7] =	ssyncadd.s32 $0xFFFF3800  }
0x28: {  	[hbm4b:s12+s2] =	stream.linear.scatter [tilespmem:s6], [sflag:$0x2], $0xC800, $0x38;
	[tilespmem:$0xCB20] =	vst v63  }
0x29: {  	s17 =	sadd.s32 $0x960, s13;
	_ =	swait.ge [sflag:s3], $0xC800  }
0x2a: {  	s13 =	sshrl.u32 s17, $0x3;
	[sflag:s3] =	ssyncset.done $0x0  }
0x2b: {  	s14 =	ssub.s32 $0x2, s14;
	s13 =	sadd.s32 s15, s13;
	[sflag:s3] =	ssyncadd.s32 $0xFFFF3800  }
0x2c: {  	[tilespmem:s2], [sflag:$0x2] =	stream.linear.gather [hbm4b:s13+s2], $0x320, $0x38;
	[tilespmem:$0xCB20] =	vst v63  }
0x2d: {  	s30 =	sshrl.u32 s14, $0x1;
	_ =	swait.ge [sflag:s3], $0x320  }
0x2e: {  	s15 =	ssub.s32 s14, s30;
	[sflag:s3] =	ssyncset.done $0x0  }
0x2f: {  	s15 =	smax.u32 s15, $0x1;
	[sflag:s3] =	ssyncadd.s32 $0xFFFFFCE0  }
0x30: {  	[tilespmem:s6], [sflag:$0x1] =	stream.indirect.gather [hbm4b:s5+s6], $0x40, s2, s6, $0xb8;
	[tilespmem:$0xCB20] =	vst v63  }
0x31: {  	p0 =	sne.s32 s15, $0x1;
	_ =	swait.ge [sflag:s7], $0xC800  }
.Ltmp0:
0x32: {  	s31 =	sshll.u32 s17, $0x3;
	[sflag:s7] =	ssyncset.done $0x0;
	(pc) =	sbr.rel @!p0 .LBB2_2-.Ltmp0, $4  }
0x33: {  	s14 =	sadd.s32 s16, s31;
	[sflag:s7] =	ssyncadd.s32 $0xFFFF3800  }
0x34: {  	[hbm4b:s14+s2] =	stream.linear.scatter [tilespmem:s6], [sflag:$0x2], $0xC800, $0x38;
	[tilespmem:$0xCB20] =	vst v63  }
0x35: {  	_ =	swait.ge [sflag:s3], $0xC800  }
0x36: {  	s15 =	sadd.s32 $0xFFFFFFFF, s15;
	[sflag:s3] =	ssyncset.done $0x0  }
.LBB2_1:
0x37: {  	p0 =	sne.s32 s15, $0x1;
	s15 =	sadd.s32 $0xFFFFFFFF, s15;
	[sflag:s3] =	ssyncadd.s32 $0xFFFF3800  }
0x38: {  	[tilespmem:s2], [sflag:$0x2] =	stream.linear.gather [hbm4b:s4+s2], $0x320, $0x38;
	[tilespmem:$0xCB20] =	vst v63  }
0x39: {  	_ =	swait.ge [sflag:s3], $0x320  }
0x3a: {  	[sflag:s3] =	ssyncset.done $0x0  }
0x3b: {  	[sflag:s3] =	ssyncadd.s32 $0xFFFFFCE0  }
0x3c: {  	[tilespmem:s6], [sflag:$0x1] =	stream.indirect.gather [hbm4b:s5+s6], $0x40, s2, s6, $0xb8;
	[tilespmem:$0xCB20] =	vst v63  }
0x3d: {  	_ =	swait.ge [sflag:s7], $0xC800  }
0x3e: {  	[sflag:s7] =	ssyncset.done $0x0  }
0x3f: {  	[sflag:s7] =	ssyncadd.s32 $0xFFFF3800  }
0x40: {  	[hbm4b:s8+s2] =	stream.linear.scatter [tilespmem:s6], [sflag:$0x2], $0xC800, $0x38;
	[tilespmem:$0xCB20] =	vst v63  }
0x41: {  	_ =	swait.ge [sflag:s3], $0xC800  }
0x42: {  	[sflag:s3] =	ssyncset.done $0x0  }
0x43: {  	[sflag:s3] =	ssyncadd.s32 $0xFFFF3800  }
0x44: {  	[tilespmem:s2], [sflag:$0x2] =	stream.linear.gather [hbm4b:s9+s2], $0x320, $0x38;
	[tilespmem:$0xCB20] =	vst v63  }
0x45: {  	_ =	swait.ge [sflag:s3], $0x320  }
0x46: {  	[sflag:s3] =	ssyncset.done $0x0  }
0x47: {  	[sflag:s3] =	ssyncadd.s32 $0xFFFFFCE0  }
0x48: {  	[tilespmem:s6], [sflag:$0x1] =	stream.indirect.gather [hbm4b:s5+s6], $0x40, s2, s6, $0xb8;
	[tilespmem:$0xCB20] =	vst v63  }
0x49: {  	_ =	swait.ge [sflag:s7], $0xC800  }
0x4a: {  	[sflag:s7] =	ssyncset.done $0x0  }
0x4b: {  	[sflag:s7] =	ssyncadd.s32 $0xFFFF3800  }
0x4c: {  	[hbm4b:s10+s2] =	stream.linear.scatter [tilespmem:s6], [sflag:$0x2], $0xC800, $0x38;
	[tilespmem:$0xCB20] =	vst v63  }
0x4d: {  	_ =	swait.ge [sflag:s3], $0xC800  }
0x4e: {  	[sflag:s3] =	ssyncset.done $0x0  }
0x4f: {  	[sflag:s3] =	ssyncadd.s32 $0xFFFF3800  }
0x50: {  	[tilespmem:s2], [sflag:$0x2] =	stream.linear.gather [hbm4b:s11+s2], $0x320, $0x38;
	[tilespmem:$0xCB20] =	vst v63  }
0x51: {  	_ =	swait.ge [sflag:s3], $0x320  }
0x52: {  	[sflag:s3] =	ssyncset.done $0x0  }
0x53: {  	[sflag:s3] =	ssyncadd.s32 $0xFFFFFCE0  }
0x54: {  	[tilespmem:s6], [sflag:$0x1] =	stream.indirect.gather [hbm4b:s5+s6], $0x40, s2, s6, $0xb8;
	[tilespmem:$0xCB20] =	vst v63  }
0x55: {  	_ =	swait.ge [sflag:s7], $0xC800  }
0x56: {  	[sflag:s7] =	ssyncset.done $0x0  }
0x57: {  	[sflag:s7] =	ssyncadd.s32 $0xFFFF3800  }
0x58: {  	[hbm4b:s12+s2] =	stream.linear.scatter [tilespmem:s6], [sflag:$0x2], $0xC800, $0x38;
	[tilespmem:$0xCB20] =	vst v63  }
0x59: {  	_ =	swait.ge [sflag:s3], $0xC800  }
0x5a: {  	[sflag:s3] =	ssyncset.done $0x0  }
0x5b: {  	[sflag:s3] =	ssyncadd.s32 $0xFFFF3800  }
0x5c: {  	[tilespmem:s2], [sflag:$0x2] =	stream.linear.gather [hbm4b:s13+s2], $0x320, $0x38;
	[tilespmem:$0xCB20] =	vst v63  }
0x5d: {  	_ =	swait.ge [sflag:s3], $0x320  }
0x5e: {  	[sflag:s3] =	ssyncset.done $0x0  }
0x5f: {  	[sflag:s3] =	ssyncadd.s32 $0xFFFFFCE0  }
0x60: {  	[tilespmem:s6], [sflag:$0x1] =	stream.indirect.gather [hbm4b:s5+s6], $0x40, s2, s6, $0xb8;
	[tilespmem:$0xCB20] =	vst v63  }
0x61: {  	_ =	swait.ge [sflag:s7], $0xC800  }
.Ltmp1:
0x62: {  	[sflag:s7] =	ssyncset.done $0x0;
	(pc) =	sbr.rel @p0 .LBB2_1-.Ltmp1, $4  }
0x63: {  	[sflag:s7] =	ssyncadd.s32 $0xFFFF3800  }
0x64: {  	[hbm4b:s14+s2] =	stream.linear.scatter [tilespmem:s6], [sflag:$0x2], $0xC800, $0x38;
	[tilespmem:$0xCB20] =	vst v63  }
0x65: {  	_ =	swait.ge [sflag:s3], $0xC800  }
0x66: {  	[sflag:s3] =	ssyncset.done $0x0  }
.LBB2_2:
0x67: {  	[sflag:s3] =	ssyncadd.s32 $0xFFFF3800  }
0x68: {  	_ =	sfence.sel $0x180000  }
0x69: {  	[bflag:$0x0] =	sbarrier.arrive $0xFFFF  }
0x6a: {  	p0 =	sne.s32 s0, $0x0;
	_ =	strace $0x90000053  }
0x6b: {  	s0 =	sadd.s32 @!p0 $0x100000, s1;
	[bflag:$0x2] =	sbarrier.arrive $0xFFFF  }
0x6c: {  	[sflag:s0] =	ssyncadd.tile.s32 @!p0 $0x1;
	_ =	shalt  }
.Lfunc_end2:
_tile_overlayer_lowered:
.L_overlay_start_2:
0x6d: {  	(tag) =	ssettag $0x2  }
0x6e: {  	s0 =	rddreg [dreg:$0x0];
	s2 =	stileid.u32  }
0x6f: {  	s1 =	rddreg [dreg:$0x1];
	p0 =	sne.s32 s2, $0x0  }
0x70: {  	s3 =	rddreg [dreg:$0x2];
	[bflag:$0x3] =	sbarrier.arrive $0xFFFF;
	s2 =	simm.s32 @!p0 $0x1C02  }
0x71: {  	[timem:s3], [sflag:s2] =	dma.local @!p0 [hbm:s0], s1  }
0x72: {  	s0 =	simm.s32 @!p0 $0x2  }
0x73: {  	_ =	swait.ge @!p0 [sflag:s0], s1  }
0x74: {  	s1 =	ssub.s32 @!p0 $0x0, s1;
	[sflag:s0] =	ssyncset.done @!p0 $0x0  }
0x75: {  	[sflag:s0] =	ssyncadd.s32 @!p0 s1  }
0x76: {  	[bflag:$0x3] =	sbarrier.arrive $0xFFFF  }
0x77: {  	_ =	shalt  }

// kernel: kernel.33.cloned.1.call-start
scs
__scs_entry_jumppad:
0x0: {  	(pc) =	sbr.rel $0x88, $3  }
0x1: {  	(tag) =	ssettag $0x0;
	lr =	simm.s32 $0x1  }
0x2: {  	[smem:$0x3F9C] =	sst lr;
	_ =	strace $0xD0000000  }
0x3: {  	_ = 	snop  }
0x4: {  	_ = 	snop  }
0x5: {  	_ = 	snop  }
0x6: {  	_ = 	snop  }
0x7: {  	_ = 	snop  }
__scs_overlays_trampoline_lowered:
0x8: {  	[smem:$0x3FAB] =	sst s0  }
0x9: {  	[smem:$0x3FAC] =	sst s1  }
0xa: {  	[smem:$0x3FAD] =	sst s2  }
0xb: {  	[smem:$0x3FAE] =	sst s3  }
0xc: {  	[smem:$0x3FAF] =	sst s4  }
0xd: {  	[smem:$0x3FB0] =	sst s5  }
0xe: {  	[smem:$0x3FB1] =	sst s6  }
0xf: {  	[smem:$0x3FB2] =	sst s7  }
0x10: {  	[smem:$0x3FB3] =	sst s8  }
0x11: {  	[smem:$0x3FB4] =	sst s9;
	s0 =	simm.s32 @!p0 $0x0  }
0x12: {  	s1 =	sld [smem:$0x3F9A];
	s0 =	simm.s32 @p0 $0x1  }
0x13: {  	[smem:$0x3FB5] =	sst s0;
	s0 =	simm.s32 @!p1 $0x0  }
0x14: {  	s2 =	sld [smem:$0x3F99];
	s0 =	simm.s32 @p1 $0x1  }
0x15: {  	[smem:$0x3FB6] =	sst s0;
	s0 =	simm.s32 @!p2 $0x0  }
0x16: {  	s3 =	sld [smem:$0x3FDB];
	s0 =	simm.s32 @p2 $0x1  }
0x17: {  	s4 =	simm.s32 $0x1BF5;
	[smem:$0x3FB8] =	sst s0  }
0x18: {  	s0 =	sld [smem:$0x3F9B];
	_ =	swait.ge [sflag:s4], $0x0  }
0x19: {  	s7 =	sld [smem:$0x3F9C]  }
0x1a: {  	s8 =	sadd.s32 $0xFFFFE003, lr  }
0x1b: {  	s9 =	sadd.s32 $0xFFFFFEF7, lr;
	s5 =	simm.s32 $0xFFFFFFFF;
	p2 =	slt.u32 s8, $0xFFFFF086  }
0x1c: {  	p1 =	slt.u32 s9, $0xF7A;
	s5 =	simm.s32 @!p2 $0x0  }
0x1d: {  	s5 =	simm.s32 @p1 $0x1;
	p0 =	seq.s32 s7, s2  }
0x1e: {  	s7 =	smul.u32 @!p0 $0xF7A, s2;
	p2 =	seq.s32 @!p0 s5, $0x0  }
0x1f: {  	s9 =	smul.u32 $0xF7A, s1;
	s8 =	simm.s32 @!p0 $0x1BF5;
	p2 =	por !p2, p0  }
0x20: {  	[sflag:s8] =	ssyncset.s32 @!p0 $0xFFFFF086;
	s6 =	sadd.s32 @!p0 s3, s7;
	s7 =	simm.s32 @!p0 $0x108  }
0x21: {  	s3 =	sadd.s32 s3, s9;
	s6 =	sadd.s32 @!p0 $0x88, s6;
	s7 =	simm.s32 @p2 $0x1082  }
0x22: {  	[simem:s7], [sflag:s8] =	dma.local @!p0 [hbm:s6], $0xF7A  }
0x23: {  	s9 =	sor.u32 $0xD0000000, s2;
	s6 =	simm.s32 $0x108;
	_ =	swait.ge @!p0 [sflag:s8], $0x0  }
0x24: {  	s3 =	sadd.s32 $0x88, s3;
	s6 =	simm.s32 @!p1 $0x1082;
	[sflag:s4] =	ssyncset.s32 $0xFFFFF086  }
0x25: {  	[simem:s6], [sflag:s4] =	dma.local [hbm:s3], $0xF7A  }
0x26: {  	[smem:$0x3F9C] =	sst s1;
	(tag) =	ssettag s2;
	_ =	strace s9  }
0x27: {  	s1 =	sld [smem:$0x3FAC]  }
0x28: {  	s2 =	sld [smem:$0x3FAD]  }
0x29: {  	s4 =	sld [smem:$0x3FAF]  }
0x2a: {  	p0 =	seq.s32 s5, $0x0;
	s5 =	sld [smem:$0x3FB0]  }
0x2b: {  	s6 =	sld [smem:$0x3FB1]  }
0x2c: {  	s7 =	sld [smem:$0x3FB2]  }
0x2d: {  	s3 =	simm.s32 $0x108;
	s8 =	sld [smem:$0x3FB3]  }
0x2e: {  	s3 =	simm.s32 @!p0 $0x1082;
	s9 =	sld [smem:$0x3FB4]  }
0x2f: {  	lr =	sadd.s32 s0, s3;
	s0 =	sld [smem:$0x3FAB]  }
0x30: {  	s3 =	sld [smem:$0x3FAE]  }
0x31: {  	[smem:$0x3FB7] =	sst s10  }
0x32: {  	s10 =	sld [smem:$0x3FB5];
	_ =	sdelay $0x3  }
0x33: {  	p0 =	seq.s32 s10, $0x1;
	s10 =	sld [smem:$0x3FB7];
	_ =	sdelay $0x3  }
0x34: {  	[smem:$0x3FB7] =	sst s10  }
0x35: {  	s10 =	sld [smem:$0x3FB6];
	_ =	sdelay $0x3  }
0x36: {  	p1 =	seq.s32 s10, $0x1;
	s10 =	sld [smem:$0x3FB7];
	_ =	sdelay $0x3  }
0x37: {  	[smem:$0x3FB7] =	sst s10  }
0x38: {  	s10 =	sld [smem:$0x3FB8]  }
0x39: {  	_ = 	snop;
	(pc) =	sbr.ind lr, $3  }
0x3a: {  	_ = 	snop  }
0x3b: {  	_ = 	snop  }
0x3c: {  	p2 =	seq.s32 s10, $0x1;
	s10 =	sld [smem:$0x3FB7]  }
0x3d: {  	_ =	shalt  }
0x3e: {  	_ =	shalt  }
0x3f: {  	_ =	shalt  }
0x40: {  	_ =	shalt  }
0x41: {  	_ =	shalt  }
0x42: {  	_ =	shalt  }
0x43: {  	_ =	shalt  }
0x44: {  	_ =	shalt  }
0x45: {  	_ =	shalt  }
0x46: {  	_ =	shalt  }
0x47: {  	_ =	shalt  }
0x48: {  	_ =	shalt  }
0x49: {  	_ =	shalt  }
0x4a: {  	_ =	shalt  }
0x4b: {  	_ =	shalt  }
0x4c: {  	_ =	shalt  }
0x4d: {  	_ =	shalt  }
0x4e: {  	_ =	shalt  }
0x4f: {  	_ =	shalt  }
0x50: {  	_ =	shalt  }
0x51: {  	_ =	shalt  }
0x52: {  	_ =	shalt  }
0x53: {  	_ =	shalt  }
0x54: {  	_ =	shalt  }
0x55: {  	_ =	shalt  }
0x56: {  	_ =	shalt  }
0x57: {  	_ =	shalt  }
0x58: {  	_ =	shalt  }
0x59: {  	_ =	shalt  }
0x5a: {  	_ =	shalt  }
0x5b: {  	_ =	shalt  }
0x5c: {  	_ =	shalt  }
0x5d: {  	_ =	shalt  }
0x5e: {  	_ =	shalt  }
0x5f: {  	_ =	shalt  }
0x60: {  	_ =	shalt  }
0x61: {  	_ =	shalt  }
0x62: {  	_ =	shalt  }
0x63: {  	_ =	shalt  }
0x64: {  	_ =	shalt  }
0x65: {  	_ =	shalt  }
0x66: {  	_ =	shalt  }
0x67: {  	_ =	shalt  }
0x68: {  	_ =	shalt  }
0x69: {  	_ =	shalt  }
0x6a: {  	_ =	shalt  }
0x6b: {  	_ =	shalt  }
0x6c: {  	_ =	shalt  }
0x6d: {  	_ =	shalt  }
0x6e: {  	_ =	shalt  }
0x6f: {  	_ =	shalt  }
0x70: {  	_ =	shalt  }
0x71: {  	_ =	shalt  }
0x72: {  	_ =	shalt  }
0x73: {  	_ =	shalt  }
0x74: {  	_ =	shalt  }
0x75: {  	_ =	shalt  }
0x76: {  	_ =	shalt  }
0x77: {  	_ =	shalt  }
0x78: {  	_ =	shalt  }
0x79: {  	_ =	shalt  }
0x7a: {  	_ =	shalt  }
0x7b: {  	_ =	shalt  }
0x7c: {  	_ =	shalt  }
0x7d: {  	_ =	shalt  }
0x7e: {  	_ =	shalt  }
0x7f: {  	_ =	shalt  }
0x80: {  	_ =	shalt  }
0x81: {  	_ =	shalt  }
0x82: {  	_ =	shalt  }
0x83: {  	_ =	shalt  }
0x84: {  	_ =	shalt  }
0x85: {  	_ =	shalt  }
0x86: {  	_ =	shalt  }
0x87: {  	_ =	shalt  }
.Lfunc_end0:
.L_simem_size_0:
called_computation.5_lowered:
.L_overlay_start_0:
0x88: {  	s2 =	sld [smem:$0x3FD9]  }
0x89: {  	s3 =	sld [smem:$0x3FFE];
	_ =	sdelay $0x1  }
0x8a: {  	s1 =	srdreg.scid  }
0x8b: {  	s0 =	sand.u32 $0x1, s1  }
0x8c: {  	s17 =	sshll.u32 s0, $0xA;
	s2 =	sadd.s32 s3, s2  }
0x8d: {  	s2 =	sadd.s32 s2, s17  }
0x8e: {  	[smem:$0x3FC3] =	sst s2  }
0x8f: {  	_ = 	snop  }
0x90: {  	(tm) =	ssettm $0x1  }
0x91: {  	s18 =	sld [smem:$0x3FFB];
	_ =	sdelay $0x3  }
0x92: {  	_ =	strace s18  }
0x93: {  	s2 =	sld [smem:$0x3FFC];
	_ =	sdelay $0x3  }
0x94: {  	_ =	strace s2  }
0x95: {  	s2 =	sld [smem:$0x3FFD];
	_ =	sdelay $0x3  }
0x96: {  	_ =	strace s2  }
0x97: {  	_ =	strace $0x8FFFFFFF  }
0x98: {  	s19 =	sld [smem:$0x3FDB];
	_ =	sdelay $0x1  }
0x99: {  	s20 =	simm.s32 $_scs_section_size  }
0x9a: {  	s4 =	simm.s32 $_size__tile_overlayer_lowered;
	s5 =	simm.s32 $_tile_overlayer_lowered  }
0x9b: {  	s6 =	simm.s32 $0x1BFF;
	s21 =	sshll.u32 s5, $0x1;
	s3 =	sadd.s32 s20, s19  }
0x9c: {  	s22 =	simm.s32 $0x0;
	s4 =	sshll.u32 s4, $0x1;
	s5 =	sadd.s32 s21, s3  }
0x9d: {  	[timem:s22], [sflag:s6] =	dma.local [hbm:s5], s4  }
0x9e: {  	_ =	swait.ge [sflag:s6], s4  }
0x9f: {  	s4 =	ssub.s32 $0x0, s4;
	[sflag:s6] =	ssyncset.done $0x0  }
0xa0: {  	[sflag:s6] =	ssyncadd.s32 s4;
	_ =	sdelay $0x1  }
0xa1: {  	s23 =	simm.s32 $0x1B8B  }
0xa2: {  	_ =	swait.ge [sflag:s23], $0x1  }
0xa3: {  	[sflag:s23] =	ssyncset.done $0x0  }
0xa4: {  	[sflag:s23] =	ssyncadd.s32 $0xFFFFFFFF  }
0xa5: {  	s4 =	sld [smem:$0x0]  }
0xa6: {  	s5 =	sand.u32 $0xFFFFFFFE, s1  }
0xa7: {  	p0 =	sne.s32 s1, s5  }
0xa8: {  	s5 =	sshll.u32 @p0 s5, $0xE  }
0xa9: {  	s5 =	sadd.s32 @p0 $0x11B8D, s5;
	s6 =	sshll.u32 @p0 s4, $0x11  }
0xaa: {  	s5 =	sor.u32 @p0 s6, s5  }
0xab: {  	[sflag:s5] =	ssyncadd.remote.s32 @p0 $0x1;
	_ =	sdelay $0x1  }
0xac: {  	s5 =	simm.s32 @p0 $0x1B8D  }
0xad: {  	_ =	swait.eq @p0 [sflag:s5], $0x1  }
0xae: {  	[sflag:s5] =	ssyncadd.s32 @p0 $0xFFFFFFFF  }
0xaf: {  	s6 =	sshll.u32 @!p0 s1, $0xE  }
0xb0: {  	s6 =	sor.u32 @!p0 $0x4000, s6;
	s5 =	simm.s32 @!p0 $0x1B8D  }
0xb1: {  	s4 =	sshll.u32 @!p0 s4, $0x11;
	s6 =	sadd.s32 @!p0 $0x11B8D, s6;
	_ =	swait.eq @!p0 [sflag:s5], $0x1  }
0xb2: {  	s4 =	sor.u32 @!p0 s4, s6;
	[sflag:s5] =	ssyncadd.s32 @!p0 $0xFFFFFFFF  }
0xb3: {  	s25 =	simm.s32 $0x1B8E;
	s24 =	sld [smem:$0x3FFE];
	[sflag:s4] =	ssyncadd.remote.s32 @!p0 $0x1  }
0xb4: {  	s26 =	simm.s32 $execute0_lowered;
	[smem:$0x3FD2] =	sst s25  }
0xb5: {  	s5 =	sshll.u32 s26, $0x1;
	_ =	strace $0x80000055;
	[dreg:$0x1] =	wrdreg $0xFFFFFFFF  }
0xb6: {  	s28 =	simm.s32 $_size_execute0_lowered;
	s3 =	sadd.s32 s3, s5;
	[dreg:$0x0] =	wrdreg $0x0  }
0xb7: {  	s5 =	sshll.u32 s28, $0x1;
	[dreg:$0x2] =	wrdreg s3  }
0xb8: {  	[dreg:$0x3] =	wrdreg s5  }
0xb9: {  	[dreg:$0x4] =	wrdreg $0xC0  }
0xba: {  	_ =	task [dreg:s22], $0x5FFFF  }
0xbb: {  	[dreg:$0x1] =	wrdreg $0xFFFFFFFF  }
0xbc: {  	[dreg:$0x0] =	wrdreg $0x60  }
0xbd: {  	[dreg:$0x2] =	wrdreg s24  }
0xbe: {  	[dreg:$0x3] =	wrdreg $0xE  }
0xbf: {  	_ =	task.clear_ibuf [dreg:s22], $0x4FFFF;
	_ =	strace $0x90000055  }
0xc0: {  	s29 =	simm.s32 $0xE;
	_ =	strace $0x80000057  }
0xc1: {  	_ =	swait.ge [sflag:s29], $0x1  }
0xc2: {  	[sflag:s29] =	ssyncadd.s32 $0xFFFFFFFF  }
0xc3: {  	_ =	strace $0x90000057  }
0xc4: {  	_ =	sfence  }
0xc5: {  	s30 =	sld [smem:$0x0];
	_ =	sdelay $0x2  }
0xc6: {  	s31 =	sshll.u32 s1, $0xD;
	s1 =	sshrl.u32 s1, $0x2  }
0xc7: {  	s4 =	sand.u32 $0x4000, s31;
	s1 =	sadd.s32 s1, s30  }
0xc8: {  	s0 =	sor.u32 s4, s0;
	s1 =	sshll.u32 s1, $0x11  }
0xc9: {  	s0 =	sor.u32 s1, s0  }
0xca: {  	s0 =	sadd.s32 $0x8F2B, s0  }
0xcb: {  	[sflag:s0] =	ssyncadd.remote.s32 $0x1  }
0xcc: {  	_ =	sfence.sel $0xFFFF  }
0xcd: {  	[dreg:$0x0] =	wrdreg $0xFFFFFFFF;
	(pc) =	sbr.abs _section_cstart, $3  }
0xce: {  	[dreg:$0x1] =	wrdreg $0xFFFFFFFF  }
0xcf: {  	_ =	task.clear_ibuf [dreg:s22], $0x2FFFF;
	_ =	strace $0x9FFFFFFF  }
0xd0: {  	(tm) =	ssettm $0x7FFFFFFF  }
0xd1: {  	_ =	shalt  }
tec
execute0_lowered:
.L_overlay_start_1:
0x0: {  	(tag) =	ssettag $0x1  }
0x1: {  	s1 =	srdreg.scid;
	s0 =	stileid.u32  }
0x2: {  	s14 =	sand.u32 $0x1, s1;
	s28 =	sshll.u32 s0, $0x1  }
0x3: {  	s8 =	sor.u32 s14, s28  }
0x4: {  	s9 =	rddreg [dreg:$0x0];
	s13 =	smul.u32 $0xC80, s8  }
0x5: {  	s2 =	simm.s32 $0x0;
	s1 =	rddreg [dreg:$0x1]  }
0x6: {  	[smem:$0x7FF] =	sst s2;
	s15 =	sadd.s32 $0xD2600, s9;
	s3 =	sshrl.u32 s13, $0x3  }
0x7: {  	_ =	strace $0x80000056;
	s4 =	sadd.s32 s15, s3;
	s3 =	simm.s32 $0x2  }
0x8: {  	[tilespmem:s2], [sflag:$0x2] =	stream.linear.gather [hbm4b:s4+s2], $0x320, $0x38;
	[tilespmem:$0xCB20] =	vst v63  }
0x9: {  	_ =	swait.ge [sflag:s3], $0x320  }
0xa: {  	s6 =	simm.s32 $0x320;
	[sflag:s3] =	ssyncset.done $0x0  }
0xb: {  	s7 =	simm.s32 $0x1;
	s5 =	sadd.s32 $0xF46600, s9;
	[sflag:s3] =	ssyncadd.s32 $0xFFFFFCE0  }
0xc: {  	[tilespmem:s6], [sflag:$0x1] =	stream.indirect.gather [hbm4b:s5+s6], $0x40, s2, s6, $0xb8;
	[tilespmem:$0xCB20] =	vst v63  }
0xd: {  	s8 =	smul.u32 $0x6400, s8;
	_ =	swait.ge [sflag:s7], $0xC800  }
0xe: {  	s16 =	sadd.s32 $0x3FBC00, s9;
	[sflag:s7] =	ssyncset.done $0x0  }
0xf: {  	s8 =	sadd.s32 s16, s8;
	[sflag:s7] =	ssyncadd.s32 $0xFFFF3800  }
0x10: {  	[hbm4b:s8+s2] =	stream.linear.scatter [tilespmem:s6], [sflag:$0x2], $0xC800, $0x38;
	[tilespmem:$0xCB20] =	vst v63  }
0x11: {  	s10 =	sadd.s32 $0x320, s13;
	_ =	swait.ge [sflag:s3], $0xC800  }
0x12: {  	s29 =	sshrl.u32 s10, $0x3;
	[sflag:s3] =	ssyncset.done $0x0  }
0x13: {  	s9 =	sadd.s32 s15, s29;
	[sflag:s3] =	ssyncadd.s32 $0xFFFF3800  }
0x14: {  	[tilespmem:s2], [sflag:$0x2] =	stream.linear.gather [hbm4b:s9+s2], $0x320, $0x38;
	[tilespmem:$0xCB20] =	vst v63  }
0x15: {  	_ =	swait.ge [sflag:s3], $0x320  }
0x16: {  	[sflag:s3] =	ssyncset.done $0x0  }
0x17: {  	[sflag:s3] =	ssyncadd.s32 $0xFFFFFCE0  }
0x18: {  	[tilespmem:s6], [sflag:$0x1] =	stream.indirect.gather [hbm4b:s5+s6], $0x40, s2, s6, $0xb8;
	[tilespmem:$0xCB20] =	vst v63  }
0x19: {  	_ =	swait.ge [sflag:s7], $0xC800  }
0x1a: {  	s10 =	sshll.u32 s10, $0x3;
	[sflag:s7] =	ssyncset.done $0x0  }
0x1b: {  	s10 =	sadd.s32 s16, s10;
	[sflag:s7] =	ssyncadd.s32 $0xFFFF3800  }
0x1c: {  	[hbm4b:s10+s2] =	stream.linear.scatter [tilespmem:s6], [sflag:$0x2], $0xC800, $0x38;
	[tilespmem:$0xCB20] =	vst v63  }
0x1d: {  	s12 =	sadd.s32 $0x640, s13;
	_ =	swait.ge [sflag:s3], $0xC800  }
0x1e: {  	s11 =	sshrl.u32 s12, $0x3;
	[sflag:s3] =	ssyncset.done $0x0  }
0x1f: {  	s11 =	sadd.s32 s15, s11;
	[sflag:s3] =	ssyncadd.s32 $0xFFFF3800  }
0x20: {  	[tilespmem:s2], [sflag:$0x2] =	stream.linear.gather [hbm4b:s11+s2], $0x320, $0x38;
	[tilespmem:$0xCB20] =	vst v63  }
0x21: {  	_ =	swait.ge [sflag:s3], $0x320  }
0x22: {  	[sflag:s3] =	ssyncset.done $0x0  }
0x23: {  	[sflag:s3] =	ssyncadd.s32 $0xFFFFFCE0  }
0x24: {  	[tilespmem:s6], [sflag:$0x1] =	stream.indirect.gather [hbm4b:s5+s6], $0x40, s2, s6, $0xb8;
	[tilespmem:$0xCB20] =	vst v63  }
0x25: {  	_ =	swait.ge [sflag:s7], $0xC800  }
0x26: {  	s12 =	sshll.u32 s12, $0x3;
	[sflag:s7] =	ssyncset.done $0x0  }
0x27: {  	s12 =	sadd.s32 s16, s12;
	[sflag:s7] =	ssyncadd.s32 $0xFFFF3800  }
0x28: {  	[hbm4b:s12+s2] =	stream.linear.scatter [tilespmem:s6], [sflag:$0x2], $0xC800, $0x38;
	[tilespmem:$0xCB20] =	vst v63  }
0x29: {  	s17 =	sadd.s32 $0x960, s13;
	_ =	swait.ge [sflag:s3], $0xC800  }
0x2a: {  	s13 =	sshrl.u32 s17, $0x3;
	[sflag:s3] =	ssyncset.done $0x0  }
0x2b: {  	s14 =	ssub.s32 $0x2, s14;
	s13 =	sadd.s32 s15, s13;
	[sflag:s3] =	ssyncadd.s32 $0xFFFF3800  }
0x2c: {  	[tilespmem:s2], [sflag:$0x2] =	stream.linear.gather [hbm4b:s13+s2], $0x320, $0x38;
	[tilespmem:$0xCB20] =	vst v63  }
0x2d: {  	s30 =	sshrl.u32 s14, $0x1;
	_ =	swait.ge [sflag:s3], $0x320  }
0x2e: {  	s15 =	ssub.s32 s14, s30;
	[sflag:s3] =	ssyncset.done $0x0  }
0x2f: {  	s15 =	smax.u32 s15, $0x1;
	[sflag:s3] =	ssyncadd.s32 $0xFFFFFCE0  }
0x30: {  	[tilespmem:s6], [sflag:$0x1] =	stream.indirect.gather [hbm4b:s5+s6], $0x40, s2, s6, $0xb8;
	[tilespmem:$0xCB20] =	vst v63  }
0x31: {  	p0 =	sne.s32 s15, $0x1;
	_ =	swait.ge [sflag:s7], $0xC800  }
.Ltmp0:
0x32: {  	s31 =	sshll.u32 s17, $0x3;
	[sflag:s7] =	ssyncset.done $0x0;
	(pc) =	sbr.rel @!p0 .LBB2_2-.Ltmp0, $4  }
0x33: {  	s14 =	sadd.s32 s16, s31;
	[sflag:s7] =	ssyncadd.s32 $0xFFFF3800  }
0x34: {  	[hbm4b:s14+s2] =	stream.linear.scatter [tilespmem:s6], [sflag:$0x2], $0xC800, $0x38;
	[tilespmem:$0xCB20] =	vst v63  }
0x35: {  	_ =	swait.ge [sflag:s3], $0xC800  }
0x36: {  	s15 =	sadd.s32 $0xFFFFFFFF, s15;
	[sflag:s3] =	ssyncset.done $0x0  }
.LBB2_1:
0x37: {  	p0 =	sne.s32 s15, $0x1;
	s15 =	sadd.s32 $0xFFFFFFFF, s15;
	[sflag:s3] =	ssyncadd.s32 $0xFFFF3800  }
0x38: {  	[tilespmem:s2], [sflag:$0x2] =	stream.linear.gather [hbm4b:s4+s2], $0x320, $0x38;
	[tilespmem:$0xCB20] =	vst v63  }
0x39: {  	_ =	swait.ge [sflag:s3], $0x320  }
0x3a: {  	[sflag:s3] =	ssyncset.done $0x0  }
0x3b: {  	[sflag:s3] =	ssyncadd.s32 $0xFFFFFCE0  }
0x3c: {  	[tilespmem:s6], [sflag:$0x1] =	stream.indirect.gather [hbm4b:s5+s6], $0x40, s2, s6, $0xb8;
	[tilespmem:$0xCB20] =	vst v63  }
0x3d: {  	_ =	swait.ge [sflag:s7], $0xC800  }
0x3e: {  	[sflag:s7] =	ssyncset.done $0x0  }
0x3f: {  	[sflag:s7] =	ssyncadd.s32 $0xFFFF3800  }
0x40: {  	[hbm4b:s8+s2] =	stream.linear.scatter [tilespmem:s6], [sflag:$0x2], $0xC800, $0x38;
	[tilespmem:$0xCB20] =	vst v63  }
0x41: {  	_ =	swait.ge [sflag:s3], $0xC800  }
0x42: {  	[sflag:s3] =	ssyncset.done $0x0  }
0x43: {  	[sflag:s3] =	ssyncadd.s32 $0xFFFF3800  }
0x44: {  	[tilespmem:s2], [sflag:$0x2] =	stream.linear.gather [hbm4b:s9+s2], $0x320, $0x38;
	[tilespmem:$0xCB20] =	vst v63  }
0x45: {  	_ =	swait.ge [sflag:s3], $0x320  }
0x46: {  	[sflag:s3] =	ssyncset.done $0x0  }
0x47: {  	[sflag:s3] =	ssyncadd.s32 $0xFFFFFCE0  }
0x48: {  	[tilespmem:s6], [sflag:$0x1] =	stream.indirect.gather [hbm4b:s5+s6], $0x40, s2, s6, $0xb8;
	[tilespmem:$0xCB20] =	vst v63  }
0x49: {  	_ =	swait.ge [sflag:s7], $0xC800  }
0x4a: {  	[sflag:s7] =	ssyncset.done $0x0  }
0x4b: {  	[sflag:s7] =	ssyncadd.s32 $0xFFFF3800  }
0x4c: {  	[hbm4b:s10+s2] =	stream.linear.scatter [tilespmem:s6], [sflag:$0x2], $0xC800, $0x38;
	[tilespmem:$0xCB20] =	vst v63  }
0x4d: {  	_ =	swait.ge [sflag:s3], $0xC800  }
0x4e: {  	[sflag:s3] =	ssyncset.done $0x0  }
0x4f: {  	[sflag:s3] =	ssyncadd.s32 $0xFFFF3800  }
0x50: {  	[tilespmem:s2], [sflag:$0x2] =	stream.linear.gather [hbm4b:s11+s2], $0x320, $0x38;
	[tilespmem:$0xCB20] =	vst v63  }
0x51: {  	_ =	swait.ge [sflag:s3], $0x320  }
0x52: {  	[sflag:s3] =	ssyncset.done $0x0  }
0x53: {  	[sflag:s3] =	ssyncadd.s32 $0xFFFFFCE0  }
0x54: {  	[tilespmem:s6], [sflag:$0x1] =	stream.indirect.gather [hbm4b:s5+s6], $0x40, s2, s6, $0xb8;
	[tilespmem:$0xCB20] =	vst v63  }
0x55: {  	_ =	swait.ge [sflag:s7], $0xC800  }
0x56: {  	[sflag:s7] =	ssyncset.done $0x0  }
0x57: {  	[sflag:s7] =	ssyncadd.s32 $0xFFFF3800  }
0x58: {  	[hbm4b:s12+s2] =	stream.linear.scatter [tilespmem:s6], [sflag:$0x2], $0xC800, $0x38;
	[tilespmem:$0xCB20] =	vst v63  }
0x59: {  	_ =	swait.ge [sflag:s3], $0xC800  }
0x5a: {  	[sflag:s3] =	ssyncset.done $0x0  }
0x5b: {  	[sflag:s3] =	ssyncadd.s32 $0xFFFF3800  }
0x5c: {  	[tilespmem:s2], [sflag:$0x2] =	stream.linear.gather [hbm4b:s13+s2], $0x320, $0x38;
	[tilespmem:$0xCB20] =	vst v63  }
0x5d: {  	_ =	swait.ge [sflag:s3], $0x320  }
0x5e: {  	[sflag:s3] =	ssyncset.done $0x0  }
0x5f: {  	[sflag:s3] =	ssyncadd.s32 $0xFFFFFCE0  }
0x60: {  	[tilespmem:s6], [sflag:$0x1] =	stream.indirect.gather [hbm4b:s5+s6], $0x40, s2, s6, $0xb8;
	[tilespmem:$0xCB20] =	vst v63  }
0x61: {  	_ =	swait.ge [sflag:s7], $0xC800  }
.Ltmp1:
0x62: {  	[sflag:s7] =	ssyncset.done $0x0;
	(pc) =	sbr.rel @p0 .LBB2_1-.Ltmp1, $4  }
0x63: {  	[sflag:s7] =	ssyncadd.s32 $0xFFFF3800  }
0x64: {  	[hbm4b:s14+s2] =	stream.linear.scatter [tilespmem:s6], [sflag:$0x2], $0xC800, $0x38;
	[tilespmem:$0xCB20] =	vst v63  }
0x65: {  	_ =	swait.ge [sflag:s3], $0xC800  }
0x66: {  	[sflag:s3] =	ssyncset.done $0x0  }
.LBB2_2:
0x67: {  	[sflag:s3] =	ssyncadd.s32 $0xFFFF3800  }
0x68: {  	_ =	sfence.sel $0x180000  }
0x69: {  	[bflag:$0x0] =	sbarrier.arrive $0xFFFF  }
0x6a: {  	p0 =	sne.s32 s0, $0x0;
	_ =	strace $0x90000056  }
0x6b: {  	s0 =	sadd.s32 @!p0 $0x100000, s1;
	[bflag:$0x2] =	sbarrier.arrive $0xFFFF  }
0x6c: {  	[sflag:s0] =	ssyncadd.tile.s32 @!p0 $0x1;
	_ =	shalt  }
.Lfunc_end2:
_tile_overlayer_lowered:
.L_overlay_start_2:
0x6d: {  	(tag) =	ssettag $0x2  }
0x6e: {  	s0 =	rddreg [dreg:$0x0];
	s2 =	stileid.u32  }
0x6f: {  	s1 =	rddreg [dreg:$0x1];
	p0 =	sne.s32 s2, $0x0  }
0x70: {  	s3 =	rddreg [dreg:$0x2];
	[bflag:$0x3] =	sbarrier.arrive $0xFFFF;
	s2 =	simm.s32 @!p0 $0x1C02  }
0x71: {  	[timem:s3], [sflag:s2] =	dma.local @!p0 [hbm:s0], s1  }
0x72: {  	s0 =	simm.s32 @!p0 $0x2  }
0x73: {  	_ =	swait.ge @!p0 [sflag:s0], s1  }
0x74: {  	s1 =	ssub.s32 @!p0 $0x0, s1;
	[sflag:s0] =	ssyncset.done @!p0 $0x0  }
0x75: {  	[sflag:s0] =	ssyncadd.s32 @!p0 s1  }
0x76: {  	[bflag:$0x3] =	sbarrier.arrive $0xFFFF  }
0x77: {  	_ =	shalt  }

// kernel: kernel.36.cloned.1.call-start
scs
__scs_entry_jumppad:
0x0: {  	(pc) =	sbr.rel $0x88, $3  }
0x1: {  	(tag) =	ssettag $0x0;
	lr =	simm.s32 $0x1  }
0x2: {  	[smem:$0x3F9C] =	sst lr;
	_ =	strace $0xD0000000  }
0x3: {  	_ = 	snop  }
0x4: {  	_ = 	snop  }
0x5: {  	_ = 	snop  }
0x6: {  	_ = 	snop  }
0x7: {  	_ = 	snop  }
__scs_overlays_trampoline_lowered:
0x8: {  	[smem:$0x3FAB] =	sst s0  }
0x9: {  	[smem:$0x3FAC] =	sst s1  }
0xa: {  	[smem:$0x3FAD] =	sst s2  }
0xb: {  	[smem:$0x3FAE] =	sst s3  }
0xc: {  	[smem:$0x3FAF] =	sst s4  }
0xd: {  	[smem:$0x3FB0] =	sst s5  }
0xe: {  	[smem:$0x3FB1] =	sst s6  }
0xf: {  	[smem:$0x3FB2] =	sst s7  }
0x10: {  	[smem:$0x3FB3] =	sst s8  }
0x11: {  	[smem:$0x3FB4] =	sst s9;
	s0 =	simm.s32 @!p0 $0x0  }
0x12: {  	s1 =	sld [smem:$0x3F9A];
	s0 =	simm.s32 @p0 $0x1  }
0x13: {  	[smem:$0x3FB5] =	sst s0;
	s0 =	simm.s32 @!p1 $0x0  }
0x14: {  	s2 =	sld [smem:$0x3F99];
	s0 =	simm.s32 @p1 $0x1  }
0x15: {  	[smem:$0x3FB6] =	sst s0;
	s0 =	simm.s32 @!p2 $0x0  }
0x16: {  	s3 =	sld [smem:$0x3FDB];
	s0 =	simm.s32 @p2 $0x1  }
0x17: {  	s4 =	simm.s32 $0x1BF5;
	[smem:$0x3FB8] =	sst s0  }
0x18: {  	s0 =	sld [smem:$0x3F9B];
	_ =	swait.ge [sflag:s4], $0x0  }
0x19: {  	s7 =	sld [smem:$0x3F9C]  }
0x1a: {  	s8 =	sadd.s32 $0xFFFFE003, lr  }
0x1b: {  	s9 =	sadd.s32 $0xFFFFFEF7, lr;
	s5 =	simm.s32 $0xFFFFFFFF;
	p2 =	slt.u32 s8, $0xFFFFF086  }
0x1c: {  	p1 =	slt.u32 s9, $0xF7A;
	s5 =	simm.s32 @!p2 $0x0  }
0x1d: {  	s5 =	simm.s32 @p1 $0x1;
	p0 =	seq.s32 s7, s2  }
0x1e: {  	s7 =	smul.u32 @!p0 $0xF7A, s2;
	p2 =	seq.s32 @!p0 s5, $0x0  }
0x1f: {  	s9 =	smul.u32 $0xF7A, s1;
	s8 =	simm.s32 @!p0 $0x1BF5;
	p2 =	por !p2, p0  }
0x20: {  	[sflag:s8] =	ssyncset.s32 @!p0 $0xFFFFF086;
	s6 =	sadd.s32 @!p0 s3, s7;
	s7 =	simm.s32 @!p0 $0x108  }
0x21: {  	s3 =	sadd.s32 s3, s9;
	s6 =	sadd.s32 @!p0 $0x88, s6;
	s7 =	simm.s32 @p2 $0x1082  }
0x22: {  	[simem:s7], [sflag:s8] =	dma.local @!p0 [hbm:s6], $0xF7A  }
0x23: {  	s9 =	sor.u32 $0xD0000000, s2;
	s6 =	simm.s32 $0x108;
	_ =	swait.ge @!p0 [sflag:s8], $0x0  }
0x24: {  	s3 =	sadd.s32 $0x88, s3;
	s6 =	simm.s32 @!p1 $0x1082;
	[sflag:s4] =	ssyncset.s32 $0xFFFFF086  }
0x25: {  	[simem:s6], [sflag:s4] =	dma.local [hbm:s3], $0xF7A  }
0x26: {  	[smem:$0x3F9C] =	sst s1;
	(tag) =	ssettag s2;
	_ =	strace s9  }
0x27: {  	s1 =	sld [smem:$0x3FAC]  }
0x28: {  	s2 =	sld [smem:$0x3FAD]  }
0x29: {  	s4 =	sld [smem:$0x3FAF]  }
0x2a: {  	p0 =	seq.s32 s5, $0x0;
	s5 =	sld [smem:$0x3FB0]  }
0x2b: {  	s6 =	sld [smem:$0x3FB1]  }
0x2c: {  	s7 =	sld [smem:$0x3FB2]  }
0x2d: {  	s3 =	simm.s32 $0x108;
	s8 =	sld [smem:$0x3FB3]  }
0x2e: {  	s3 =	simm.s32 @!p0 $0x1082;
	s9 =	sld [smem:$0x3FB4]  }
0x2f: {  	lr =	sadd.s32 s0, s3;
	s0 =	sld [smem:$0x3FAB]  }
0x30: {  	s3 =	sld [smem:$0x3FAE]  }
0x31: {  	[smem:$0x3FB7] =	sst s10  }
0x32: {  	s10 =	sld [smem:$0x3FB5];
	_ =	sdelay $0x3  }
0x33: {  	p0 =	seq.s32 s10, $0x1;
	s10 =	sld [smem:$0x3FB7];
	_ =	sdelay $0x3  }
0x34: {  	[smem:$0x3FB7] =	sst s10  }
0x35: {  	s10 =	sld [smem:$0x3FB6];
	_ =	sdelay $0x3  }
0x36: {  	p1 =	seq.s32 s10, $0x1;
	s10 =	sld [smem:$0x3FB7];
	_ =	sdelay $0x3  }
0x37: {  	[smem:$0x3FB7] =	sst s10  }
0x38: {  	s10 =	sld [smem:$0x3FB8]  }
0x39: {  	_ = 	snop;
	(pc) =	sbr.ind lr, $3  }
0x3a: {  	_ = 	snop  }
0x3b: {  	_ = 	snop  }
0x3c: {  	p2 =	seq.s32 s10, $0x1;
	s10 =	sld [smem:$0x3FB7]  }
0x3d: {  	_ =	shalt  }
0x3e: {  	_ =	shalt  }
0x3f: {  	_ =	shalt  }
0x40: {  	_ =	shalt  }
0x41: {  	_ =	shalt  }
0x42: {  	_ =	shalt  }
0x43: {  	_ =	shalt  }
0x44: {  	_ =	shalt  }
0x45: {  	_ =	shalt  }
0x46: {  	_ =	shalt  }
0x47: {  	_ =	shalt  }
0x48: {  	_ =	shalt  }
0x49: {  	_ =	shalt  }
0x4a: {  	_ =	shalt  }
0x4b: {  	_ =	shalt  }
0x4c: {  	_ =	shalt  }
0x4d: {  	_ =	shalt  }
0x4e: {  	_ =	shalt  }
0x4f: {  	_ =	shalt  }
0x50: {  	_ =	shalt  }
0x51: {  	_ =	shalt  }
0x52: {  	_ =	shalt  }
0x53: {  	_ =	shalt  }
0x54: {  	_ =	shalt  }
0x55: {  	_ =	shalt  }
0x56: {  	_ =	shalt  }
0x57: {  	_ =	shalt  }
0x58: {  	_ =	shalt  }
0x59: {  	_ =	shalt  }
0x5a: {  	_ =	shalt  }
0x5b: {  	_ =	shalt  }
0x5c: {  	_ =	shalt  }
0x5d: {  	_ =	shalt  }
0x5e: {  	_ =	shalt  }
0x5f: {  	_ =	shalt  }
0x60: {  	_ =	shalt  }
0x61: {  	_ =	shalt  }
0x62: {  	_ =	shalt  }
0x63: {  	_ =	shalt  }
0x64: {  	_ =	shalt  }
0x65: {  	_ =	shalt  }
0x66: {  	_ =	shalt  }
0x67: {  	_ =	shalt  }
0x68: {  	_ =	shalt  }
0x69: {  	_ =	shalt  }
0x6a: {  	_ =	shalt  }
0x6b: {  	_ =	shalt  }
0x6c: {  	_ =	shalt  }
0x6d: {  	_ =	shalt  }
0x6e: {  	_ =	shalt  }
0x6f: {  	_ =	shalt  }
0x70: {  	_ =	shalt  }
0x71: {  	_ =	shalt  }
0x72: {  	_ =	shalt  }
0x73: {  	_ =	shalt  }
0x74: {  	_ =	shalt  }
0x75: {  	_ =	shalt  }
0x76: {  	_ =	shalt  }
0x77: {  	_ =	shalt  }
0x78: {  	_ =	shalt  }
0x79: {  	_ =	shalt  }
0x7a: {  	_ =	shalt  }
0x7b: {  	_ =	shalt  }
0x7c: {  	_ =	shalt  }
0x7d: {  	_ =	shalt  }
0x7e: {  	_ =	shalt  }
0x7f: {  	_ =	shalt  }
0x80: {  	_ =	shalt  }
0x81: {  	_ =	shalt  }
0x82: {  	_ =	shalt  }
0x83: {  	_ =	shalt  }
0x84: {  	_ =	shalt  }
0x85: {  	_ =	shalt  }
0x86: {  	_ =	shalt  }
0x87: {  	_ =	shalt  }
.Lfunc_end0:
.L_simem_size_0:
called_computation.6_lowered:
.L_overlay_start_0:
0x88: {  	s2 =	sld [smem:$0x3FD9]  }
0x89: {  	s3 =	sld [smem:$0x3FFE];
	_ =	sdelay $0x1  }
0x8a: {  	s1 =	srdreg.scid  }
0x8b: {  	s0 =	sand.u32 $0x1, s1  }
0x8c: {  	s17 =	sshll.u32 s0, $0xA;
	s2 =	sadd.s32 s3, s2  }
0x8d: {  	s2 =	sadd.s32 s2, s17  }
0x8e: {  	[smem:$0x3FC3] =	sst s2  }
0x8f: {  	_ = 	snop  }
0x90: {  	(tm) =	ssettm $0x1  }
0x91: {  	s18 =	sld [smem:$0x3FFB];
	_ =	sdelay $0x3  }
0x92: {  	_ =	strace s18  }
0x93: {  	s2 =	sld [smem:$0x3FFC];
	_ =	sdelay $0x3  }
0x94: {  	_ =	strace s2  }
0x95: {  	s2 =	sld [smem:$0x3FFD];
	_ =	sdelay $0x3  }
0x96: {  	_ =	strace s2  }
0x97: {  	_ =	strace $0x8FFFFFFF  }
0x98: {  	s19 =	sld [smem:$0x3FDB];
	_ =	sdelay $0x1  }
0x99: {  	s20 =	simm.s32 $_scs_section_size  }
0x9a: {  	s4 =	simm.s32 $_size__tile_overlayer_lowered;
	s5 =	simm.s32 $_tile_overlayer_lowered  }
0x9b: {  	s6 =	simm.s32 $0x1BFF;
	s21 =	sshll.u32 s5, $0x1;
	s3 =	sadd.s32 s20, s19  }
0x9c: {  	s22 =	simm.s32 $0x0;
	s4 =	sshll.u32 s4, $0x1;
	s5 =	sadd.s32 s21, s3  }
0x9d: {  	[timem:s22], [sflag:s6] =	dma.local [hbm:s5], s4  }
0x9e: {  	_ =	swait.ge [sflag:s6], s4  }
0x9f: {  	s4 =	ssub.s32 $0x0, s4;
	[sflag:s6] =	ssyncset.done $0x0  }
0xa0: {  	[sflag:s6] =	ssyncadd.s32 s4;
	_ =	sdelay $0x1  }
0xa1: {  	s23 =	simm.s32 $0x1B8B  }
0xa2: {  	_ =	swait.ge [sflag:s23], $0x1  }
0xa3: {  	[sflag:s23] =	ssyncset.done $0x0  }
0xa4: {  	[sflag:s23] =	ssyncadd.s32 $0xFFFFFFFF  }
0xa5: {  	s4 =	sld [smem:$0x0]  }
0xa6: {  	s5 =	sand.u32 $0xFFFFFFFE, s1  }
0xa7: {  	p0 =	sne.s32 s1, s5  }
0xa8: {  	s5 =	sshll.u32 @p0 s5, $0xE  }
0xa9: {  	s5 =	sadd.s32 @p0 $0x11B8D, s5;
	s6 =	sshll.u32 @p0 s4, $0x11  }
0xaa: {  	s5 =	sor.u32 @p0 s6, s5  }
0xab: {  	[sflag:s5] =	ssyncadd.remote.s32 @p0 $0x1;
	_ =	sdelay $0x1  }
0xac: {  	s5 =	simm.s32 @p0 $0x1B8D  }
0xad: {  	_ =	swait.eq @p0 [sflag:s5], $0x1  }
0xae: {  	[sflag:s5] =	ssyncadd.s32 @p0 $0xFFFFFFFF  }
0xaf: {  	s6 =	sshll.u32 @!p0 s1, $0xE  }
0xb0: {  	s6 =	sor.u32 @!p0 $0x4000, s6;
	s5 =	simm.s32 @!p0 $0x1B8D  }
0xb1: {  	s4 =	sshll.u32 @!p0 s4, $0x11;
	s6 =	sadd.s32 @!p0 $0x11B8D, s6;
	_ =	swait.eq @!p0 [sflag:s5], $0x1  }
0xb2: {  	s4 =	sor.u32 @!p0 s4, s6;
	[sflag:s5] =	ssyncadd.s32 @!p0 $0xFFFFFFFF  }
0xb3: {  	s25 =	simm.s32 $0x1B8E;
	s24 =	sld [smem:$0x3FFE];
	[sflag:s4] =	ssyncadd.remote.s32 @!p0 $0x1  }
0xb4: {  	s26 =	simm.s32 $execute0_lowered;
	[smem:$0x3FD2] =	sst s25  }
0xb5: {  	s5 =	sshll.u32 s26, $0x1;
	_ =	strace $0x80000058;
	[dreg:$0x1] =	wrdreg $0xFFFFFFFF  }
0xb6: {  	s28 =	simm.s32 $_size_execute0_lowered;
	s3 =	sadd.s32 s3, s5;
	[dreg:$0x0] =	wrdreg $0x0  }
0xb7: {  	s5 =	sshll.u32 s28, $0x1;
	[dreg:$0x2] =	wrdreg s3  }
0xb8: {  	[dreg:$0x3] =	wrdreg s5  }
0xb9: {  	[dreg:$0x4] =	wrdreg $0xC0  }
0xba: {  	_ =	task [dreg:s22], $0x5FFFF  }
0xbb: {  	[dreg:$0x1] =	wrdreg $0xFFFFFFFF  }
0xbc: {  	[dreg:$0x0] =	wrdreg $0x60  }
0xbd: {  	[dreg:$0x2] =	wrdreg s24  }
0xbe: {  	[dreg:$0x3] =	wrdreg $0xF  }
0xbf: {  	_ =	task.clear_ibuf [dreg:s22], $0x4FFFF;
	_ =	strace $0x90000058  }
0xc0: {  	s29 =	simm.s32 $0xF;
	_ =	strace $0x8000005A  }
0xc1: {  	_ =	swait.ge [sflag:s29], $0x1  }
0xc2: {  	[sflag:s29] =	ssyncadd.s32 $0xFFFFFFFF  }
0xc3: {  	_ =	strace $0x9000005A  }
0xc4: {  	_ =	sfence  }
0xc5: {  	s30 =	sld [smem:$0x0];
	_ =	sdelay $0x2  }
0xc6: {  	s31 =	sshll.u32 s1, $0xD;
	s1 =	sshrl.u32 s1, $0x2  }
0xc7: {  	s4 =	sand.u32 $0x4000, s31;
	s1 =	sadd.s32 s1, s30  }
0xc8: {  	s0 =	sor.u32 s4, s0;
	s1 =	sshll.u32 s1, $0x11  }
0xc9: {  	s0 =	sor.u32 s1, s0  }
0xca: {  	s0 =	sadd.s32 $0x8F2B, s0  }
0xcb: {  	[sflag:s0] =	ssyncadd.remote.s32 $0x1  }
0xcc: {  	_ =	sfence.sel $0xFFFF  }
0xcd: {  	[dreg:$0x0] =	wrdreg $0xFFFFFFFF;
	(pc) =	sbr.abs _section_cstart, $3  }
0xce: {  	[dreg:$0x1] =	wrdreg $0xFFFFFFFF  }
0xcf: {  	_ =	task.clear_ibuf [dreg:s22], $0x2FFFF;
	_ =	strace $0x9FFFFFFF  }
0xd0: {  	(tm) =	ssettm $0x7FFFFFFF  }
0xd1: {  	_ =	shalt  }
tec
execute0_lowered:
.L_overlay_start_1:
0x0: {  	(tag) =	ssettag $0x1  }
0x1: {  	s1 =	srdreg.scid;
	s0 =	stileid.u32  }
0x2: {  	s14 =	sand.u32 $0x1, s1;
	s28 =	sshll.u32 s0, $0x1  }
0x3: {  	s8 =	sor.u32 s14, s28  }
0x4: {  	s9 =	rddreg [dreg:$0x0];
	s13 =	smul.u32 $0xC80, s8  }
0x5: {  	s2 =	simm.s32 $0x0;
	s1 =	rddreg [dreg:$0x1]  }
0x6: {  	[smem:$0x7FF] =	sst s2;
	s15 =	sadd.s32 $0xD5800, s9;
	s3 =	sshrl.u32 s13, $0x3  }
0x7: {  	_ =	strace $0x80000059;
	s4 =	sadd.s32 s15, s3;
	s3 =	simm.s32 $0x2  }
0x8: {  	[tilespmem:s2], [sflag:$0x2] =	stream.linear.gather [hbm4b:s4+s2], $0x320, $0x38;
	[tilespmem:$0xCB20] =	vst v63  }
0x9: {  	_ =	swait.ge [sflag:s3], $0x320  }
0xa: {  	s6 =	simm.s32 $0x320;
	[sflag:s3] =	ssyncset.done $0x0  }
0xb: {  	s7 =	simm.s32 $0x1;
	s5 =	sadd.s32 $0xF46600, s9;
	[sflag:s3] =	ssyncadd.s32 $0xFFFFFCE0  }
0xc: {  	[tilespmem:s6], [sflag:$0x1] =	stream.indirect.gather [hbm4b:s5+s6], $0x40, s2, s6, $0xb8;
	[tilespmem:$0xCB20] =	vst v63  }
0xd: {  	s8 =	smul.u32 $0x6400, s8;
	_ =	swait.ge [sflag:s7], $0xC800  }
0xe: {  	s16 =	sadd.s32 $0x4C3C00, s9;
	[sflag:s7] =	ssyncset.done $0x0  }
0xf: {  	s8 =	sadd.s32 s16, s8;
	[sflag:s7] =	ssyncadd.s32 $0xFFFF3800  }
0x10: {  	[hbm4b:s8+s2] =	stream.linear.scatter [tilespmem:s6], [sflag:$0x2], $0xC800, $0x38;
	[tilespmem:$0xCB20] =	vst v63  }
0x11: {  	s10 =	sadd.s32 $0x320, s13;
	_ =	swait.ge [sflag:s3], $0xC800  }
0x12: {  	s29 =	sshrl.u32 s10, $0x3;
	[sflag:s3] =	ssyncset.done $0x0  }
0x13: {  	s9 =	sadd.s32 s15, s29;
	[sflag:s3] =	ssyncadd.s32 $0xFFFF3800  }
0x14: {  	[tilespmem:s2], [sflag:$0x2] =	stream.linear.gather [hbm4b:s9+s2], $0x320, $0x38;
	[tilespmem:$0xCB20] =	vst v63  }
0x15: {  	_ =	swait.ge [sflag:s3], $0x320  }
0x16: {  	[sflag:s3] =	ssyncset.done $0x0  }
0x17: {  	[sflag:s3] =	ssyncadd.s32 $0xFFFFFCE0  }
0x18: {  	[tilespmem:s6], [sflag:$0x1] =	stream.indirect.gather [hbm4b:s5+s6], $0x40, s2, s6, $0xb8;
	[tilespmem:$0xCB20] =	vst v63  }
0x19: {  	_ =	swait.ge [sflag:s7], $0xC800  }
0x1a: {  	s10 =	sshll.u32 s10, $0x3;
	[sflag:s7] =	ssyncset.done $0x0  }
0x1b: {  	s10 =	sadd.s32 s16, s10;
	[sflag:s7] =	ssyncadd.s32 $0xFFFF3800  }
0x1c: {  	[hbm4b:s10+s2] =	stream.linear.scatter [tilespmem:s6], [sflag:$0x2], $0xC800, $0x38;
	[tilespmem:$0xCB20] =	vst v63  }
0x1d: {  	s12 =	sadd.s32 $0x640, s13;
	_ =	swait.ge [sflag:s3], $0xC800  }
0x1e: {  	s11 =	sshrl.u32 s12, $0x3;
	[sflag:s3] =	ssyncset.done $0x0  }
0x1f: {  	s11 =	sadd.s32 s15, s11;
	[sflag:s3] =	ssyncadd.s32 $0xFFFF3800  }
0x20: {  	[tilespmem:s2], [sflag:$0x2] =	stream.linear.gather [hbm4b:s11+s2], $0x320, $0x38;
	[tilespmem:$0xCB20] =	vst v63  }
0x21: {  	_ =	swait.ge [sflag:s3], $0x320  }
0x22: {  	[sflag:s3] =	ssyncset.done $0x0  }
0x23: {  	[sflag:s3] =	ssyncadd.s32 $0xFFFFFCE0  }
0x24: {  	[tilespmem:s6], [sflag:$0x1] =	stream.indirect.gather [hbm4b:s5+s6], $0x40, s2, s6, $0xb8;
	[tilespmem:$0xCB20] =	vst v63  }
0x25: {  	_ =	swait.ge [sflag:s7], $0xC800  }
0x26: {  	s12 =	sshll.u32 s12, $0x3;
	[sflag:s7] =	ssyncset.done $0x0  }
0x27: {  	s12 =	sadd.s32 s16, s12;
	[sflag:s7] =	ssyncadd.s32 $0xFFFF3800  }
0x28: {  	[hbm4b:s12+s2] =	stream.linear.scatter [tilespmem:s6], [sflag:$0x2], $0xC800, $0x38;
	[tilespmem:$0xCB20] =	vst v63  }
0x29: {  	s17 =	sadd.s32 $0x960, s13;
	_ =	swait.ge [sflag:s3], $0xC800  }
0x2a: {  	s13 =	sshrl.u32 s17, $0x3;
	[sflag:s3] =	ssyncset.done $0x0  }
0x2b: {  	s14 =	ssub.s32 $0x2, s14;
	s13 =	sadd.s32 s15, s13;
	[sflag:s3] =	ssyncadd.s32 $0xFFFF3800  }
0x2c: {  	[tilespmem:s2], [sflag:$0x2] =	stream.linear.gather [hbm4b:s13+s2], $0x320, $0x38;
	[tilespmem:$0xCB20] =	vst v63  }
0x2d: {  	s30 =	sshrl.u32 s14, $0x1;
	_ =	swait.ge [sflag:s3], $0x320  }
0x2e: {  	s15 =	ssub.s32 s14, s30;
	[sflag:s3] =	ssyncset.done $0x0  }
0x2f: {  	s15 =	smax.u32 s15, $0x1;
	[sflag:s3] =	ssyncadd.s32 $0xFFFFFCE0  }
0x30: {  	[tilespmem:s6], [sflag:$0x1] =	stream.indirect.gather [hbm4b:s5+s6], $0x40, s2, s6, $0xb8;
	[tilespmem:$0xCB20] =	vst v63  }
0x31: {  	p0 =	sne.s32 s15, $0x1;
	_ =	swait.ge [sflag:s7], $0xC800  }
.Ltmp0:
0x32: {  	s31 =	sshll.u32 s17, $0x3;
	[sflag:s7] =	ssyncset.done $0x0;
	(pc) =	sbr.rel @!p0 .LBB2_2-.Ltmp0, $4  }
0x33: {  	s14 =	sadd.s32 s16, s31;
	[sflag:s7] =	ssyncadd.s32 $0xFFFF3800  }
0x34: {  	[hbm4b:s14+s2] =	stream.linear.scatter [tilespmem:s6], [sflag:$0x2], $0xC800, $0x38;
	[tilespmem:$0xCB20] =	vst v63  }
0x35: {  	_ =	swait.ge [sflag:s3], $0xC800  }
0x36: {  	s15 =	sadd.s32 $0xFFFFFFFF, s15;
	[sflag:s3] =	ssyncset.done $0x0  }
.LBB2_1:
0x37: {  	p0 =	sne.s32 s15, $0x1;
	s15 =	sadd.s32 $0xFFFFFFFF, s15;
	[sflag:s3] =	ssyncadd.s32 $0xFFFF3800  }
0x38: {  	[tilespmem:s2], [sflag:$0x2] =	stream.linear.gather [hbm4b:s4+s2], $0x320, $0x38;
	[tilespmem:$0xCB20] =	vst v63  }
0x39: {  	_ =	swait.ge [sflag:s3], $0x320  }
0x3a: {  	[sflag:s3] =	ssyncset.done $0x0  }
0x3b: {  	[sflag:s3] =	ssyncadd.s32 $0xFFFFFCE0  }
0x3c: {  	[tilespmem:s6], [sflag:$0x1] =	stream.indirect.gather [hbm4b:s5+s6], $0x40, s2, s6, $0xb8;
	[tilespmem:$0xCB20] =	vst v63  }
0x3d: {  	_ =	swait.ge [sflag:s7], $0xC800  }
0x3e: {  	[sflag:s7] =	ssyncset.done $0x0  }
0x3f: {  	[sflag:s7] =	ssyncadd.s32 $0xFFFF3800  }
0x40: {  	[hbm4b:s8+s2] =	stream.linear.scatter [tilespmem:s6], [sflag:$0x2], $0xC800, $0x38;
	[tilespmem:$0xCB20] =	vst v63  }
0x41: {  	_ =	swait.ge [sflag:s3], $0xC800  }
0x42: {  	[sflag:s3] =	ssyncset.done $0x0  }
0x43: {  	[sflag:s3] =	ssyncadd.s32 $0xFFFF3800  }
0x44: {  	[tilespmem:s2], [sflag:$0x2] =	stream.linear.gather [hbm4b:s9+s2], $0x320, $0x38;
	[tilespmem:$0xCB20] =	vst v63  }
0x45: {  	_ =	swait.ge [sflag:s3], $0x320  }
0x46: {  	[sflag:s3] =	ssyncset.done $0x0  }
0x47: {  	[sflag:s3] =	ssyncadd.s32 $0xFFFFFCE0  }
0x48: {  	[tilespmem:s6], [sflag:$0x1] =	stream.indirect.gather [hbm4b:s5+s6], $0x40, s2, s6, $0xb8;
	[tilespmem:$0xCB20] =	vst v63  }
0x49: {  	_ =	swait.ge [sflag:s7], $0xC800  }
0x4a: {  	[sflag:s7] =	ssyncset.done $0x0  }
0x4b: {  	[sflag:s7] =	ssyncadd.s32 $0xFFFF3800  }
0x4c: {  	[hbm4b:s10+s2] =	stream.linear.scatter [tilespmem:s6], [sflag:$0x2], $0xC800, $0x38;
	[tilespmem:$0xCB20] =	vst v63  }
0x4d: {  	_ =	swait.ge [sflag:s3], $0xC800  }
0x4e: {  	[sflag:s3] =	ssyncset.done $0x0  }
0x4f: {  	[sflag:s3] =	ssyncadd.s32 $0xFFFF3800  }
0x50: {  	[tilespmem:s2], [sflag:$0x2] =	stream.linear.gather [hbm4b:s11+s2], $0x320, $0x38;
	[tilespmem:$0xCB20] =	vst v63  }
0x51: {  	_ =	swait.ge [sflag:s3], $0x320  }
0x52: {  	[sflag:s3] =	ssyncset.done $0x0  }
0x53: {  	[sflag:s3] =	ssyncadd.s32 $0xFFFFFCE0  }
0x54: {  	[tilespmem:s6], [sflag:$0x1] =	stream.indirect.gather [hbm4b:s5+s6], $0x40, s2, s6, $0xb8;
	[tilespmem:$0xCB20] =	vst v63  }
0x55: {  	_ =	swait.ge [sflag:s7], $0xC800  }
0x56: {  	[sflag:s7] =	ssyncset.done $0x0  }
0x57: {  	[sflag:s7] =	ssyncadd.s32 $0xFFFF3800  }
0x58: {  	[hbm4b:s12+s2] =	stream.linear.scatter [tilespmem:s6], [sflag:$0x2], $0xC800, $0x38;
	[tilespmem:$0xCB20] =	vst v63  }
0x59: {  	_ =	swait.ge [sflag:s3], $0xC800  }
0x5a: {  	[sflag:s3] =	ssyncset.done $0x0  }
0x5b: {  	[sflag:s3] =	ssyncadd.s32 $0xFFFF3800  }
0x5c: {  	[tilespmem:s2], [sflag:$0x2] =	stream.linear.gather [hbm4b:s13+s2], $0x320, $0x38;
	[tilespmem:$0xCB20] =	vst v63  }
0x5d: {  	_ =	swait.ge [sflag:s3], $0x320  }
0x5e: {  	[sflag:s3] =	ssyncset.done $0x0  }
0x5f: {  	[sflag:s3] =	ssyncadd.s32 $0xFFFFFCE0  }
0x60: {  	[tilespmem:s6], [sflag:$0x1] =	stream.indirect.gather [hbm4b:s5+s6], $0x40, s2, s6, $0xb8;
	[tilespmem:$0xCB20] =	vst v63  }
0x61: {  	_ =	swait.ge [sflag:s7], $0xC800  }
.Ltmp1:
0x62: {  	[sflag:s7] =	ssyncset.done $0x0;
	(pc) =	sbr.rel @p0 .LBB2_1-.Ltmp1, $4  }
0x63: {  	[sflag:s7] =	ssyncadd.s32 $0xFFFF3800  }
0x64: {  	[hbm4b:s14+s2] =	stream.linear.scatter [tilespmem:s6], [sflag:$0x2], $0xC800, $0x38;
	[tilespmem:$0xCB20] =	vst v63  }
0x65: {  	_ =	swait.ge [sflag:s3], $0xC800  }
0x66: {  	[sflag:s3] =	ssyncset.done $0x0  }
.LBB2_2:
0x67: {  	[sflag:s3] =	ssyncadd.s32 $0xFFFF3800  }
0x68: {  	_ =	sfence.sel $0x180000  }
0x69: {  	[bflag:$0x0] =	sbarrier.arrive $0xFFFF  }
0x6a: {  	p0 =	sne.s32 s0, $0x0;
	_ =	strace $0x90000059  }
0x6b: {  	s0 =	sadd.s32 @!p0 $0x100000, s1;
	[bflag:$0x2] =	sbarrier.arrive $0xFFFF  }
0x6c: {  	[sflag:s0] =	ssyncadd.tile.s32 @!p0 $0x1;
	_ =	shalt  }
.Lfunc_end2:
_tile_overlayer_lowered:
.L_overlay_start_2:
0x6d: {  	(tag) =	ssettag $0x2  }
0x6e: {  	s0 =	rddreg [dreg:$0x0];
	s2 =	stileid.u32  }
0x6f: {  	s1 =	rddreg [dreg:$0x1];
	p0 =	sne.s32 s2, $0x0  }
0x70: {  	s3 =	rddreg [dreg:$0x2];
	[bflag:$0x3] =	sbarrier.arrive $0xFFFF;
	s2 =	simm.s32 @!p0 $0x1C02  }
0x71: {  	[timem:s3], [sflag:s2] =	dma.local @!p0 [hbm:s0], s1  }
0x72: {  	s0 =	simm.s32 @!p0 $0x2  }
0x73: {  	_ =	swait.ge @!p0 [sflag:s0], s1  }
0x74: {  	s1 =	ssub.s32 @!p0 $0x0, s1;
	[sflag:s0] =	ssyncset.done @!p0 $0x0  }
0x75: {  	[sflag:s0] =	ssyncadd.s32 @!p0 s1  }
0x76: {  	[bflag:$0x3] =	sbarrier.arrive $0xFFFF  }
0x77: {  	_ =	shalt  }

// kernel: kernel.39.cloned.1.call-start
scs
__scs_entry_jumppad:
0x0: {  	(pc) =	sbr.rel $0x88, $3  }
0x1: {  	(tag) =	ssettag $0x0;
	lr =	simm.s32 $0x1  }
0x2: {  	[smem:$0x3F9C] =	sst lr;
	_ =	strace $0xD0000000  }
0x3: {  	_ = 	snop  }
0x4: {  	_ = 	snop  }
0x5: {  	_ = 	snop  }
0x6: {  	_ = 	snop  }
0x7: {  	_ = 	snop  }
__scs_overlays_trampoline_lowered:
0x8: {  	[smem:$0x3FAB] =	sst s0  }
0x9: {  	[smem:$0x3FAC] =	sst s1  }
0xa: {  	[smem:$0x3FAD] =	sst s2  }
0xb: {  	[smem:$0x3FAE] =	sst s3  }
0xc: {  	[smem:$0x3FAF] =	sst s4  }
0xd: {  	[smem:$0x3FB0] =	sst s5  }
0xe: {  	[smem:$0x3FB1] =	sst s6  }
0xf: {  	[smem:$0x3FB2] =	sst s7  }
0x10: {  	[smem:$0x3FB3] =	sst s8  }
0x11: {  	[smem:$0x3FB4] =	sst s9;
	s0 =	simm.s32 @!p0 $0x0  }
0x12: {  	s1 =	sld [smem:$0x3F9A];
	s0 =	simm.s32 @p0 $0x1  }
0x13: {  	[smem:$0x3FB5] =	sst s0;
	s0 =	simm.s32 @!p1 $0x0  }
0x14: {  	s2 =	sld [smem:$0x3F99];
	s0 =	simm.s32 @p1 $0x1  }
0x15: {  	[smem:$0x3FB6] =	sst s0;
	s0 =	simm.s32 @!p2 $0x0  }
0x16: {  	s3 =	sld [smem:$0x3FDB];
	s0 =	simm.s32 @p2 $0x1  }
0x17: {  	s4 =	simm.s32 $0x1BF5;
	[smem:$0x3FB8] =	sst s0  }
0x18: {  	s0 =	sld [smem:$0x3F9B];
	_ =	swait.ge [sflag:s4], $0x0  }
0x19: {  	s7 =	sld [smem:$0x3F9C]  }
0x1a: {  	s8 =	sadd.s32 $0xFFFFE003, lr  }
0x1b: {  	s9 =	sadd.s32 $0xFFFFFEF7, lr;
	s5 =	simm.s32 $0xFFFFFFFF;
	p2 =	slt.u32 s8, $0xFFFFF086  }
0x1c: {  	p1 =	slt.u32 s9, $0xF7A;
	s5 =	simm.s32 @!p2 $0x0  }
0x1d: {  	s5 =	simm.s32 @p1 $0x1;
	p0 =	seq.s32 s7, s2  }
0x1e: {  	s7 =	smul.u32 @!p0 $0xF7A, s2;
	p2 =	seq.s32 @!p0 s5, $0x0  }
0x1f: {  	s9 =	smul.u32 $0xF7A, s1;
	s8 =	simm.s32 @!p0 $0x1BF5;
	p2 =	por !p2, p0  }
0x20: {  	[sflag:s8] =	ssyncset.s32 @!p0 $0xFFFFF086;
	s6 =	sadd.s32 @!p0 s3, s7;
	s7 =	simm.s32 @!p0 $0x108  }
0x21: {  	s3 =	sadd.s32 s3, s9;
	s6 =	sadd.s32 @!p0 $0x88, s6;
	s7 =	simm.s32 @p2 $0x1082  }
0x22: {  	[simem:s7], [sflag:s8] =	dma.local @!p0 [hbm:s6], $0xF7A  }
0x23: {  	s9 =	sor.u32 $0xD0000000, s2;
	s6 =	simm.s32 $0x108;
	_ =	swait.ge @!p0 [sflag:s8], $0x0  }
0x24: {  	s3 =	sadd.s32 $0x88, s3;
	s6 =	simm.s32 @!p1 $0x1082;
	[sflag:s4] =	ssyncset.s32 $0xFFFFF086  }
0x25: {  	[simem:s6], [sflag:s4] =	dma.local [hbm:s3], $0xF7A  }
0x26: {  	[smem:$0x3F9C] =	sst s1;
	(tag) =	ssettag s2;
	_ =	strace s9  }
0x27: {  	s1 =	sld [smem:$0x3FAC]  }
0x28: {  	s2 =	sld [smem:$0x3FAD]  }
0x29: {  	s4 =	sld [smem:$0x3FAF]  }
0x2a: {  	p0 =	seq.s32 s5, $0x0;
	s5 =	sld [smem:$0x3FB0]  }
0x2b: {  	s6 =	sld [smem:$0x3FB1]  }
0x2c: {  	s7 =	sld [smem:$0x3FB2]  }
0x2d: {  	s3 =	simm.s32 $0x108;
	s8 =	sld [smem:$0x3FB3]  }
0x2e: {  	s3 =	simm.s32 @!p0 $0x1082;
	s9 =	sld [smem:$0x3FB4]  }
0x2f: {  	lr =	sadd.s32 s0, s3;
	s0 =	sld [smem:$0x3FAB]  }
0x30: {  	s3 =	sld [smem:$0x3FAE]  }
0x31: {  	[smem:$0x3FB7] =	sst s10  }
0x32: {  	s10 =	sld [smem:$0x3FB5];
	_ =	sdelay $0x3  }
0x33: {  	p0 =	seq.s32 s10, $0x1;
	s10 =	sld [smem:$0x3FB7];
	_ =	sdelay $0x3  }
0x34: {  	[smem:$0x3FB7] =	sst s10  }
0x35: {  	s10 =	sld [smem:$0x3FB6];
	_ =	sdelay $0x3  }
0x36: {  	p1 =	seq.s32 s10, $0x1;
	s10 =	sld [smem:$0x3FB7];
	_ =	sdelay $0x3  }
0x37: {  	[smem:$0x3FB7] =	sst s10  }
0x38: {  	s10 =	sld [smem:$0x3FB8]  }
0x39: {  	_ = 	snop;
	(pc) =	sbr.ind lr, $3  }
0x3a: {  	_ = 	snop  }
0x3b: {  	_ = 	snop  }
0x3c: {  	p2 =	seq.s32 s10, $0x1;
	s10 =	sld [smem:$0x3FB7]  }
0x3d: {  	_ =	shalt  }
0x3e: {  	_ =	shalt  }
0x3f: {  	_ =	shalt  }
0x40: {  	_ =	shalt  }
0x41: {  	_ =	shalt  }
0x42: {  	_ =	shalt  }
0x43: {  	_ =	shalt  }
0x44: {  	_ =	shalt  }
0x45: {  	_ =	shalt  }
0x46: {  	_ =	shalt  }
0x47: {  	_ =	shalt  }
0x48: {  	_ =	shalt  }
0x49: {  	_ =	shalt  }
0x4a: {  	_ =	shalt  }
0x4b: {  	_ =	shalt  }
0x4c: {  	_ =	shalt  }
0x4d: {  	_ =	shalt  }
0x4e: {  	_ =	shalt  }
0x4f: {  	_ =	shalt  }
0x50: {  	_ =	shalt  }
0x51: {  	_ =	shalt  }
0x52: {  	_ =	shalt  }
0x53: {  	_ =	shalt  }
0x54: {  	_ =	shalt  }
0x55: {  	_ =	shalt  }
0x56: {  	_ =	shalt  }
0x57: {  	_ =	shalt  }
0x58: {  	_ =	shalt  }
0x59: {  	_ =	shalt  }
0x5a: {  	_ =	shalt  }
0x5b: {  	_ =	shalt  }
0x5c: {  	_ =	shalt  }
0x5d: {  	_ =	shalt  }
0x5e: {  	_ =	shalt  }
0x5f: {  	_ =	shalt  }
0x60: {  	_ =	shalt  }
0x61: {  	_ =	shalt  }
0x62: {  	_ =	shalt  }
0x63: {  	_ =	shalt  }
0x64: {  	_ =	shalt  }
0x65: {  	_ =	shalt  }
0x66: {  	_ =	shalt  }
0x67: {  	_ =	shalt  }
0x68: {  	_ =	shalt  }
0x69: {  	_ =	shalt  }
0x6a: {  	_ =	shalt  }
0x6b: {  	_ =	shalt  }
0x6c: {  	_ =	shalt  }
0x6d: {  	_ =	shalt  }
0x6e: {  	_ =	shalt  }
0x6f: {  	_ =	shalt  }
0x70: {  	_ =	shalt  }
0x71: {  	_ =	shalt  }
0x72: {  	_ =	shalt  }
0x73: {  	_ =	shalt  }
0x74: {  	_ =	shalt  }
0x75: {  	_ =	shalt  }
0x76: {  	_ =	shalt  }
0x77: {  	_ =	shalt  }
0x78: {  	_ =	shalt  }
0x79: {  	_ =	shalt  }
0x7a: {  	_ =	shalt  }
0x7b: {  	_ =	shalt  }
0x7c: {  	_ =	shalt  }
0x7d: {  	_ =	shalt  }
0x7e: {  	_ =	shalt  }
0x7f: {  	_ =	shalt  }
0x80: {  	_ =	shalt  }
0x81: {  	_ =	shalt  }
0x82: {  	_ =	shalt  }
0x83: {  	_ =	shalt  }
0x84: {  	_ =	shalt  }
0x85: {  	_ =	shalt  }
0x86: {  	_ =	shalt  }
0x87: {  	_ =	shalt  }
.Lfunc_end0:
.L_simem_size_0:
called_computation.7_lowered:
.L_overlay_start_0:
0x88: {  	s2 =	sld [smem:$0x3FD9]  }
0x89: {  	s3 =	sld [smem:$0x3FFE];
	_ =	sdelay $0x1  }
0x8a: {  	s1 =	srdreg.scid  }
0x8b: {  	s0 =	sand.u32 $0x1, s1  }
0x8c: {  	s17 =	sshll.u32 s0, $0xA;
	s2 =	sadd.s32 s3, s2  }
0x8d: {  	s2 =	sadd.s32 s2, s17  }
0x8e: {  	[smem:$0x3FC3] =	sst s2  }
0x8f: {  	_ = 	snop  }
0x90: {  	(tm) =	ssettm $0x1  }
0x91: {  	s18 =	sld [smem:$0x3FFB];
	_ =	sdelay $0x3  }
0x92: {  	_ =	strace s18  }
0x93: {  	s2 =	sld [smem:$0x3FFC];
	_ =	sdelay $0x3  }
0x94: {  	_ =	strace s2  }
0x95: {  	s2 =	sld [smem:$0x3FFD];
	_ =	sdelay $0x3  }
0x96: {  	_ =	strace s2  }
0x97: {  	_ =	strace $0x8FFFFFFF  }
0x98: {  	s19 =	sld [smem:$0x3FDB];
	_ =	sdelay $0x1  }
0x99: {  	s20 =	simm.s32 $_scs_section_size  }
0x9a: {  	s4 =	simm.s32 $_size__tile_overlayer_lowered;
	s5 =	simm.s32 $_tile_overlayer_lowered  }
0x9b: {  	s6 =	simm.s32 $0x1BFF;
	s21 =	sshll.u32 s5, $0x1;
	s3 =	sadd.s32 s20, s19  }
0x9c: {  	s22 =	simm.s32 $0x0;
	s4 =	sshll.u32 s4, $0x1;
	s5 =	sadd.s32 s21, s3  }
0x9d: {  	[timem:s22], [sflag:s6] =	dma.local [hbm:s5], s4  }
0x9e: {  	_ =	swait.ge [sflag:s6], s4  }
0x9f: {  	s4 =	ssub.s32 $0x0, s4;
	[sflag:s6] =	ssyncset.done $0x0  }
0xa0: {  	[sflag:s6] =	ssyncadd.s32 s4;
	_ =	sdelay $0x1  }
0xa1: {  	s23 =	simm.s32 $0x1B8B  }
0xa2: {  	_ =	swait.ge [sflag:s23], $0x1  }
0xa3: {  	[sflag:s23] =	ssyncset.done $0x0  }
0xa4: {  	[sflag:s23] =	ssyncadd.s32 $0xFFFFFFFF  }
0xa5: {  	s4 =	sld [smem:$0x0]  }
0xa6: {  	s5 =	sand.u32 $0xFFFFFFFE, s1  }
0xa7: {  	p0 =	sne.s32 s1, s5  }
0xa8: {  	s5 =	sshll.u32 @p0 s5, $0xE  }
0xa9: {  	s5 =	sadd.s32 @p0 $0x11B8D, s5;
	s6 =	sshll.u32 @p0 s4, $0x11  }
0xaa: {  	s5 =	sor.u32 @p0 s6, s5  }
0xab: {  	[sflag:s5] =	ssyncadd.remote.s32 @p0 $0x1;
	_ =	sdelay $0x1  }
0xac: {  	s5 =	simm.s32 @p0 $0x1B8D  }
0xad: {  	_ =	swait.eq @p0 [sflag:s5], $0x1  }
0xae: {  	[sflag:s5] =	ssyncadd.s32 @p0 $0xFFFFFFFF  }
0xaf: {  	s6 =	sshll.u32 @!p0 s1, $0xE  }
0xb0: {  	s6 =	sor.u32 @!p0 $0x4000, s6;
	s5 =	simm.s32 @!p0 $0x1B8D  }
0xb1: {  	s4 =	sshll.u32 @!p0 s4, $0x11;
	s6 =	sadd.s32 @!p0 $0x11B8D, s6;
	_ =	swait.eq @!p0 [sflag:s5], $0x1  }
0xb2: {  	s4 =	sor.u32 @!p0 s4, s6;
	[sflag:s5] =	ssyncadd.s32 @!p0 $0xFFFFFFFF  }
0xb3: {  	s25 =	simm.s32 $0x1B8E;
	s24 =	sld [smem:$0x3FFE];
	[sflag:s4] =	ssyncadd.remote.s32 @!p0 $0x1  }
0xb4: {  	s26 =	simm.s32 $execute0_lowered;
	[smem:$0x3FD2] =	sst s25  }
0xb5: {  	s5 =	sshll.u32 s26, $0x1;
	_ =	strace $0x8000005B;
	[dreg:$0x1] =	wrdreg $0xFFFFFFFF  }
0xb6: {  	s28 =	simm.s32 $_size_execute0_lowered;
	s3 =	sadd.s32 s3, s5;
	[dreg:$0x0] =	wrdreg $0x0  }
0xb7: {  	s5 =	sshll.u32 s28, $0x1;
	[dreg:$0x2] =	wrdreg s3  }
0xb8: {  	[dreg:$0x3] =	wrdreg s5  }
0xb9: {  	[dreg:$0x4] =	wrdreg $0xC0  }
0xba: {  	_ =	task [dreg:s22], $0x5FFFF  }
0xbb: {  	[dreg:$0x1] =	wrdreg $0xFFFFFFFF  }
0xbc: {  	[dreg:$0x0] =	wrdreg $0x60  }
0xbd: {  	[dreg:$0x2] =	wrdreg s24  }
0xbe: {  	[dreg:$0x3] =	wrdreg $0x10  }
0xbf: {  	_ =	task.clear_ibuf [dreg:s22], $0x4FFFF;
	_ =	strace $0x9000005B  }
0xc0: {  	s29 =	simm.s32 $0x10;
	_ =	strace $0x8000005D  }
0xc1: {  	_ =	swait.ge [sflag:s29], $0x1  }
0xc2: {  	[sflag:s29] =	ssyncadd.s32 $0xFFFFFFFF  }
0xc3: {  	_ =	strace $0x9000005D  }
0xc4: {  	_ =	sfence  }
0xc5: {  	s30 =	sld [smem:$0x0];
	_ =	sdelay $0x2  }
0xc6: {  	s31 =	sshll.u32 s1, $0xD;
	s1 =	sshrl.u32 s1, $0x2  }
0xc7: {  	s4 =	sand.u32 $0x4000, s31;
	s1 =	sadd.s32 s1, s30  }
0xc8: {  	s0 =	sor.u32 s4, s0;
	s1 =	sshll.u32 s1, $0x11  }
0xc9: {  	s0 =	sor.u32 s1, s0  }
0xca: {  	s0 =	sadd.s32 $0x8F2B, s0  }
0xcb: {  	[sflag:s0] =	ssyncadd.remote.s32 $0x1  }
0xcc: {  	_ =	sfence.sel $0xFFFF  }
0xcd: {  	[dreg:$0x0] =	wrdreg $0xFFFFFFFF;
	(pc) =	sbr.abs _section_cstart, $3  }
0xce: {  	[dreg:$0x1] =	wrdreg $0xFFFFFFFF  }
0xcf: {  	_ =	task.clear_ibuf [dreg:s22], $0x2FFFF;
	_ =	strace $0x9FFFFFFF  }
0xd0: {  	(tm) =	ssettm $0x7FFFFFFF  }
0xd1: {  	_ =	shalt  }
tec
execute0_lowered:
.L_overlay_start_1:
0x0: {  	(tag) =	ssettag $0x1  }
0x1: {  	s1 =	srdreg.scid;
	s0 =	stileid.u32  }
0x2: {  	s14 =	sand.u32 $0x1, s1;
	s28 =	sshll.u32 s0, $0x1  }
0x3: {  	s8 =	sor.u32 s14, s28  }
0x4: {  	s9 =	rddreg [dreg:$0x0];
	s13 =	smul.u32 $0xC80, s8  }
0x5: {  	s2 =	simm.s32 $0x0;
	s1 =	rddreg [dreg:$0x1]  }
0x6: {  	[smem:$0x7FF] =	sst s2;
	s15 =	sadd.s32 $0xD8A00, s9;
	s3 =	sshrl.u32 s13, $0x3  }
0x7: {  	_ =	strace $0x8000005C;
	s4 =	sadd.s32 s15, s3;
	s3 =	simm.s32 $0x2  }
0x8: {  	[tilespmem:s2], [sflag:$0x2] =	stream.linear.gather [hbm4b:s4+s2], $0x320, $0x38;
	[tilespmem:$0xCB20] =	vst v63  }
0x9: {  	_ =	swait.ge [sflag:s3], $0x320  }
0xa: {  	s6 =	simm.s32 $0x320;
	[sflag:s3] =	ssyncset.done $0x0  }
0xb: {  	s7 =	simm.s32 $0x1;
	s5 =	sadd.s32 $0xF46600, s9;
	[sflag:s3] =	ssyncadd.s32 $0xFFFFFCE0  }
0xc: {  	[tilespmem:s6], [sflag:$0x1] =	stream.indirect.gather [hbm4b:s5+s6], $0x40, s2, s6, $0xb8;
	[tilespmem:$0xCB20] =	vst v63  }
0xd: {  	s8 =	smul.u32 $0x6400, s8;
	_ =	swait.ge [sflag:s7], $0xC800  }
0xe: {  	s16 =	sadd.s32 $0x58BC00, s9;
	[sflag:s7] =	ssyncset.done $0x0  }
0xf: {  	s8 =	sadd.s32 s16, s8;
	[sflag:s7] =	ssyncadd.s32 $0xFFFF3800  }
0x10: {  	[hbm4b:s8+s2] =	stream.linear.scatter [tilespmem:s6], [sflag:$0x2], $0xC800, $0x38;
	[tilespmem:$0xCB20] =	vst v63  }
0x11: {  	s10 =	sadd.s32 $0x320, s13;
	_ =	swait.ge [sflag:s3], $0xC800  }
0x12: {  	s29 =	sshrl.u32 s10, $0x3;
	[sflag:s3] =	ssyncset.done $0x0  }
0x13: {  	s9 =	sadd.s32 s15, s29;
	[sflag:s3] =	ssyncadd.s32 $0xFFFF3800  }
0x14: {  	[tilespmem:s2], [sflag:$0x2] =	stream.linear.gather [hbm4b:s9+s2], $0x320, $0x38;
	[tilespmem:$0xCB20] =	vst v63  }
0x15: {  	_ =	swait.ge [sflag:s3], $0x320  }
0x16: {  	[sflag:s3] =	ssyncset.done $0x0  }
0x17: {  	[sflag:s3] =	ssyncadd.s32 $0xFFFFFCE0  }
0x18: {  	[tilespmem:s6], [sflag:$0x1] =	stream.indirect.gather [hbm4b:s5+s6], $0x40, s2, s6, $0xb8;
	[tilespmem:$0xCB20] =	vst v63  }
0x19: {  	_ =	swait.ge [sflag:s7], $0xC800  }
0x1a: {  	s10 =	sshll.u32 s10, $0x3;
	[sflag:s7] =	ssyncset.done $0x0  }
0x1b: {  	s10 =	sadd.s32 s16, s10;
	[sflag:s7] =	ssyncadd.s32 $0xFFFF3800  }
0x1c: {  	[hbm4b:s10+s2] =	stream.linear.scatter [tilespmem:s6], [sflag:$0x2], $0xC800, $0x38;
	[tilespmem:$0xCB20] =	vst v63  }
0x1d: {  	s12 =	sadd.s32 $0x640, s13;
	_ =	swait.ge [sflag:s3], $0xC800  }
0x1e: {  	s11 =	sshrl.u32 s12, $0x3;
	[sflag:s3] =	ssyncset.done $0x0  }
0x1f: {  	s11 =	sadd.s32 s15, s11;
	[sflag:s3] =	ssyncadd.s32 $0xFFFF3800  }
0x20: {  	[tilespmem:s2], [sflag:$0x2] =	stream.linear.gather [hbm4b:s11+s2], $0x320, $0x38;
	[tilespmem:$0xCB20] =	vst v63  }
0x21: {  	_ =	swait.ge [sflag:s3], $0x320  }
0x22: {  	[sflag:s3] =	ssyncset.done $0x0  }
0x23: {  	[sflag:s3] =	ssyncadd.s32 $0xFFFFFCE0  }
0x24: {  	[tilespmem:s6], [sflag:$0x1] =	stream.indirect.gather [hbm4b:s5+s6], $0x40, s2, s6, $0xb8;
	[tilespmem:$0xCB20] =	vst v63  }
0x25: {  	_ =	swait.ge [sflag:s7], $0xC800  }
0x26: {  	s12 =	sshll.u32 s12, $0x3;
	[sflag:s7] =	ssyncset.done $0x0  }
0x27: {  	s12 =	sadd.s32 s16, s12;
	[sflag:s7] =	ssyncadd.s32 $0xFFFF3800  }
0x28: {  	[hbm4b:s12+s2] =	stream.linear.scatter [tilespmem:s6], [sflag:$0x2], $0xC800, $0x38;
	[tilespmem:$0xCB20] =	vst v63  }
0x29: {  	s17 =	sadd.s32 $0x960, s13;
	_ =	swait.ge [sflag:s3], $0xC800  }
0x2a: {  	s13 =	sshrl.u32 s17, $0x3;
	[sflag:s3] =	ssyncset.done $0x0  }
0x2b: {  	s14 =	ssub.s32 $0x2, s14;
	s13 =	sadd.s32 s15, s13;
	[sflag:s3] =	ssyncadd.s32 $0xFFFF3800  }
0x2c: {  	[tilespmem:s2], [sflag:$0x2] =	stream.linear.gather [hbm4b:s13+s2], $0x320, $0x38;
	[tilespmem:$0xCB20] =	vst v63  }
0x2d: {  	s30 =	sshrl.u32 s14, $0x1;
	_ =	swait.ge [sflag:s3], $0x320  }
0x2e: {  	s15 =	ssub.s32 s14, s30;
	[sflag:s3] =	ssyncset.done $0x0  }
0x2f: {  	s15 =	smax.u32 s15, $0x1;
	[sflag:s3] =	ssyncadd.s32 $0xFFFFFCE0  }
0x30: {  	[tilespmem:s6], [sflag:$0x1] =	stream.indirect.gather [hbm4b:s5+s6], $0x40, s2, s6, $0xb8;
	[tilespmem:$0xCB20] =	vst v63  }
0x31: {  	p0 =	sne.s32 s15, $0x1;
	_ =	swait.ge [sflag:s7], $0xC800  }
.Ltmp0:
0x32: {  	s31 =	sshll.u32 s17, $0x3;
	[sflag:s7] =	ssyncset.done $0x0;
	(pc) =	sbr.rel @!p0 .LBB2_2-.Ltmp0, $4  }
0x33: {  	s14 =	sadd.s32 s16, s31;
	[sflag:s7] =	ssyncadd.s32 $0xFFFF3800  }
0x34: {  	[hbm4b:s14+s2] =	stream.linear.scatter [tilespmem:s6], [sflag:$0x2], $0xC800, $0x38;
	[tilespmem:$0xCB20] =	vst v63  }
0x35: {  	_ =	swait.ge [sflag:s3], $0xC800  }
0x36: {  	s15 =	sadd.s32 $0xFFFFFFFF, s15;
	[sflag:s3] =	ssyncset.done $0x0  }
.LBB2_1:
0x37: {  	p0 =	sne.s32 s15, $0x1;
	s15 =	sadd.s32 $0xFFFFFFFF, s15;
	[sflag:s3] =	ssyncadd.s32 $0xFFFF3800  }
0x38: {  	[tilespmem:s2], [sflag:$0x2] =	stream.linear.gather [hbm4b:s4+s2], $0x320, $0x38;
	[tilespmem:$0xCB20] =	vst v63  }
0x39: {  	_ =	swait.ge [sflag:s3], $0x320  }
0x3a: {  	[sflag:s3] =	ssyncset.done $0x0  }
0x3b: {  	[sflag:s3] =	ssyncadd.s32 $0xFFFFFCE0  }
0x3c: {  	[tilespmem:s6], [sflag:$0x1] =	stream.indirect.gather [hbm4b:s5+s6], $0x40, s2, s6, $0xb8;
	[tilespmem:$0xCB20] =	vst v63  }
0x3d: {  	_ =	swait.ge [sflag:s7], $0xC800  }
0x3e: {  	[sflag:s7] =	ssyncset.done $0x0  }
0x3f: {  	[sflag:s7] =	ssyncadd.s32 $0xFFFF3800  }
0x40: {  	[hbm4b:s8+s2] =	stream.linear.scatter [tilespmem:s6], [sflag:$0x2], $0xC800, $0x38;
	[tilespmem:$0xCB20] =	vst v63  }
0x41: {  	_ =	swait.ge [sflag:s3], $0xC800  }
0x42: {  	[sflag:s3] =	ssyncset.done $0x0  }
0x43: {  	[sflag:s3] =	ssyncadd.s32 $0xFFFF3800  }
0x44: {  	[tilespmem:s2], [sflag:$0x2] =	stream.linear.gather [hbm4b:s9+s2], $0x320, $0x38;
	[tilespmem:$0xCB20] =	vst v63  }
0x45: {  	_ =	swait.ge [sflag:s3], $0x320  }
0x46: {  	[sflag:s3] =	ssyncset.done $0x0  }
0x47: {  	[sflag:s3] =	ssyncadd.s32 $0xFFFFFCE0  }
0x48: {  	[tilespmem:s6], [sflag:$0x1] =	stream.indirect.gather [hbm4b:s5+s6], $0x40, s2, s6, $0xb8;
	[tilespmem:$0xCB20] =	vst v63  }
0x49: {  	_ =	swait.ge [sflag:s7], $0xC800  }
0x4a: {  	[sflag:s7] =	ssyncset.done $0x0  }
0x4b: {  	[sflag:s7] =	ssyncadd.s32 $0xFFFF3800  }
0x4c: {  	[hbm4b:s10+s2] =	stream.linear.scatter [tilespmem:s6], [sflag:$0x2], $0xC800, $0x38;
	[tilespmem:$0xCB20] =	vst v63  }
0x4d: {  	_ =	swait.ge [sflag:s3], $0xC800  }
0x4e: {  	[sflag:s3] =	ssyncset.done $0x0  }
0x4f: {  	[sflag:s3] =	ssyncadd.s32 $0xFFFF3800  }
0x50: {  	[tilespmem:s2], [sflag:$0x2] =	stream.linear.gather [hbm4b:s11+s2], $0x320, $0x38;
	[tilespmem:$0xCB20] =	vst v63  }
0x51: {  	_ =	swait.ge [sflag:s3], $0x320  }
0x52: {  	[sflag:s3] =	ssyncset.done $0x0  }
0x53: {  	[sflag:s3] =	ssyncadd.s32 $0xFFFFFCE0  }
0x54: {  	[tilespmem:s6], [sflag:$0x1] =	stream.indirect.gather [hbm4b:s5+s6], $0x40, s2, s6, $0xb8;
	[tilespmem:$0xCB20] =	vst v63  }
0x55: {  	_ =	swait.ge [sflag:s7], $0xC800  }
0x56: {  	[sflag:s7] =	ssyncset.done $0x0  }
0x57: {  	[sflag:s7] =	ssyncadd.s32 $0xFFFF3800  }
0x58: {  	[hbm4b:s12+s2] =	stream.linear.scatter [tilespmem:s6], [sflag:$0x2], $0xC800, $0x38;
	[tilespmem:$0xCB20] =	vst v63  }
0x59: {  	_ =	swait.ge [sflag:s3], $0xC800  }
0x5a: {  	[sflag:s3] =	ssyncset.done $0x0  }
0x5b: {  	[sflag:s3] =	ssyncadd.s32 $0xFFFF3800  }
0x5c: {  	[tilespmem:s2], [sflag:$0x2] =	stream.linear.gather [hbm4b:s13+s2], $0x320, $0x38;
	[tilespmem:$0xCB20] =	vst v63  }
0x5d: {  	_ =	swait.ge [sflag:s3], $0x320  }
0x5e: {  	[sflag:s3] =	ssyncset.done $0x0  }
0x5f: {  	[sflag:s3] =	ssyncadd.s32 $0xFFFFFCE0  }
0x60: {  	[tilespmem:s6], [sflag:$0x1] =	stream.indirect.gather [hbm4b:s5+s6], $0x40, s2, s6, $0xb8;
	[tilespmem:$0xCB20] =	vst v63  }
0x61: {  	_ =	swait.ge [sflag:s7], $0xC800  }
.Ltmp1:
0x62: {  	[sflag:s7] =	ssyncset.done $0x0;
	(pc) =	sbr.rel @p0 .LBB2_1-.Ltmp1, $4  }
0x63: {  	[sflag:s7] =	ssyncadd.s32 $0xFFFF3800  }
0x64: {  	[hbm4b:s14+s2] =	stream.linear.scatter [tilespmem:s6], [sflag:$0x2], $0xC800, $0x38;
	[tilespmem:$0xCB20] =	vst v63  }
0x65: {  	_ =	swait.ge [sflag:s3], $0xC800  }
0x66: {  	[sflag:s3] =	ssyncset.done $0x0  }
.LBB2_2:
0x67: {  	[sflag:s3] =	ssyncadd.s32 $0xFFFF3800  }
0x68: {  	_ =	sfence.sel $0x180000  }
0x69: {  	[bflag:$0x0] =	sbarrier.arrive $0xFFFF  }
0x6a: {  	p0 =	sne.s32 s0, $0x0;
	_ =	strace $0x9000005C  }
0x6b: {  	s0 =	sadd.s32 @!p0 $0x100000, s1;
	[bflag:$0x2] =	sbarrier.arrive $0xFFFF  }
0x6c: {  	[sflag:s0] =	ssyncadd.tile.s32 @!p0 $0x1;
	_ =	shalt  }
.Lfunc_end2:
_tile_overlayer_lowered:
.L_overlay_start_2:
0x6d: {  	(tag) =	ssettag $0x2  }
0x6e: {  	s0 =	rddreg [dreg:$0x0];
	s2 =	stileid.u32  }
0x6f: {  	s1 =	rddreg [dreg:$0x1];
	p0 =	sne.s32 s2, $0x0  }
0x70: {  	s3 =	rddreg [dreg:$0x2];
	[bflag:$0x3] =	sbarrier.arrive $0xFFFF;
	s2 =	simm.s32 @!p0 $0x1C02  }
0x71: {  	[timem:s3], [sflag:s2] =	dma.local @!p0 [hbm:s0], s1  }
0x72: {  	s0 =	simm.s32 @!p0 $0x2  }
0x73: {  	_ =	swait.ge @!p0 [sflag:s0], s1  }
0x74: {  	s1 =	ssub.s32 @!p0 $0x0, s1;
	[sflag:s0] =	ssyncset.done @!p0 $0x0  }
0x75: {  	[sflag:s0] =	ssyncadd.s32 @!p0 s1  }
0x76: {  	[bflag:$0x3] =	sbarrier.arrive $0xFFFF  }
0x77: {  	_ =	shalt  }

</sc_bundles>
